<compile_context>
chip_gen: v7x
topology: tpu7x:2x2x1
jax: 0.10.2.dev20260603
libtpu: 0.0.44.dev20260713+nightly
codegen_flags: <defaults>
</compile_context>

<pallas_src>
import dataclasses

import jax
import jax.numpy as jnp
from jax import lax
from jax.experimental import pallas as pl
from jax.experimental.pallas import tpu as pltpu
from jax.experimental.pallas import tpu_sc as plsc

_ALPHA = 0.95
_NROF = 100000
_EMB = 128
_BATCH = 16384
_NW = 32
_RPW = 3128
_SUBR = 288
_NSUB = (_RPW + _SUBR - 1) // _SUBR
_CHUNK = 64
_LSTAGE = 2048
_CPY = 128
_IDXB = 14


def _extract_i32(vec, lane):
    i = lax.iota(jnp.int32, 16)
    return jnp.sum(jnp.where(i == lane, vec, 0))


def _body(feat, lbl, cent, lpart, out,
          lstage, matched, sub, fbuf, cbuf, zbuf,
          idxbuf, lblbuf, relbuf, lossv, cpy0, cpy1, acc,
          s_in0, s_in1, s_out0, s_out1):
    sid = lax.axis_index("s")
    wid = sid * 2 + lax.axis_index("c")
    lo = wid * _RPW
    hi = jnp.minimum(lo + _RPW, _NROF)
    rpw = hi - lo
    iota = lax.iota(jnp.int32, 16)

    lossv[...] = jnp.zeros((16,), jnp.float32)

    def _z(t, _):
        for g in range(8):
            zbuf[t, pl.ds(g * 16, 16)] = jnp.zeros((16,), jnp.float32)
        return 0
    lax.fori_loop(0, _CHUNK, _z, 0)

    nfull = rpw // _CPY
    npairs = nfull // 2
    ntail8 = (rpw - nfull * _CPY) // 8

    pltpu.make_async_copy(cent.at[pl.ds(lo, _CPY)], cpy0, s_in0).start()

    def _pair(i, _):
        c0 = lo + (2 * i) * _CPY
        c1 = c0 + _CPY
        pltpu.make_async_copy(cent.at[pl.ds(c0, _CPY)], cpy0, s_in0).wait()
        o0 = pltpu.make_async_copy(cpy0, out.at[pl.ds(c0, _CPY)], s_out0)
        o0.start()
        i1 = pltpu.make_async_copy(cent.at[pl.ds(c1, _CPY)], cpy1, s_in1)
        i1.start()
        o0.wait()
        i1.wait()
        o1 = pltpu.make_async_copy(cpy1, out.at[pl.ds(c1, _CPY)], s_out1)
        o1.start()
        nxt = 2 * i + 2

        @pl.when(nxt < nfull)
        def _():
            pltpu.make_async_copy(
                cent.at[pl.ds(lo + nxt * _CPY, _CPY)], cpy0, s_in0).start()

        o1.wait()
        return 0

    lax.fori_loop(0, npairs, _pair, 0)

    @pl.when(nfull - 2 * npairs == 1)
    def _odd():
        cl = lo + (nfull - 1) * _CPY
        pltpu.make_async_copy(cent.at[pl.ds(cl, _CPY)], cpy0, s_in0).wait()
        pltpu.sync_copy(cpy0, out.at[pl.ds(cl, _CPY)])

    def _t8(t, _):
        r0 = lo + nfull * _CPY + t * 8
        pltpu.sync_copy(cent.at[pl.ds(r0, 8)], cpy0.at[pl.ds(0, 8)])
        pltpu.sync_copy(cpy0.at[pl.ds(0, 8)], out.at[pl.ds(r0, 8)])
        return 0

    lax.fori_loop(0, ntail8, _t8, 0)

    def scan_outer(t, cnt):
        pltpu.sync_copy(lbl.at[pl.ds(t * _LSTAGE, _LSTAGE)], lstage)

        def scan_inner(u, cnt):
            lv = lstage[pl.ds(u * 16, 16)]
            m = (lv >= lo) & (lv < hi)
            mi = m.astype(jnp.int32)
            packed = ((lv - lo) << _IDXB) + (t * _LSTAGE + u * 16) + iota
            pos = cnt + plsc.cumsum(mi) - mi
            plsc.store_scatter(matched, [pos], packed, mask=m)
            return cnt + jnp.sum(mi)

        return lax.fori_loop(0, _LSTAGE // 16, scan_inner, cnt)

    K = lax.fori_loop(0, _BATCH // _LSTAGE, scan_outer, jnp.int32(0))

    accbase = sid * _SUBR

    def sub_body(s, _):
        sub_lo = s * _SUBR
        sub_len = jnp.clip(rpw - sub_lo, 0, _SUBR)
        p_lo = sub_lo << _IDXB
        p_hi = (sub_lo + sub_len) << _IDXB

        def filt(u, kcnt):
            p = matched[pl.ds(u * 16, 16)]
            m = ((u * 16 + iota) < K) & (p >= p_lo) & (p < p_hi)
            mi = m.astype(jnp.int32)
            pos = kcnt + plsc.cumsum(mi) - mi
            plsc.store_scatter(sub, [pos], p, mask=m)
            return kcnt + jnp.sum(mi)

        kcnt = lax.fori_loop(0, (K + 15) // 16, filt, jnp.int32(0))

        li = jnp.maximum(kcnt - 1, 0)
        lastp = _extract_i32(sub[pl.ds((li // 16) * 16, 16)], li % 16)
        nch = (kcnt + _CHUNK - 1) // _CHUNK

        def setup_chunk(ch):
            base = ch * _CHUNK
            for g in range(_CHUNK // 16):
                pv = sub[pl.ds(base + g * 16, 16)]
                gm = (base + g * 16 + iota) < kcnt
                pvp = jnp.where(gm, pv, lastp)
                l = lo + (pvp >> _IDXB)
                lblbuf[0, pl.ds(g * 16, 16)] = l
                idxbuf[0, pl.ds(g * 16, 16)] = pvp & (_BATCH - 1)
                relbuf[0, pl.ds(g * 16, 16)] = l - (lo + sub_lo) + accbase

        def pass_a(ch, _):
            setup_chunk(ch)
            pltpu.sync_copy(zbuf, acc.at[relbuf.at[0]])
            return 0

        lax.fori_loop(0, nch, pass_a, 0)

        def pass_b(ch, _):
            setup_chunk(ch)
            f_cp = pltpu.make_async_copy(feat.at[idxbuf.at[0]], fbuf, s_in0)
            c_cp = pltpu.make_async_copy(cent.at[lblbuf.at[0]], cbuf, s_in1)
            f_cp.start()
            c_cp.start()
            f_cp.wait()
            c_cp.wait()
            base = ch * _CHUNK

            def rows(j, lacc):
                valid = (base + j) < kcnt
                for g in range(8):
                    sl = pl.ds(g * 16, 16)
                    d = fbuf[j, sl] - cbuf[j, sl]
                    d = jnp.where(valid, d, jnp.float32(0.0))
                    fbuf[j, sl] = jnp.float32(1.0 - _ALPHA) * d
                    lacc = lacc + d * d
                return lacc

            lacc = lax.fori_loop(0, _CHUNK, rows, jnp.zeros((16,), jnp.float32))
            lossv[...] = lossv[...] + lacc
            pltpu.sync_copy(fbuf, acc.at[relbuf.at[0]], add=True)
            return 0

        lax.fori_loop(0, nch, pass_b, 0)

        def pass_c(ch, _):
            setup_chunk(ch)
            c_cp = pltpu.make_async_copy(cent.at[lblbuf.at[0]], cbuf, s_in0)
            a_cp = pltpu.make_async_copy(acc.at[relbuf.at[0]], fbuf, s_in1)
            c_cp.start()
            a_cp.start()
            c_cp.wait()
            a_cp.wait()

            def rows(j, _):
                for g in range(8):
                    sl = pl.ds(g * 16, 16)
                    cbuf[j, sl] = cbuf[j, sl] + fbuf[j, sl]
                return 0

            lax.fori_loop(0, _CHUNK, rows, 0)
            pltpu.sync_copy(cbuf, out.at[lblbuf.at[0]])
            return 0

        lax.fori_loop(0, nch, pass_c, 0)
        return 0

    lax.fori_loop(0, _NSUB, sub_body, 0)

    pltpu.sync_copy(lossv, lpart.at[pl.ds(wid * 16, 16)])


def kernel(features, label, centers):
    mesh = plsc.VectorSubcoreMesh(core_axis_name="c", subcore_axis_name="s")
    cp = pltpu.CompilerParams()
    if "needs_layout_passes" in pltpu.CompilerParams.__dataclass_fields__:
        cp = dataclasses.replace(cp, needs_layout_passes=False)
    run = pl.kernel(
        _body,
        compiler_params=cp,
        out_type=[
            jax.ShapeDtypeStruct((_NW * 16,), jnp.float32),
            jax.ShapeDtypeStruct((_NROF, _EMB), jnp.float32),
        ],
        mesh=mesh,
        scratch_types=[
            pltpu.VMEM((_LSTAGE,), jnp.int32),
            pltpu.VMEM((_BATCH + 32,), jnp.int32),
            pltpu.VMEM((_BATCH + 32,), jnp.int32),
            pltpu.VMEM((_CHUNK, _EMB), jnp.float32),
            pltpu.VMEM((_CHUNK, _EMB), jnp.float32),
            pltpu.VMEM((_CHUNK, _EMB), jnp.float32),
            pltpu.VMEM((1, _CHUNK), jnp.int32),
            pltpu.VMEM((1, _CHUNK), jnp.int32),
            pltpu.VMEM((1, _CHUNK), jnp.int32),
            pltpu.VMEM((16,), jnp.float32),
            pltpu.VMEM((_CPY, _EMB), jnp.float32),
            pltpu.VMEM((_CPY, _EMB), jnp.float32),
            pltpu.VMEM_SHARED((16 * _SUBR, _EMB), jnp.float32),
            pltpu.SemaphoreType.DMA,
            pltpu.SemaphoreType.DMA,
            pltpu.SemaphoreType.DMA,
            pltpu.SemaphoreType.DMA,
        ],
    )
    lpart, out = run(features, label.reshape(-1), centers)
    loss = jnp.sum(lpart) * jnp.float32(1.0 / (_BATCH * _EMB))
    return loss, out

# --- scband reference (transcript-rebuilt; emitter-appended) ---
"""Pipeline reference for scband-center-loss-23914377904581 (READ-ONLY COPY).

The authoritative reference and input builder live on the scoring server;
editing this copy changes nothing except your own understanding.
"""

import jax, jax.numpy as jnp
import numpy as np

ALPHA = 0.95
NROF_CLASSES = 100000
EMB = 128
BATCH = 16384


def setup_inputs(seed: int = 0) -> dict:
    key = jax.random.key(seed)
    k1, k2, k3 = jax.random.split(key, 3)
    features = jax.random.normal(k1, (BATCH, EMB), dtype=jnp.float32)
    label = jax.random.randint(k2, (BATCH,), 0, NROF_CLASSES, dtype=jnp.int32)
    # learned/stateful parameter: class centers table [nrof_classes, embedding_size]
    centers = jax.random.normal(k3, (NROF_CLASSES, EMB), dtype=jnp.float32)
    return {"features": features, "label": label, "centers": centers}


def reference(features, label, centers):
    # label = tf.reshape(label, [-1])
    label = jnp.reshape(label, (-1,))
    # centers_batch = tf.gather(centers, label)
    centers_batch = jnp.take(centers, label, axis=0)
    # diff = (1 - alpha) * (centers_batch - features)
    diff = (1.0 - ALPHA) * (centers_batch - features)
    # centers = tf.tensor_scatter_nd_sub(centers, label, diff)  -> scatter-subtract
    new_centers = centers.at[label].add(-diff)
    # loss = reduce_mean(square(features - centers_batch))
    loss = jnp.mean(jnp.square(features - centers_batch))
    return loss, new_centers

if __name__ == "__main__":
    import jax
    _d = setup_inputs()
    print(jax.jit(kernel)(*tuple(_d.values())))

</pallas_src>

<mosaic_0001>
#map = affine_map<(d0, d1) -> (0, 0)>
#map1 = affine_map<(d0, d1) -> (0)>
module attributes {stable_mosaic.version = 14 : i64} {
  func.func @_body(%arg0: i32, %arg1: i32, %arg2: memref<16384x128xf32, #tpu.memory_space<hbm>>, %arg3: memref<16384xi32, #tpu.memory_space<hbm>>, %arg4: memref<100000x128xf32, #tpu.memory_space<hbm>>, %arg5: memref<512xf32, #tpu.memory_space<hbm>>, %arg6: memref<100000x128xf32, #tpu.memory_space<hbm>>, %arg7: memref<2048xi32, #tpu.memory_space<vmem>>, %arg8: memref<16416xi32, #tpu.memory_space<vmem>>, %arg9: memref<16416xi32, #tpu.memory_space<vmem>>, %arg10: memref<64x128xf32, #tpu.memory_space<vmem>>, %arg11: memref<64x128xf32, #tpu.memory_space<vmem>>, %arg12: memref<64x128xf32, #tpu.memory_space<vmem>>, %arg13: memref<1x64xi32, #tpu.memory_space<vmem>>, %arg14: memref<1x64xi32, #tpu.memory_space<vmem>>, %arg15: memref<1x64xi32, #tpu.memory_space<vmem>>, %arg16: memref<16xf32, #tpu.memory_space<vmem>>, %arg17: memref<128x128xf32, #tpu.memory_space<vmem>>, %arg18: memref<128x128xf32, #tpu.memory_space<vmem>>, %arg19: memref<4608x128xf32, #tpu.memory_space<vmem_shared>>, %arg20: memref<!tpu.dma_semaphore, #tpu.memory_space<semaphore_mem>>, %arg21: memref<!tpu.dma_semaphore, #tpu.memory_space<semaphore_mem>>, %arg22: memref<!tpu.dma_semaphore, #tpu.memory_space<semaphore_mem>>, %arg23: memref<!tpu.dma_semaphore, #tpu.memory_space<semaphore_mem>>) attributes {dimension_semantics = [#tpu.dimension_semantics<core_parallel>, #tpu.dimension_semantics<subcore_parallel>], iteration_bounds = array<i64: 2, 16>, scalar_prefetch = 0 : i64, scratch_operands = 17 : i64, tpu.core_type = #tpu.core_type<sc_vector_subcore>, window_params = [{transform_indices = #map}, {transform_indices = #map1}, {transform_indices = #map}, {transform_indices = #map1}, {transform_indices = #map}]} {
    %mul3A = arith.constant 2 : i32
    %mul3A_0 = arith.muli %arg1, %mul3A : i32
    %add3A = arith.addi %mul3A_0, %arg0 : i32
    %mul3A_1 = arith.constant 3128 : i32
    %mul3A_2 = arith.muli %add3A, %mul3A_1 : i32
    %add3A_3 = arith.constant 3128 : i32
    %add3A_4 = arith.addi %mul3A_2, %add3A_3 : i32
    %min3A = arith.constant 100000 : i32
    %min3A_5 = arith.minsi %add3A_4, %min3A : i32
    %sub3A = arith.subi %min3A_5, %mul3A_2 : i32
    %iota3A = tpu.iota {dimensions = array<i32: 0>} : vector<16xi32>
    %broadcast_in_dim3A = arith.constant 0.000000e+00 : f32
    %broadcast_in_dim3A_6 = vector.broadcast %broadcast_in_dim3A : f32 to vector<16xf32>
    %swap3A = arith.constant 0 : index
    %swap3A_7 = tpu.vector_load %arg16[%swap3A] {strides = array<i32>} : memref<16xf32, #tpu.memory_space<vmem>>, vector<16xf32>,
    tpu.vector_store %arg16[%swap3A], %broadcast_in_dim3A_6 {strides = array<i32>} : memref<16xf32, #tpu.memory_space<vmem>>, vector<16xf32>,
    %scan3A = arith.constant 0 : i32
    %scan3A_8 = arith.constant 0 : i32
    %scan3A_9 = arith.constant 64 : i32
    %scan3A_10 = arith.addi %scan3A_8, %scan3A_9 : i32
    %scan3A_11 = arith.constant 1 : i32
    %scan3A_12 = scf.for %scan3A_131 = %scan3A_8 to %scan3A_10 step %scan3A_11 iter_args(%scan3A_132 = %scan3A) -> (i32)  : i32 {
      %broadcast_in_dim3A_133 = arith.constant 0.000000e+00 : f32
      %broadcast_in_dim3A_134 = vector.broadcast %broadcast_in_dim3A_133 : f32 to vector<16xf32>
      %swap3A_135 = arith.index_cast %scan3A_131 : i32 to index
      %swap3A_136 = arith.constant 0 : index
      %swap3A_137 = tpu.vector_load %arg12[%swap3A_135, %swap3A_136] {strides = array<i32>} : memref<64x128xf32, #tpu.memory_space<vmem>>, vector<16xf32>,
      tpu.vector_store %arg12[%swap3A_135, %swap3A_136], %broadcast_in_dim3A_134 {strides = array<i32>} : memref<64x128xf32, #tpu.memory_space<vmem>>, vector<16xf32>,
      %broadcast_in_dim3A_138 = arith.constant 0.000000e+00 : f32
      %broadcast_in_dim3A_139 = vector.broadcast %broadcast_in_dim3A_138 : f32 to vector<16xf32>
      %swap3A_140 = arith.index_cast %scan3A_131 : i32 to index
      %swap3A_141 = arith.constant 16 : index
      %swap3A_142 = tpu.vector_load %arg12[%swap3A_140, %swap3A_141] {strides = array<i32>} : memref<64x128xf32, #tpu.memory_space<vmem>>, vector<16xf32>,
      tpu.vector_store %arg12[%swap3A_140, %swap3A_141], %broadcast_in_dim3A_139 {strides = array<i32>} : memref<64x128xf32, #tpu.memory_space<vmem>>, vector<16xf32>,
      %broadcast_in_dim3A_143 = arith.constant 0.000000e+00 : f32
      %broadcast_in_dim3A_144 = vector.broadcast %broadcast_in_dim3A_143 : f32 to vector<16xf32>
      %swap3A_145 = arith.index_cast %scan3A_131 : i32 to index
      %swap3A_146 = arith.constant 32 : index
      %swap3A_147 = tpu.vector_load %arg12[%swap3A_145, %swap3A_146] {strides = array<i32>} : memref<64x128xf32, #tpu.memory_space<vmem>>, vector<16xf32>,
      tpu.vector_store %arg12[%swap3A_145, %swap3A_146], %broadcast_in_dim3A_144 {strides = array<i32>} : memref<64x128xf32, #tpu.memory_space<vmem>>, vector<16xf32>,
      %broadcast_in_dim3A_148 = arith.constant 0.000000e+00 : f32
      %broadcast_in_dim3A_149 = vector.broadcast %broadcast_in_dim3A_148 : f32 to vector<16xf32>
      %swap3A_150 = arith.index_cast %scan3A_131 : i32 to index
      %swap3A_151 = arith.constant 48 : index
      %swap3A_152 = tpu.vector_load %arg12[%swap3A_150, %swap3A_151] {strides = array<i32>} : memref<64x128xf32, #tpu.memory_space<vmem>>, vector<16xf32>,
      tpu.vector_store %arg12[%swap3A_150, %swap3A_151], %broadcast_in_dim3A_149 {strides = array<i32>} : memref<64x128xf32, #tpu.memory_space<vmem>>, vector<16xf32>,
      %broadcast_in_dim3A_153 = arith.constant 0.000000e+00 : f32
      %broadcast_in_dim3A_154 = vector.broadcast %broadcast_in_dim3A_153 : f32 to vector<16xf32>
      %swap3A_155 = arith.index_cast %scan3A_131 : i32 to index
      %swap3A_156 = arith.constant 64 : index
      %swap3A_157 = tpu.vector_load %arg12[%swap3A_155, %swap3A_156] {strides = array<i32>} : memref<64x128xf32, #tpu.memory_space<vmem>>, vector<16xf32>,
      tpu.vector_store %arg12[%swap3A_155, %swap3A_156], %broadcast_in_dim3A_154 {strides = array<i32>} : memref<64x128xf32, #tpu.memory_space<vmem>>, vector<16xf32>,
      %broadcast_in_dim3A_158 = arith.constant 0.000000e+00 : f32
      %broadcast_in_dim3A_159 = vector.broadcast %broadcast_in_dim3A_158 : f32 to vector<16xf32>
      %swap3A_160 = arith.index_cast %scan3A_131 : i32 to index
      %swap3A_161 = arith.constant 80 : index
      %swap3A_162 = tpu.vector_load %arg12[%swap3A_160, %swap3A_161] {strides = array<i32>} : memref<64x128xf32, #tpu.memory_space<vmem>>, vector<16xf32>,
      tpu.vector_store %arg12[%swap3A_160, %swap3A_161], %broadcast_in_dim3A_159 {strides = array<i32>} : memref<64x128xf32, #tpu.memory_space<vmem>>, vector<16xf32>,
      %broadcast_in_dim3A_163 = arith.constant 0.000000e+00 : f32
      %broadcast_in_dim3A_164 = vector.broadcast %broadcast_in_dim3A_163 : f32 to vector<16xf32>
      %swap3A_165 = arith.index_cast %scan3A_131 : i32 to index
      %swap3A_166 = arith.constant 96 : index
      %swap3A_167 = tpu.vector_load %arg12[%swap3A_165, %swap3A_166] {strides = array<i32>} : memref<64x128xf32, #tpu.memory_space<vmem>>, vector<16xf32>,
      tpu.vector_store %arg12[%swap3A_165, %swap3A_166], %broadcast_in_dim3A_164 {strides = array<i32>} : memref<64x128xf32, #tpu.memory_space<vmem>>, vector<16xf32>,
      %broadcast_in_dim3A_168 = arith.constant 0.000000e+00 : f32
      %broadcast_in_dim3A_169 = vector.broadcast %broadcast_in_dim3A_168 : f32 to vector<16xf32>
      %swap3A_170 = arith.index_cast %scan3A_131 : i32 to index
      %swap3A_171 = arith.constant 112 : index
      %swap3A_172 = tpu.vector_load %arg12[%swap3A_170, %swap3A_171] {strides = array<i32>} : memref<64x128xf32, #tpu.memory_space<vmem>>, vector<16xf32>,
      tpu.vector_store %arg12[%swap3A_170, %swap3A_171], %broadcast_in_dim3A_169 {strides = array<i32>} : memref<64x128xf32, #tpu.memory_space<vmem>>, vector<16xf32>,
      %scan3A_173 = arith.constant 0 : i32
      scf.yield %scan3A_173 : i32
    }
    %scan3A_13 = arith.constant 64 : i32
    %jit3A = arith.constant 128 : i32
    %div3A = arith.divsi %sub3A, %jit3A : i32
    %sign3A = arith.constant 0 : i32
    %sign3A_14 = arith.cmpi sgt, %sub3A, %sign3A : i32
    %sign3A_15 = arith.extui %sign3A_14 : i1 to i32
    %sign3A_16 = arith.constant 0 : i32
    %sign3A_17 = arith.cmpi slt, %sub3A, %sign3A_16 : i32
    %sign3A_18 = arith.extui %sign3A_17 : i1 to i32
    %sign3A_19 = arith.subi %sign3A_15, %sign3A_18 : i32
    %sign3A_20 = arith.constant 0 : i32
    %sign3A_21 = arith.cmpi sgt, %jit3A, %sign3A_20 : i32
    %sign3A_22 = arith.extui %sign3A_21 : i1 to i32
    %sign3A_23 = arith.constant 0 : i32
    %sign3A_24 = arith.cmpi slt, %jit3A, %sign3A_23 : i32
    %sign3A_25 = arith.extui %sign3A_24 : i1 to i32
    %sign3A_26 = arith.subi %sign3A_22, %sign3A_25 : i32
    %ne3A = arith.cmpi ne, %sign3A_19, %sign3A_26 : i32
    %rem3A = arith.remsi %sub3A, %jit3A : i32
    %ne3A_27 = arith.constant 0 : i32
    %ne3A_28 = arith.cmpi ne, %rem3A, %ne3A_27 : i32
    %and3A = arith.andi %ne3A, %ne3A_28 : i1
    %sub3A_29 = arith.constant 1 : i32
    %sub3A_30 = arith.subi %div3A, %sub3A_29 : i32
    %select_n3A = arith.select %and3A, %sub3A_30, %div3A : i32
    %jit3A_31 = arith.constant 2 : i32
    %div3A_32 = arith.divsi %select_n3A, %jit3A_31 : i32
    %sign3A_33 = arith.constant 0 : i32
    %sign3A_34 = arith.cmpi sgt, %select_n3A, %sign3A_33 : i32
    %sign3A_35 = arith.extui %sign3A_34 : i1 to i32
    %sign3A_36 = arith.constant 0 : i32
    %sign3A_37 = arith.cmpi slt, %select_n3A, %sign3A_36 : i32
    %sign3A_38 = arith.extui %sign3A_37 : i1 to i32
    %sign3A_39 = arith.subi %sign3A_35, %sign3A_38 : i32
    %sign3A_40 = arith.constant 0 : i32
    %sign3A_41 = arith.cmpi sgt, %jit3A_31, %sign3A_40 : i32
    %sign3A_42 = arith.extui %sign3A_41 : i1 to i32
    %sign3A_43 = arith.constant 0 : i32
    %sign3A_44 = arith.cmpi slt, %jit3A_31, %sign3A_43 : i32
    %sign3A_45 = arith.extui %sign3A_44 : i1 to i32
    %sign3A_46 = arith.subi %sign3A_42, %sign3A_45 : i32
    %ne3A_47 = arith.cmpi ne, %sign3A_39, %sign3A_46 : i32
    %rem3A_48 = arith.remsi %select_n3A, %jit3A_31 : i32
    %ne3A_49 = arith.constant 0 : i32
    %ne3A_50 = arith.cmpi ne, %rem3A_48, %ne3A_49 : i32
    %and3A_51 = arith.andi %ne3A_47, %ne3A_50 : i1
    %sub3A_52 = arith.constant 1 : i32
    %sub3A_53 = arith.subi %div3A_32, %sub3A_52 : i32
    %select_n3A_54 = arith.select %and3A_51, %sub3A_53, %div3A_32 : i32
    %mul3A_55 = arith.constant 128 : i32
    %mul3A_56 = arith.muli %select_n3A, %mul3A_55 : i32
    %sub3A_57 = arith.subi %sub3A, %mul3A_56 : i32
    %jit3A_58 = arith.constant 8 : i32
    %div3A_59 = arith.divsi %sub3A_57, %jit3A_58 : i32
    %sign3A_60 = arith.constant 0 : i32
    %sign3A_61 = arith.cmpi sgt, %sub3A_57, %sign3A_60 : i32
    %sign3A_62 = arith.extui %sign3A_61 : i1 to i32
    %sign3A_63 = arith.constant 0 : i32
    %sign3A_64 = arith.cmpi slt, %sub3A_57, %sign3A_63 : i32
    %sign3A_65 = arith.extui %sign3A_64 : i1 to i32
    %sign3A_66 = arith.subi %sign3A_62, %sign3A_65 : i32
    %sign3A_67 = arith.constant 0 : i32
    %sign3A_68 = arith.cmpi sgt, %jit3A_58, %sign3A_67 : i32
    %sign3A_69 = arith.extui %sign3A_68 : i1 to i32
    %sign3A_70 = arith.constant 0 : i32
    %sign3A_71 = arith.cmpi slt, %jit3A_58, %sign3A_70 : i32
    %sign3A_72 = arith.extui %sign3A_71 : i1 to i32
    %sign3A_73 = arith.subi %sign3A_69, %sign3A_72 : i32
    %ne3A_74 = arith.cmpi ne, %sign3A_66, %sign3A_73 : i32
    %rem3A_75 = arith.remsi %sub3A_57, %jit3A_58 : i32
    %ne3A_76 = arith.constant 0 : i32
    %ne3A_77 = arith.cmpi ne, %rem3A_75, %ne3A_76 : i32
    %and3A_78 = arith.andi %ne3A_74, %ne3A_77 : i1
    %sub3A_79 = arith.constant 1 : i32
    %sub3A_80 = arith.subi %div3A_59, %sub3A_79 : i32
    %select_n3A_81 = arith.select %and3A_78, %sub3A_80, %div3A_59 : i32
    %dma_start3A = arith.constant 0 : i32
    %dma_start3A_82 = tpu.memref_slice %arg4[%mul3A_2, %dma_start3A] : memref<100000x128xf32, #tpu.memory_space<hbm>> -> memref<128x128xf32, #tpu.memory_space<hbm>>
    %dma_start3A_83 = arith.constant 0 : i32
    %dma_start3A_84 = tpu.memref_slice %arg4[%mul3A_2, %dma_start3A_83] : memref<100000x128xf32, #tpu.memory_space<hbm>> -> memref<128x128xf32, #tpu.memory_space<hbm>>
    tpu.enqueue_dma source(%dma_start3A_84 : memref<128x128xf32, #tpu.memory_space<hbm>>) target(%arg17 : memref<128x128xf32, #tpu.memory_space<vmem>>) target_semaphore(%arg20 : memref<!tpu.dma_semaphore, #tpu.memory_space<semaphore_mem>>)
    %while3A = arith.constant 0 : i32
    %while3A_85 = arith.constant 0 : i32
    %while3A_86 = arith.subi %select_n3A_54, %while3A : i32
    %while3A_87 = arith.addi %while3A, %while3A_86 : i32
    %while3A_88 = arith.constant 1 : i32
    %while3A_89 = arith.divsi %while3A_86, %while3A_88 : i32
    %while3A_90 = arith.muli %while3A_89, %while3A_88 : i32
    %while3A_91 = arith.addi %while3A, %while3A_90 : i32
    %while3A_92 = arith.constant 1 : i32
    %while3A_93 = scf.for %while3A_131 = %while3A to %while3A_91 step %while3A_92 iter_args(%while3A_132 = %while3A_85) -> (i32)  : i32 {
      %mul3A_133 = arith.constant 2 : i32
      %mul3A_134 = arith.muli %mul3A_133, %while3A_131 : i32
      %mul3A_135 = arith.constant 128 : i32
      %mul3A_136 = arith.muli %mul3A_134, %mul3A_135 : i32
      %add3A_137 = arith.addi %mul3A_2, %mul3A_136 : i32
      %add3A_138 = arith.constant 128 : i32
      %add3A_139 = arith.addi %add3A_137, %add3A_138 : i32
      %dma_wait3A = arith.constant 0 : i32
      %dma_wait3A_140 = tpu.memref_slice %arg4[%add3A_137, %dma_wait3A] : memref<100000x128xf32, #tpu.memory_space<hbm>> -> memref<128x128xf32, #tpu.memory_space<hbm>>
      %dma_wait3A_141 = arith.constant 0 : i32
      %dma_wait3A_142 = tpu.memref_slice %arg4[%add3A_137, %dma_wait3A_141] : memref<100000x128xf32, #tpu.memory_space<hbm>> -> memref<128x128xf32, #tpu.memory_space<hbm>>
      tpu.wait_dma2 semaphore(%arg20 : memref<!tpu.dma_semaphore, #tpu.memory_space<semaphore_mem>>) src(%dma_wait3A_142 : memref<128x128xf32, #tpu.memory_space<hbm>>) dst(%arg17 : memref<128x128xf32, #tpu.memory_space<vmem>>)
      %dma_start3A_143 = arith.constant 0 : i32
      %dma_start3A_144 = tpu.memref_slice %arg6[%add3A_137, %dma_start3A_143] : memref<100000x128xf32, #tpu.memory_space<hbm>> -> memref<128x128xf32, #tpu.memory_space<hbm>>
      %dma_start3A_145 = arith.constant 0 : i32
      %dma_start3A_146 = tpu.memref_slice %arg6[%add3A_137, %dma_start3A_145] : memref<100000x128xf32, #tpu.memory_space<hbm>> -> memref<128x128xf32, #tpu.memory_space<hbm>>
      tpu.enqueue_dma source(%arg17 : memref<128x128xf32, #tpu.memory_space<vmem>>) target(%dma_start3A_146 : memref<128x128xf32, #tpu.memory_space<hbm>>) target_semaphore(%arg22 : memref<!tpu.dma_semaphore, #tpu.memory_space<semaphore_mem>>)
      %dma_start3A_147 = arith.constant 0 : i32
      %dma_start3A_148 = tpu.memref_slice %arg4[%add3A_139, %dma_start3A_147] : memref<100000x128xf32, #tpu.memory_space<hbm>> -> memref<128x128xf32, #tpu.memory_space<hbm>>
      %dma_start3A_149 = arith.constant 0 : i32
      %dma_start3A_150 = tpu.memref_slice %arg4[%add3A_139, %dma_start3A_149] : memref<100000x128xf32, #tpu.memory_space<hbm>> -> memref<128x128xf32, #tpu.memory_space<hbm>>
      tpu.enqueue_dma source(%dma_start3A_150 : memref<128x128xf32, #tpu.memory_space<hbm>>) target(%arg18 : memref<128x128xf32, #tpu.memory_space<vmem>>) target_semaphore(%arg21 : memref<!tpu.dma_semaphore, #tpu.memory_space<semaphore_mem>>)
      %dma_wait3A_151 = arith.constant 0 : i32
      %dma_wait3A_152 = tpu.memref_slice %arg6[%add3A_137, %dma_wait3A_151] : memref<100000x128xf32, #tpu.memory_space<hbm>> -> memref<128x128xf32, #tpu.memory_space<hbm>>
      %dma_wait3A_153 = arith.constant 0 : i32
      %dma_wait3A_154 = tpu.memref_slice %arg6[%add3A_137, %dma_wait3A_153] : memref<100000x128xf32, #tpu.memory_space<hbm>> -> memref<128x128xf32, #tpu.memory_space<hbm>>
      tpu.wait_dma2 semaphore(%arg22 : memref<!tpu.dma_semaphore, #tpu.memory_space<semaphore_mem>>) src(%arg17 : memref<128x128xf32, #tpu.memory_space<vmem>>) dst(%dma_wait3A_154 : memref<128x128xf32, #tpu.memory_space<hbm>>)
      %dma_wait3A_155 = arith.constant 0 : i32
      %dma_wait3A_156 = tpu.memref_slice %arg4[%add3A_139, %dma_wait3A_155] : memref<100000x128xf32, #tpu.memory_space<hbm>> -> memref<128x128xf32, #tpu.memory_space<hbm>>
      %dma_wait3A_157 = arith.constant 0 : i32
      %dma_wait3A_158 = tpu.memref_slice %arg4[%add3A_139, %dma_wait3A_157] : memref<100000x128xf32, #tpu.memory_space<hbm>> -> memref<128x128xf32, #tpu.memory_space<hbm>>
      tpu.wait_dma2 semaphore(%arg21 : memref<!tpu.dma_semaphore, #tpu.memory_space<semaphore_mem>>) src(%dma_wait3A_158 : memref<128x128xf32, #tpu.memory_space<hbm>>) dst(%arg18 : memref<128x128xf32, #tpu.memory_space<vmem>>)
      %dma_start3A_159 = arith.constant 0 : i32
      %dma_start3A_160 = tpu.memref_slice %arg6[%add3A_139, %dma_start3A_159] : memref<100000x128xf32, #tpu.memory_space<hbm>> -> memref<128x128xf32, #tpu.memory_space<hbm>>
      %dma_start3A_161 = arith.constant 0 : i32
      %dma_start3A_162 = tpu.memref_slice %arg6[%add3A_139, %dma_start3A_161] : memref<100000x128xf32, #tpu.memory_space<hbm>> -> memref<128x128xf32, #tpu.memory_space<hbm>>
      tpu.enqueue_dma source(%arg18 : memref<128x128xf32, #tpu.memory_space<vmem>>) target(%dma_start3A_162 : memref<128x128xf32, #tpu.memory_space<hbm>>) target_semaphore(%arg23 : memref<!tpu.dma_semaphore, #tpu.memory_space<semaphore_mem>>)
      %mul3A_163 = arith.constant 2 : i32
      %mul3A_164 = arith.muli %mul3A_163, %while3A_131 : i32
      %add3A_165 = arith.constant 2 : i32
      %add3A_166 = arith.addi %mul3A_164, %add3A_165 : i32
      %lt3A = arith.cmpi slt, %add3A_166, %select_n3A : i32
      %convert_element_type3A_167 = arith.extui %lt3A : i1 to i32
      %cond3A_168 = arith.constant 0 : i32
      %cond3A_169 = arith.cmpi ne, %convert_element_type3A_167, %cond3A_168 : i32
      scf.if %cond3A_169 {
        %mul3A_175 = arith.constant 128 : i32
        %mul3A_176 = arith.muli %add3A_166, %mul3A_175 : i32
        %add3A_177 = arith.addi %mul3A_2, %mul3A_176 : i32
        %dma_start3A_178 = arith.constant 0 : i32
        %dma_start3A_179 = tpu.memref_slice %arg4[%add3A_177, %dma_start3A_178] : memref<100000x128xf32, #tpu.memory_space<hbm>> -> memref<128x128xf32, #tpu.memory_space<hbm>>
        %dma_start3A_180 = arith.constant 0 : i32
        %dma_start3A_181 = tpu.memref_slice %arg4[%add3A_177, %dma_start3A_180] : memref<100000x128xf32, #tpu.memory_space<hbm>> -> memref<128x128xf32, #tpu.memory_space<hbm>>
        tpu.enqueue_dma source(%dma_start3A_181 : memref<128x128xf32, #tpu.memory_space<hbm>>) target(%arg17 : memref<128x128xf32, #tpu.memory_space<vmem>>) target_semaphore(%arg20 : memref<!tpu.dma_semaphore, #tpu.memory_space<semaphore_mem>>)
      } else {
      }
      %dma_wait3A_170 = arith.constant 0 : i32
      %dma_wait3A_171 = tpu.memref_slice %arg6[%add3A_139, %dma_wait3A_170] : memref<100000x128xf32, #tpu.memory_space<hbm>> -> memref<128x128xf32, #tpu.memory_space<hbm>>
      %dma_wait3A_172 = arith.constant 0 : i32
      %dma_wait3A_173 = tpu.memref_slice %arg6[%add3A_139, %dma_wait3A_172] : memref<100000x128xf32, #tpu.memory_space<hbm>> -> memref<128x128xf32, #tpu.memory_space<hbm>>
      tpu.wait_dma2 semaphore(%arg23 : memref<!tpu.dma_semaphore, #tpu.memory_space<semaphore_mem>>) src(%arg18 : memref<128x128xf32, #tpu.memory_space<vmem>>) dst(%dma_wait3A_173 : memref<128x128xf32, #tpu.memory_space<hbm>>)
      %while3A_174 = arith.constant 0 : i32
      scf.yield %while3A_174 : i32
    }
    %while3A_94 = arith.constant 1 : i32
    %while3A_95 = scf.for %while3A_131 = %while3A_91 to %while3A_87 step %while3A_94 iter_args(%while3A_132 = %while3A_93) -> (i32)  : i32 {
      %mul3A_133 = arith.constant 2 : i32
      %mul3A_134 = arith.muli %mul3A_133, %while3A_131 : i32
      %mul3A_135 = arith.constant 128 : i32
      %mul3A_136 = arith.muli %mul3A_134, %mul3A_135 : i32
      %add3A_137 = arith.addi %mul3A_2, %mul3A_136 : i32
      %add3A_138 = arith.constant 128 : i32
      %add3A_139 = arith.addi %add3A_137, %add3A_138 : i32
      %dma_wait3A = arith.constant 0 : i32
      %dma_wait3A_140 = tpu.memref_slice %arg4[%add3A_137, %dma_wait3A] : memref<100000x128xf32, #tpu.memory_space<hbm>> -> memref<128x128xf32, #tpu.memory_space<hbm>>
      %dma_wait3A_141 = arith.constant 0 : i32
      %dma_wait3A_142 = tpu.memref_slice %arg4[%add3A_137, %dma_wait3A_141] : memref<100000x128xf32, #tpu.memory_space<hbm>> -> memref<128x128xf32, #tpu.memory_space<hbm>>
      tpu.wait_dma2 semaphore(%arg20 : memref<!tpu.dma_semaphore, #tpu.memory_space<semaphore_mem>>) src(%dma_wait3A_142 : memref<128x128xf32, #tpu.memory_space<hbm>>) dst(%arg17 : memref<128x128xf32, #tpu.memory_space<vmem>>)
      %dma_start3A_143 = arith.constant 0 : i32
      %dma_start3A_144 = tpu.memref_slice %arg6[%add3A_137, %dma_start3A_143] : memref<100000x128xf32, #tpu.memory_space<hbm>> -> memref<128x128xf32, #tpu.memory_space<hbm>>
      %dma_start3A_145 = arith.constant 0 : i32
      %dma_start3A_146 = tpu.memref_slice %arg6[%add3A_137, %dma_start3A_145] : memref<100000x128xf32, #tpu.memory_space<hbm>> -> memref<128x128xf32, #tpu.memory_space<hbm>>
      tpu.enqueue_dma source(%arg17 : memref<128x128xf32, #tpu.memory_space<vmem>>) target(%dma_start3A_146 : memref<128x128xf32, #tpu.memory_space<hbm>>) target_semaphore(%arg22 : memref<!tpu.dma_semaphore, #tpu.memory_space<semaphore_mem>>)
      %dma_start3A_147 = arith.constant 0 : i32
      %dma_start3A_148 = tpu.memref_slice %arg4[%add3A_139, %dma_start3A_147] : memref<100000x128xf32, #tpu.memory_space<hbm>> -> memref<128x128xf32, #tpu.memory_space<hbm>>
      %dma_start3A_149 = arith.constant 0 : i32
      %dma_start3A_150 = tpu.memref_slice %arg4[%add3A_139, %dma_start3A_149] : memref<100000x128xf32, #tpu.memory_space<hbm>> -> memref<128x128xf32, #tpu.memory_space<hbm>>
      tpu.enqueue_dma source(%dma_start3A_150 : memref<128x128xf32, #tpu.memory_space<hbm>>) target(%arg18 : memref<128x128xf32, #tpu.memory_space<vmem>>) target_semaphore(%arg21 : memref<!tpu.dma_semaphore, #tpu.memory_space<semaphore_mem>>)
      %dma_wait3A_151 = arith.constant 0 : i32
      %dma_wait3A_152 = tpu.memref_slice %arg6[%add3A_137, %dma_wait3A_151] : memref<100000x128xf32, #tpu.memory_space<hbm>> -> memref<128x128xf32, #tpu.memory_space<hbm>>
      %dma_wait3A_153 = arith.constant 0 : i32
      %dma_wait3A_154 = tpu.memref_slice %arg6[%add3A_137, %dma_wait3A_153] : memref<100000x128xf32, #tpu.memory_space<hbm>> -> memref<128x128xf32, #tpu.memory_space<hbm>>
      tpu.wait_dma2 semaphore(%arg22 : memref<!tpu.dma_semaphore, #tpu.memory_space<semaphore_mem>>) src(%arg17 : memref<128x128xf32, #tpu.memory_space<vmem>>) dst(%dma_wait3A_154 : memref<128x128xf32, #tpu.memory_space<hbm>>)
      %dma_wait3A_155 = arith.constant 0 : i32
      %dma_wait3A_156 = tpu.memref_slice %arg4[%add3A_139, %dma_wait3A_155] : memref<100000x128xf32, #tpu.memory_space<hbm>> -> memref<128x128xf32, #tpu.memory_space<hbm>>
      %dma_wait3A_157 = arith.constant 0 : i32
      %dma_wait3A_158 = tpu.memref_slice %arg4[%add3A_139, %dma_wait3A_157] : memref<100000x128xf32, #tpu.memory_space<hbm>> -> memref<128x128xf32, #tpu.memory_space<hbm>>
      tpu.wait_dma2 semaphore(%arg21 : memref<!tpu.dma_semaphore, #tpu.memory_space<semaphore_mem>>) src(%dma_wait3A_158 : memref<128x128xf32, #tpu.memory_space<hbm>>) dst(%arg18 : memref<128x128xf32, #tpu.memory_space<vmem>>)
      %dma_start3A_159 = arith.constant 0 : i32
      %dma_start3A_160 = tpu.memref_slice %arg6[%add3A_139, %dma_start3A_159] : memref<100000x128xf32, #tpu.memory_space<hbm>> -> memref<128x128xf32, #tpu.memory_space<hbm>>
      %dma_start3A_161 = arith.constant 0 : i32
      %dma_start3A_162 = tpu.memref_slice %arg6[%add3A_139, %dma_start3A_161] : memref<100000x128xf32, #tpu.memory_space<hbm>> -> memref<128x128xf32, #tpu.memory_space<hbm>>
      tpu.enqueue_dma source(%arg18 : memref<128x128xf32, #tpu.memory_space<vmem>>) target(%dma_start3A_162 : memref<128x128xf32, #tpu.memory_space<hbm>>) target_semaphore(%arg23 : memref<!tpu.dma_semaphore, #tpu.memory_space<semaphore_mem>>)
      %mul3A_163 = arith.constant 2 : i32
      %mul3A_164 = arith.muli %mul3A_163, %while3A_131 : i32
      %add3A_165 = arith.constant 2 : i32
      %add3A_166 = arith.addi %mul3A_164, %add3A_165 : i32
      %lt3A = arith.cmpi slt, %add3A_166, %select_n3A : i32
      %convert_element_type3A_167 = arith.extui %lt3A : i1 to i32
      %cond3A_168 = arith.constant 0 : i32
      %cond3A_169 = arith.cmpi ne, %convert_element_type3A_167, %cond3A_168 : i32
      scf.if %cond3A_169 {
        %mul3A_175 = arith.constant 128 : i32
        %mul3A_176 = arith.muli %add3A_166, %mul3A_175 : i32
        %add3A_177 = arith.addi %mul3A_2, %mul3A_176 : i32
        %dma_start3A_178 = arith.constant 0 : i32
        %dma_start3A_179 = tpu.memref_slice %arg4[%add3A_177, %dma_start3A_178] : memref<100000x128xf32, #tpu.memory_space<hbm>> -> memref<128x128xf32, #tpu.memory_space<hbm>>
        %dma_start3A_180 = arith.constant 0 : i32
        %dma_start3A_181 = tpu.memref_slice %arg4[%add3A_177, %dma_start3A_180] : memref<100000x128xf32, #tpu.memory_space<hbm>> -> memref<128x128xf32, #tpu.memory_space<hbm>>
        tpu.enqueue_dma source(%dma_start3A_181 : memref<128x128xf32, #tpu.memory_space<hbm>>) target(%arg17 : memref<128x128xf32, #tpu.memory_space<vmem>>) target_semaphore(%arg20 : memref<!tpu.dma_semaphore, #tpu.memory_space<semaphore_mem>>)
      } else {
      }
      %dma_wait3A_170 = arith.constant 0 : i32
      %dma_wait3A_171 = tpu.memref_slice %arg6[%add3A_139, %dma_wait3A_170] : memref<100000x128xf32, #tpu.memory_space<hbm>> -> memref<128x128xf32, #tpu.memory_space<hbm>>
      %dma_wait3A_172 = arith.constant 0 : i32
      %dma_wait3A_173 = tpu.memref_slice %arg6[%add3A_139, %dma_wait3A_172] : memref<100000x128xf32, #tpu.memory_space<hbm>> -> memref<128x128xf32, #tpu.memory_space<hbm>>
      tpu.wait_dma2 semaphore(%arg23 : memref<!tpu.dma_semaphore, #tpu.memory_space<semaphore_mem>>) src(%arg18 : memref<128x128xf32, #tpu.memory_space<vmem>>) dst(%dma_wait3A_173 : memref<128x128xf32, #tpu.memory_space<hbm>>)
      %while3A_174 = arith.constant 0 : i32
      scf.yield %while3A_174 : i32
    }
    %mul3A_96 = arith.constant 2 : i32
    %mul3A_97 = arith.muli %mul3A_96, %select_n3A_54 : i32
    %sub3A_98 = arith.subi %select_n3A, %mul3A_97 : i32
    %eq3A = arith.constant 1 : i32
    %eq3A_99 = arith.cmpi eq, %sub3A_98, %eq3A : i32
    %convert_element_type3A = arith.extui %eq3A_99 : i1 to i32
    %cond3A = arith.constant 0 : i32
    %cond3A_100 = arith.cmpi ne, %convert_element_type3A, %cond3A : i32
    scf.if %cond3A_100 {
      %sub3A_131 = arith.constant 1 : i32
      %sub3A_132 = arith.subi %select_n3A, %sub3A_131 : i32
      %mul3A_133 = arith.constant 128 : i32
      %mul3A_134 = arith.muli %sub3A_132, %mul3A_133 : i32
      %add3A_135 = arith.addi %mul3A_2, %mul3A_134 : i32
      %dma_wait3A = arith.constant 0 : i32
      %dma_wait3A_136 = tpu.memref_slice %arg4[%add3A_135, %dma_wait3A] : memref<100000x128xf32, #tpu.memory_space<hbm>> -> memref<128x128xf32, #tpu.memory_space<hbm>>
      %dma_wait3A_137 = arith.constant 0 : i32
      %dma_wait3A_138 = tpu.memref_slice %arg4[%add3A_135, %dma_wait3A_137] : memref<100000x128xf32, #tpu.memory_space<hbm>> -> memref<128x128xf32, #tpu.memory_space<hbm>>
      tpu.wait_dma2 semaphore(%arg20 : memref<!tpu.dma_semaphore, #tpu.memory_space<semaphore_mem>>) src(%dma_wait3A_138 : memref<128x128xf32, #tpu.memory_space<hbm>>) dst(%arg17 : memref<128x128xf32, #tpu.memory_space<vmem>>)
      "tpu.region"() ({
        %run_scoped3A = tpu.sem_alloc : memref<!tpu.dma_semaphore, #tpu.memory_space<semaphore_mem>>
        %dma_start3A_139 = arith.constant 0 : i32
        %dma_start3A_140 = tpu.memref_slice %arg6[%add3A_135, %dma_start3A_139] : memref<100000x128xf32, #tpu.memory_space<hbm>> -> memref<128x128xf32, #tpu.memory_space<hbm>>
        %dma_start3A_141 = arith.constant 0 : i32
        %dma_start3A_142 = tpu.memref_slice %arg6[%add3A_135, %dma_start3A_141] : memref<100000x128xf32, #tpu.memory_space<hbm>> -> memref<128x128xf32, #tpu.memory_space<hbm>>
        tpu.enqueue_dma source(%arg17 : memref<128x128xf32, #tpu.memory_space<vmem>>) target(%dma_start3A_142 : memref<128x128xf32, #tpu.memory_space<hbm>>) target_semaphore(%run_scoped3A : memref<!tpu.dma_semaphore, #tpu.memory_space<semaphore_mem>>)
        %dma_wait3A_143 = arith.constant 0 : i32
        %dma_wait3A_144 = tpu.memref_slice %arg6[%add3A_135, %dma_wait3A_143] : memref<100000x128xf32, #tpu.memory_space<hbm>> -> memref<128x128xf32, #tpu.memory_space<hbm>>
        %dma_wait3A_145 = arith.constant 0 : i32
        %dma_wait3A_146 = tpu.memref_slice %arg6[%add3A_135, %dma_wait3A_145] : memref<100000x128xf32, #tpu.memory_space<hbm>> -> memref<128x128xf32, #tpu.memory_space<hbm>>
        tpu.wait_dma2 semaphore(%run_scoped3A : memref<!tpu.dma_semaphore, #tpu.memory_space<semaphore_mem>>) src(%arg17 : memref<128x128xf32, #tpu.memory_space<vmem>>) dst(%dma_wait3A_146 : memref<128x128xf32, #tpu.memory_space<hbm>>)
        tpu.yield
      }) : () -> ()
    } else {
    }
    %while3A_101 = arith.constant 0 : i32
    %while3A_102 = arith.constant 0 : i32
    %while3A_103 = arith.subi %select_n3A_81, %while3A_101 : i32
    %while3A_104 = arith.addi %while3A_101, %while3A_103 : i32
    %while3A_105 = arith.constant 1 : i32
    %while3A_106 = arith.divsi %while3A_103, %while3A_105 : i32
    %while3A_107 = arith.muli %while3A_106, %while3A_105 : i32
    %while3A_108 = arith.addi %while3A_101, %while3A_107 : i32
    %while3A_109 = arith.constant 1 : i32
    %while3A_110 = scf.for %while3A_131 = %while3A_101 to %while3A_108 step %while3A_109 iter_args(%while3A_132 = %while3A_102) -> (i32)  : i32 {
      %mul3A_133 = arith.constant 128 : i32
      %mul3A_134 = arith.muli %select_n3A, %mul3A_133 : i32
      %add3A_135 = arith.addi %mul3A_2, %mul3A_134 : i32
      %mul3A_136 = arith.constant 8 : i32
      %mul3A_137 = arith.muli %while3A_131, %mul3A_136 : i32
      %add3A_138 = arith.addi %add3A_135, %mul3A_137 : i32
      "tpu.region"() ({
        %run_scoped3A = tpu.sem_alloc : memref<!tpu.dma_semaphore, #tpu.memory_space<semaphore_mem>>
        %dma_start3A_140 = arith.constant 0 : i32
        %dma_start3A_141 = arith.constant 0 : i32
        %dma_start3A_142 = tpu.memref_slice %arg17[%dma_start3A_140, %dma_start3A_141] : memref<128x128xf32, #tpu.memory_space<vmem>> -> memref<8x128xf32, #tpu.memory_space<vmem>>
        %dma_start3A_143 = arith.constant 0 : i32
        %dma_start3A_144 = tpu.memref_slice %arg4[%add3A_138, %dma_start3A_143] : memref<100000x128xf32, #tpu.memory_space<hbm>> -> memref<8x128xf32, #tpu.memory_space<hbm>>
        %dma_start3A_145 = arith.constant 0 : i32
        %dma_start3A_146 = arith.constant 0 : i32
        %dma_start3A_147 = tpu.memref_slice %arg17[%dma_start3A_145, %dma_start3A_146] : memref<128x128xf32, #tpu.memory_space<vmem>> -> memref<8x128xf32, #tpu.memory_space<vmem>>
        %dma_start3A_148 = arith.constant 0 : i32
        %dma_start3A_149 = tpu.memref_slice %arg4[%add3A_138, %dma_start3A_148] : memref<100000x128xf32, #tpu.memory_space<hbm>> -> memref<8x128xf32, #tpu.memory_space<hbm>>
        tpu.enqueue_dma source(%dma_start3A_149 : memref<8x128xf32, #tpu.memory_space<hbm>>) target(%dma_start3A_147 : memref<8x128xf32, #tpu.memory_space<vmem>>) target_semaphore(%run_scoped3A : memref<!tpu.dma_semaphore, #tpu.memory_space<semaphore_mem>>)
        %dma_wait3A = arith.constant 0 : i32
        %dma_wait3A_150 = arith.constant 0 : i32
        %dma_wait3A_151 = tpu.memref_slice %arg17[%dma_wait3A, %dma_wait3A_150] : memref<128x128xf32, #tpu.memory_space<vmem>> -> memref<8x128xf32, #tpu.memory_space<vmem>>
        %dma_wait3A_152 = arith.constant 0 : i32
        %dma_wait3A_153 = tpu.memref_slice %arg4[%add3A_138, %dma_wait3A_152] : memref<100000x128xf32, #tpu.memory_space<hbm>> -> memref<8x128xf32, #tpu.memory_space<hbm>>
        %dma_wait3A_154 = arith.constant 0 : i32
        %dma_wait3A_155 = arith.constant 0 : i32
        %dma_wait3A_156 = tpu.memref_slice %arg17[%dma_wait3A_154, %dma_wait3A_155] : memref<128x128xf32, #tpu.memory_space<vmem>> -> memref<8x128xf32, #tpu.memory_space<vmem>>
        %dma_wait3A_157 = arith.constant 0 : i32
        %dma_wait3A_158 = tpu.memref_slice %arg4[%add3A_138, %dma_wait3A_157] : memref<100000x128xf32, #tpu.memory_space<hbm>> -> memref<8x128xf32, #tpu.memory_space<hbm>>
        tpu.wait_dma2 semaphore(%run_scoped3A : memref<!tpu.dma_semaphore, #tpu.memory_space<semaphore_mem>>) src(%dma_wait3A_158 : memref<8x128xf32, #tpu.memory_space<hbm>>) dst(%dma_wait3A_156 : memref<8x128xf32, #tpu.memory_space<vmem>>)
        tpu.yield
      }) : () -> ()
      "tpu.region"() ({
        %run_scoped3A = tpu.sem_alloc : memref<!tpu.dma_semaphore, #tpu.memory_space<semaphore_mem>>
        %dma_start3A_140 = arith.constant 0 : i32
        %dma_start3A_141 = arith.constant 0 : i32
        %dma_start3A_142 = tpu.memref_slice %arg17[%dma_start3A_140, %dma_start3A_141] : memref<128x128xf32, #tpu.memory_space<vmem>> -> memref<8x128xf32, #tpu.memory_space<vmem>>
        %dma_start3A_143 = arith.constant 0 : i32
        %dma_start3A_144 = tpu.memref_slice %arg6[%add3A_138, %dma_start3A_143] : memref<100000x128xf32, #tpu.memory_space<hbm>> -> memref<8x128xf32, #tpu.memory_space<hbm>>
        %dma_start3A_145 = arith.constant 0 : i32
        %dma_start3A_146 = tpu.memref_slice %arg6[%add3A_138, %dma_start3A_145] : memref<100000x128xf32, #tpu.memory_space<hbm>> -> memref<8x128xf32, #tpu.memory_space<hbm>>
        %dma_start3A_147 = arith.constant 0 : i32
        %dma_start3A_148 = arith.constant 0 : i32
        %dma_start3A_149 = tpu.memref_slice %arg17[%dma_start3A_147, %dma_start3A_148] : memref<128x128xf32, #tpu.memory_space<vmem>> -> memref<8x128xf32, #tpu.memory_space<vmem>>
        tpu.enqueue_dma source(%dma_start3A_149 : memref<8x128xf32, #tpu.memory_space<vmem>>) target(%dma_start3A_146 : memref<8x128xf32, #tpu.memory_space<hbm>>) target_semaphore(%run_scoped3A : memref<!tpu.dma_semaphore, #tpu.memory_space<semaphore_mem>>)
        %dma_wait3A = arith.constant 0 : i32
        %dma_wait3A_150 = arith.constant 0 : i32
        %dma_wait3A_151 = tpu.memref_slice %arg17[%dma_wait3A, %dma_wait3A_150] : memref<128x128xf32, #tpu.memory_space<vmem>> -> memref<8x128xf32, #tpu.memory_space<vmem>>
        %dma_wait3A_152 = arith.constant 0 : i32
        %dma_wait3A_153 = tpu.memref_slice %arg6[%add3A_138, %dma_wait3A_152] : memref<100000x128xf32, #tpu.memory_space<hbm>> -> memref<8x128xf32, #tpu.memory_space<hbm>>
        %dma_wait3A_154 = arith.constant 0 : i32
        %dma_wait3A_155 = tpu.memref_slice %arg6[%add3A_138, %dma_wait3A_154] : memref<100000x128xf32, #tpu.memory_space<hbm>> -> memref<8x128xf32, #tpu.memory_space<hbm>>
        %dma_wait3A_156 = arith.constant 0 : i32
        %dma_wait3A_157 = arith.constant 0 : i32
        %dma_wait3A_158 = tpu.memref_slice %arg17[%dma_wait3A_156, %dma_wait3A_157] : memref<128x128xf32, #tpu.memory_space<vmem>> -> memref<8x128xf32, #tpu.memory_space<vmem>>
        tpu.wait_dma2 semaphore(%run_scoped3A : memref<!tpu.dma_semaphore, #tpu.memory_space<semaphore_mem>>) src(%dma_wait3A_158 : memref<8x128xf32, #tpu.memory_space<vmem>>) dst(%dma_wait3A_155 : memref<8x128xf32, #tpu.memory_space<hbm>>)
        tpu.yield
      }) : () -> ()
      %while3A_139 = arith.constant 0 : i32
      scf.yield %while3A_139 : i32
    }
    %while3A_111 = arith.constant 1 : i32
    %while3A_112 = scf.for %while3A_131 = %while3A_108 to %while3A_104 step %while3A_111 iter_args(%while3A_132 = %while3A_110) -> (i32)  : i32 {
      %mul3A_133 = arith.constant 128 : i32
      %mul3A_134 = arith.muli %select_n3A, %mul3A_133 : i32
      %add3A_135 = arith.addi %mul3A_2, %mul3A_134 : i32
      %mul3A_136 = arith.constant 8 : i32
      %mul3A_137 = arith.muli %while3A_131, %mul3A_136 : i32
      %add3A_138 = arith.addi %add3A_135, %mul3A_137 : i32
      "tpu.region"() ({
        %run_scoped3A = tpu.sem_alloc : memref<!tpu.dma_semaphore, #tpu.memory_space<semaphore_mem>>
        %dma_start3A_140 = arith.constant 0 : i32
        %dma_start3A_141 = arith.constant 0 : i32
        %dma_start3A_142 = tpu.memref_slice %arg17[%dma_start3A_140, %dma_start3A_141] : memref<128x128xf32, #tpu.memory_space<vmem>> -> memref<8x128xf32, #tpu.memory_space<vmem>>
        %dma_start3A_143 = arith.constant 0 : i32
        %dma_start3A_144 = tpu.memref_slice %arg4[%add3A_138, %dma_start3A_143] : memref<100000x128xf32, #tpu.memory_space<hbm>> -> memref<8x128xf32, #tpu.memory_space<hbm>>
        %dma_start3A_145 = arith.constant 0 : i32
        %dma_start3A_146 = arith.constant 0 : i32
        %dma_start3A_147 = tpu.memref_slice %arg17[%dma_start3A_145, %dma_start3A_146] : memref<128x128xf32, #tpu.memory_space<vmem>> -> memref<8x128xf32, #tpu.memory_space<vmem>>
        %dma_start3A_148 = arith.constant 0 : i32
        %dma_start3A_149 = tpu.memref_slice %arg4[%add3A_138, %dma_start3A_148] : memref<100000x128xf32, #tpu.memory_space<hbm>> -> memref<8x128xf32, #tpu.memory_space<hbm>>
        tpu.enqueue_dma source(%dma_start3A_149 : memref<8x128xf32, #tpu.memory_space<hbm>>) target(%dma_start3A_147 : memref<8x128xf32, #tpu.memory_space<vmem>>) target_semaphore(%run_scoped3A : memref<!tpu.dma_semaphore, #tpu.memory_space<semaphore_mem>>)
        %dma_wait3A = arith.constant 0 : i32
        %dma_wait3A_150 = arith.constant 0 : i32
        %dma_wait3A_151 = tpu.memref_slice %arg17[%dma_wait3A, %dma_wait3A_150] : memref<128x128xf32, #tpu.memory_space<vmem>> -> memref<8x128xf32, #tpu.memory_space<vmem>>
        %dma_wait3A_152 = arith.constant 0 : i32
        %dma_wait3A_153 = tpu.memref_slice %arg4[%add3A_138, %dma_wait3A_152] : memref<100000x128xf32, #tpu.memory_space<hbm>> -> memref<8x128xf32, #tpu.memory_space<hbm>>
        %dma_wait3A_154 = arith.constant 0 : i32
        %dma_wait3A_155 = arith.constant 0 : i32
        %dma_wait3A_156 = tpu.memref_slice %arg17[%dma_wait3A_154, %dma_wait3A_155] : memref<128x128xf32, #tpu.memory_space<vmem>> -> memref<8x128xf32, #tpu.memory_space<vmem>>
        %dma_wait3A_157 = arith.constant 0 : i32
        %dma_wait3A_158 = tpu.memref_slice %arg4[%add3A_138, %dma_wait3A_157] : memref<100000x128xf32, #tpu.memory_space<hbm>> -> memref<8x128xf32, #tpu.memory_space<hbm>>
        tpu.wait_dma2 semaphore(%run_scoped3A : memref<!tpu.dma_semaphore, #tpu.memory_space<semaphore_mem>>) src(%dma_wait3A_158 : memref<8x128xf32, #tpu.memory_space<hbm>>) dst(%dma_wait3A_156 : memref<8x128xf32, #tpu.memory_space<vmem>>)
        tpu.yield
      }) : () -> ()
      "tpu.region"() ({
        %run_scoped3A = tpu.sem_alloc : memref<!tpu.dma_semaphore, #tpu.memory_space<semaphore_mem>>
        %dma_start3A_140 = arith.constant 0 : i32
        %dma_start3A_141 = arith.constant 0 : i32
        %dma_start3A_142 = tpu.memref_slice %arg17[%dma_start3A_140, %dma_start3A_141] : memref<128x128xf32, #tpu.memory_space<vmem>> -> memref<8x128xf32, #tpu.memory_space<vmem>>
        %dma_start3A_143 = arith.constant 0 : i32
        %dma_start3A_144 = tpu.memref_slice %arg6[%add3A_138, %dma_start3A_143] : memref<100000x128xf32, #tpu.memory_space<hbm>> -> memref<8x128xf32, #tpu.memory_space<hbm>>
        %dma_start3A_145 = arith.constant 0 : i32
        %dma_start3A_146 = tpu.memref_slice %arg6[%add3A_138, %dma_start3A_145] : memref<100000x128xf32, #tpu.memory_space<hbm>> -> memref<8x128xf32, #tpu.memory_space<hbm>>
        %dma_start3A_147 = arith.constant 0 : i32
        %dma_start3A_148 = arith.constant 0 : i32
        %dma_start3A_149 = tpu.memref_slice %arg17[%dma_start3A_147, %dma_start3A_148] : memref<128x128xf32, #tpu.memory_space<vmem>> -> memref<8x128xf32, #tpu.memory_space<vmem>>
        tpu.enqueue_dma source(%dma_start3A_149 : memref<8x128xf32, #tpu.memory_space<vmem>>) target(%dma_start3A_146 : memref<8x128xf32, #tpu.memory_space<hbm>>) target_semaphore(%run_scoped3A : memref<!tpu.dma_semaphore, #tpu.memory_space<semaphore_mem>>)
        %dma_wait3A = arith.constant 0 : i32
        %dma_wait3A_150 = arith.constant 0 : i32
        %dma_wait3A_151 = tpu.memref_slice %arg17[%dma_wait3A, %dma_wait3A_150] : memref<128x128xf32, #tpu.memory_space<vmem>> -> memref<8x128xf32, #tpu.memory_space<vmem>>
        %dma_wait3A_152 = arith.constant 0 : i32
        %dma_wait3A_153 = tpu.memref_slice %arg6[%add3A_138, %dma_wait3A_152] : memref<100000x128xf32, #tpu.memory_space<hbm>> -> memref<8x128xf32, #tpu.memory_space<hbm>>
        %dma_wait3A_154 = arith.constant 0 : i32
        %dma_wait3A_155 = tpu.memref_slice %arg6[%add3A_138, %dma_wait3A_154] : memref<100000x128xf32, #tpu.memory_space<hbm>> -> memref<8x128xf32, #tpu.memory_space<hbm>>
        %dma_wait3A_156 = arith.constant 0 : i32
        %dma_wait3A_157 = arith.constant 0 : i32
        %dma_wait3A_158 = tpu.memref_slice %arg17[%dma_wait3A_156, %dma_wait3A_157] : memref<128x128xf32, #tpu.memory_space<vmem>> -> memref<8x128xf32, #tpu.memory_space<vmem>>
        tpu.wait_dma2 semaphore(%run_scoped3A : memref<!tpu.dma_semaphore, #tpu.memory_space<semaphore_mem>>) src(%dma_wait3A_158 : memref<8x128xf32, #tpu.memory_space<vmem>>) dst(%dma_wait3A_155 : memref<8x128xf32, #tpu.memory_space<hbm>>)
        tpu.yield
      }) : () -> ()
      %while3A_139 = arith.constant 0 : i32
      scf.yield %while3A_139 : i32
    }
    %scan3A_113 = arith.constant 0 : i32
    %scan3A_114 = arith.constant 0 : i32
    %scan3A_115 = arith.constant 8 : i32
    %scan3A_116 = arith.addi %scan3A_114, %scan3A_115 : i32
    %scan3A_117 = arith.constant 1 : i32
    %scan3A_118 = scf.for %scan3A_131 = %scan3A_114 to %scan3A_116 step %scan3A_117 iter_args(%scan3A_132 = %scan3A_113) -> (i32)  : i32 {
      %mul3A_133 = arith.constant 2048 : i32
      %mul3A_134 = arith.muli %scan3A_131, %mul3A_133 : i32
      "tpu.region"() ({
        %run_scoped3A = tpu.sem_alloc : memref<!tpu.dma_semaphore, #tpu.memory_space<semaphore_mem>>
        %dma_start3A_141 = tpu.memref_slice %arg3[%mul3A_134] : memref<16384xi32, #tpu.memory_space<hbm>> -> memref<2048xi32, #tpu.memory_space<hbm>>
        %dma_start3A_142 = tpu.memref_slice %arg3[%mul3A_134] : memref<16384xi32, #tpu.memory_space<hbm>> -> memref<2048xi32, #tpu.memory_space<hbm>>
        tpu.enqueue_dma source(%dma_start3A_142 : memref<2048xi32, #tpu.memory_space<hbm>>) target(%arg7 : memref<2048xi32, #tpu.memory_space<vmem>>) target_semaphore(%run_scoped3A : memref<!tpu.dma_semaphore, #tpu.memory_space<semaphore_mem>>)
        %dma_wait3A = tpu.memref_slice %arg3[%mul3A_134] : memref<16384xi32, #tpu.memory_space<hbm>> -> memref<2048xi32, #tpu.memory_space<hbm>>
        %dma_wait3A_143 = tpu.memref_slice %arg3[%mul3A_134] : memref<16384xi32, #tpu.memory_space<hbm>> -> memref<2048xi32, #tpu.memory_space<hbm>>
        tpu.wait_dma2 semaphore(%run_scoped3A : memref<!tpu.dma_semaphore, #tpu.memory_space<semaphore_mem>>) src(%dma_wait3A_143 : memref<2048xi32, #tpu.memory_space<hbm>>) dst(%arg7 : memref<2048xi32, #tpu.memory_space<vmem>>)
        tpu.yield
      }) : () -> ()
      %scan3A_135 = arith.constant 0 : i32
      %scan3A_136 = arith.constant 128 : i32
      %scan3A_137 = arith.addi %scan3A_135, %scan3A_136 : i32
      %scan3A_138 = arith.constant 1 : i32
      %scan3A_139 = scf.for %scan3A_141 = %scan3A_135 to %scan3A_137 step %scan3A_138 iter_args(%scan3A_142 = %scan3A_132) -> (i32)  : i32 {
        %mul3A_143 = arith.constant 16 : i32
        %mul3A_144 = arith.muli %scan3A_141, %mul3A_143 : i32
        %get3A = arith.index_cast %mul3A_144 : i32 to index
        %get3A_145 = tpu.vector_load %arg7[%get3A] {strides = array<i32>} : memref<2048xi32, #tpu.memory_space<vmem>>, vector<16xi32>,
        %ge3A = vector.broadcast %mul3A_2 : i32 to vector<16xi32>
        %ge3A_146 = arith.cmpi sge, %get3A_145, %ge3A : vector<16xi32>
        %lt3A = vector.broadcast %min3A_5 : i32 to vector<16xi32>
        %lt3A_147 = arith.cmpi slt, %get3A_145, %lt3A : vector<16xi32>
        %and3A_148 = arith.andi %ge3A_146, %lt3A_147 : vector<16xi1>
        %convert_element_type3A_149 = arith.extui %and3A_148 : vector<16xi1> to vector<16xi32>
        %sub3A_150 = vector.broadcast %mul3A_2 : i32 to vector<16xi32>
        %sub3A_151 = arith.subi %get3A_145, %sub3A_150 : vector<16xi32>
        %shift_left3A = arith.constant 14 : i32
        %shift_left3A_152 = vector.broadcast %shift_left3A : i32 to vector<16xi32>
        %shift_left3A_153 = arith.shli %sub3A_151, %shift_left3A_152 : vector<16xi32>
        %mul3A_154 = arith.constant 2048 : i32
        %mul3A_155 = arith.muli %scan3A_131, %mul3A_154 : i32
        %mul3A_156 = arith.constant 16 : i32
        %mul3A_157 = arith.muli %scan3A_141, %mul3A_156 : i32
        %add3A_158 = arith.addi %mul3A_155, %mul3A_157 : i32
        %add3A_159 = vector.broadcast %add3A_158 : i32 to vector<16xi32>
        %add3A_160 = arith.addi %shift_left3A_153, %add3A_159 : vector<16xi32>
        %add3A_161 = arith.addi %add3A_160, %iota3A : vector<16xi32>
        %broadcast_in_dim3A_162 = arith.constant true
        %broadcast_in_dim3A_163 = vector.broadcast %broadcast_in_dim3A_162 : i1 to vector<16xi1>
        %masked_cumsum3A = tpu.scan <sum>, %convert_element_type3A_149 masked %broadcast_in_dim3A_163 : vector<16xi32>, vector<16xi1> -> vector<16xi32>
        %add3A_164 = vector.broadcast %scan3A_142 : i32 to vector<16xi32>
        %add3A_165 = arith.addi %add3A_164, %masked_cumsum3A : vector<16xi32>
        %sub3A_166 = arith.subi %add3A_165, %convert_element_type3A_149 : vector<16xi32>
        tpu.vector_store_idx %arg8[%sub3A_166], %add3A_161 masked %and3A_148 : memref<16416xi32, #tpu.memory_space<vmem>>[vector<16xi32>], vector<16xi32>, vector<16xi1>
        %reduce_sum3A = arith.constant true
        %reduce_sum3A_167 = vector.broadcast %reduce_sum3A : i1 to vector<16xi1>
        %reduce_sum3A_168 = tpu.scan <sum>, %convert_element_type3A_149 masked %reduce_sum3A_167 : vector<16xi32>, vector<16xi1> -> vector<16xi32>
        %reduce_sum3A_169 = vector.extract %reduce_sum3A_168[15] : i32 from vector<16xi32>
        %add3A_170 = arith.addi %scan3A_142, %reduce_sum3A_169 : i32
        scf.yield %add3A_170 : i32
      }
      %scan3A_140 = arith.constant 128 : i32
      scf.yield %scan3A_139 : i32
    }
    %scan3A_119 = arith.constant 8 : i32
    %mul3A_120 = arith.constant 288 : i32
    %mul3A_121 = arith.muli %arg1, %mul3A_120 : i32
    %scan3A_122 = arith.constant 0 : i32
    %scan3A_123 = arith.constant 0 : i32
    %scan3A_124 = arith.constant 11 : i32
    %scan3A_125 = arith.addi %scan3A_123, %scan3A_124 : i32
    %scan3A_126 = arith.constant 1 : i32
    %scan3A_127 = scf.for %scan3A_131 = %scan3A_123 to %scan3A_125 step %scan3A_126 iter_args(%scan3A_132 = %scan3A_122) -> (i32)  : i32 {
      %mul3A_133 = arith.constant 288 : i32
      %mul3A_134 = arith.muli %scan3A_131, %mul3A_133 : i32
      %sub3A_135 = arith.subi %sub3A, %mul3A_134 : i32
      %jit3A_136 = arith.constant 0 : i32
      %jit3A_137 = arith.constant 288 : i32
      %max3A = arith.maxsi %jit3A_136, %sub3A_135 : i32
      %min3A_138 = arith.minsi %jit3A_137, %max3A : i32
      %shift_left3A = arith.constant 14 : i32
      %shift_left3A_139 = arith.shli %mul3A_134, %shift_left3A : i32
      %add3A_140 = arith.addi %mul3A_134, %min3A_138 : i32
      %shift_left3A_141 = arith.constant 14 : i32
      %shift_left3A_142 = arith.shli %add3A_140, %shift_left3A_141 : i32
      %add3A_143 = arith.constant 15 : i32
      %add3A_144 = arith.addi %scan3A_118, %add3A_143 : i32
      %jit3A_145 = arith.constant 16 : i32
      %div3A_146 = arith.divsi %add3A_144, %jit3A_145 : i32
      %sign3A_147 = arith.constant 0 : i32
      %sign3A_148 = arith.cmpi sgt, %add3A_144, %sign3A_147 : i32
      %sign3A_149 = arith.extui %sign3A_148 : i1 to i32
      %sign3A_150 = arith.constant 0 : i32
      %sign3A_151 = arith.cmpi slt, %add3A_144, %sign3A_150 : i32
      %sign3A_152 = arith.extui %sign3A_151 : i1 to i32
      %sign3A_153 = arith.subi %sign3A_149, %sign3A_152 : i32
      %sign3A_154 = arith.constant 0 : i32
      %sign3A_155 = arith.cmpi sgt, %jit3A_145, %sign3A_154 : i32
      %sign3A_156 = arith.extui %sign3A_155 : i1 to i32
      %sign3A_157 = arith.constant 0 : i32
      %sign3A_158 = arith.cmpi slt, %jit3A_145, %sign3A_157 : i32
      %sign3A_159 = arith.extui %sign3A_158 : i1 to i32
      %sign3A_160 = arith.subi %sign3A_156, %sign3A_159 : i32
      %ne3A_161 = arith.cmpi ne, %sign3A_153, %sign3A_160 : i32
      %rem3A_162 = arith.remsi %add3A_144, %jit3A_145 : i32
      %ne3A_163 = arith.constant 0 : i32
      %ne3A_164 = arith.cmpi ne, %rem3A_162, %ne3A_163 : i32
      %and3A_165 = arith.andi %ne3A_161, %ne3A_164 : i1
      %sub3A_166 = arith.constant 1 : i32
      %sub3A_167 = arith.subi %div3A_146, %sub3A_166 : i32
      %select_n3A_168 = arith.select %and3A_165, %sub3A_167, %div3A_146 : i32
      %while3A_169 = arith.constant 0 : i32
      %while3A_170 = arith.constant 0 : i32
      %while3A_171 = arith.subi %select_n3A_168, %while3A_169 : i32
      %while3A_172 = arith.addi %while3A_169, %while3A_171 : i32
      %while3A_173 = arith.constant 1 : i32
      %while3A_174 = arith.divsi %while3A_171, %while3A_173 : i32
      %while3A_175 = arith.muli %while3A_174, %while3A_173 : i32
      %while3A_176 = arith.addi %while3A_169, %while3A_175 : i32
      %while3A_177 = arith.constant 1 : i32
      %while3A_178 = scf.for %while3A_301 = %while3A_169 to %while3A_176 step %while3A_177 iter_args(%while3A_302 = %while3A_170) -> (i32)  : i32 {
        %mul3A_303 = arith.constant 16 : i32
        %mul3A_304 = arith.muli %while3A_301, %mul3A_303 : i32
        %get3A_305 = arith.index_cast %mul3A_304 : i32 to index
        %get3A_306 = tpu.vector_load %arg8[%get3A_305] {strides = array<i32>} : memref<16416xi32, #tpu.memory_space<vmem>>, vector<16xi32>,
        %mul3A_307 = arith.constant 16 : i32
        %mul3A_308 = arith.muli %while3A_301, %mul3A_307 : i32
        %add3A_309 = vector.broadcast %mul3A_308 : i32 to vector<16xi32>
        %add3A_310 = arith.addi %add3A_309, %iota3A : vector<16xi32>
        %lt3A_311 = vector.broadcast %scan3A_118 : i32 to vector<16xi32>
        %lt3A_312 = arith.cmpi slt, %add3A_310, %lt3A_311 : vector<16xi32>
        %ge3A = vector.broadcast %shift_left3A_139 : i32 to vector<16xi32>
        %ge3A_313 = arith.cmpi sge, %get3A_306, %ge3A : vector<16xi32>
        %and3A_314 = arith.andi %lt3A_312, %ge3A_313 : vector<16xi1>
        %lt3A_315 = vector.broadcast %shift_left3A_142 : i32 to vector<16xi32>
        %lt3A_316 = arith.cmpi slt, %get3A_306, %lt3A_315 : vector<16xi32>
        %and3A_317 = arith.andi %and3A_314, %lt3A_316 : vector<16xi1>
        %convert_element_type3A_318 = arith.extui %and3A_317 : vector<16xi1> to vector<16xi32>
        %broadcast_in_dim3A_319 = arith.constant true
        %broadcast_in_dim3A_320 = vector.broadcast %broadcast_in_dim3A_319 : i1 to vector<16xi1>
        %masked_cumsum3A = tpu.scan <sum>, %convert_element_type3A_318 masked %broadcast_in_dim3A_320 : vector<16xi32>, vector<16xi1> -> vector<16xi32>
        %add3A_321 = vector.broadcast %while3A_302 : i32 to vector<16xi32>
        %add3A_322 = arith.addi %add3A_321, %masked_cumsum3A : vector<16xi32>
        %sub3A_323 = arith.subi %add3A_322, %convert_element_type3A_318 : vector<16xi32>
        tpu.vector_store_idx %arg9[%sub3A_323], %get3A_306 masked %and3A_317 : memref<16416xi32, #tpu.memory_space<vmem>>[vector<16xi32>], vector<16xi32>, vector<16xi1>
        %reduce_sum3A_324 = arith.constant true
        %reduce_sum3A_325 = vector.broadcast %reduce_sum3A_324 : i1 to vector<16xi1>
        %reduce_sum3A_326 = tpu.scan <sum>, %convert_element_type3A_318 masked %reduce_sum3A_325 : vector<16xi32>, vector<16xi1> -> vector<16xi32>
        %reduce_sum3A_327 = vector.extract %reduce_sum3A_326[15] : i32 from vector<16xi32>
        %add3A_328 = arith.addi %while3A_302, %reduce_sum3A_327 : i32
        scf.yield %add3A_328 : i32
      }
      %while3A_179 = arith.constant 1 : i32
      %while3A_180 = scf.for %while3A_301 = %while3A_176 to %while3A_172 step %while3A_179 iter_args(%while3A_302 = %while3A_178) -> (i32)  : i32 {
        %mul3A_303 = arith.constant 16 : i32
        %mul3A_304 = arith.muli %while3A_301, %mul3A_303 : i32
        %get3A_305 = arith.index_cast %mul3A_304 : i32 to index
        %get3A_306 = tpu.vector_load %arg8[%get3A_305] {strides = array<i32>} : memref<16416xi32, #tpu.memory_space<vmem>>, vector<16xi32>,
        %mul3A_307 = arith.constant 16 : i32
        %mul3A_308 = arith.muli %while3A_301, %mul3A_307 : i32
        %add3A_309 = vector.broadcast %mul3A_308 : i32 to vector<16xi32>
        %add3A_310 = arith.addi %add3A_309, %iota3A : vector<16xi32>
        %lt3A_311 = vector.broadcast %scan3A_118 : i32 to vector<16xi32>
        %lt3A_312 = arith.cmpi slt, %add3A_310, %lt3A_311 : vector<16xi32>
        %ge3A = vector.broadcast %shift_left3A_139 : i32 to vector<16xi32>
        %ge3A_313 = arith.cmpi sge, %get3A_306, %ge3A : vector<16xi32>
        %and3A_314 = arith.andi %lt3A_312, %ge3A_313 : vector<16xi1>
        %lt3A_315 = vector.broadcast %shift_left3A_142 : i32 to vector<16xi32>
        %lt3A_316 = arith.cmpi slt, %get3A_306, %lt3A_315 : vector<16xi32>
        %and3A_317 = arith.andi %and3A_314, %lt3A_316 : vector<16xi1>
        %convert_element_type3A_318 = arith.extui %and3A_317 : vector<16xi1> to vector<16xi32>
        %broadcast_in_dim3A_319 = arith.constant true
        %broadcast_in_dim3A_320 = vector.broadcast %broadcast_in_dim3A_319 : i1 to vector<16xi1>
        %masked_cumsum3A = tpu.scan <sum>, %convert_element_type3A_318 masked %broadcast_in_dim3A_320 : vector<16xi32>, vector<16xi1> -> vector<16xi32>
        %add3A_321 = vector.broadcast %while3A_302 : i32 to vector<16xi32>
        %add3A_322 = arith.addi %add3A_321, %masked_cumsum3A : vector<16xi32>
        %sub3A_323 = arith.subi %add3A_322, %convert_element_type3A_318 : vector<16xi32>
        tpu.vector_store_idx %arg9[%sub3A_323], %get3A_306 masked %and3A_317 : memref<16416xi32, #tpu.memory_space<vmem>>[vector<16xi32>], vector<16xi32>, vector<16xi1>
        %reduce_sum3A_324 = arith.constant true
        %reduce_sum3A_325 = vector.broadcast %reduce_sum3A_324 : i1 to vector<16xi1>
        %reduce_sum3A_326 = tpu.scan <sum>, %convert_element_type3A_318 masked %reduce_sum3A_325 : vector<16xi32>, vector<16xi1> -> vector<16xi32>
        %reduce_sum3A_327 = vector.extract %reduce_sum3A_326[15] : i32 from vector<16xi32>
        %add3A_328 = arith.addi %while3A_302, %reduce_sum3A_327 : i32
        scf.yield %add3A_328 : i32
      }
      %sub3A_181 = arith.constant 1 : i32
      %sub3A_182 = arith.subi %while3A_180, %sub3A_181 : i32
      %max3A_183 = arith.constant 0 : i32
      %max3A_184 = arith.maxsi %sub3A_182, %max3A_183 : i32
      %jit3A_185 = arith.constant 16 : i32
      %div3A_186 = arith.divsi %max3A_184, %jit3A_185 : i32
      %sign3A_187 = arith.constant 0 : i32
      %sign3A_188 = arith.cmpi sgt, %max3A_184, %sign3A_187 : i32
      %sign3A_189 = arith.extui %sign3A_188 : i1 to i32
      %sign3A_190 = arith.constant 0 : i32
      %sign3A_191 = arith.cmpi slt, %max3A_184, %sign3A_190 : i32
      %sign3A_192 = arith.extui %sign3A_191 : i1 to i32
      %sign3A_193 = arith.subi %sign3A_189, %sign3A_192 : i32
      %sign3A_194 = arith.constant 0 : i32
      %sign3A_195 = arith.cmpi sgt, %jit3A_185, %sign3A_194 : i32
      %sign3A_196 = arith.extui %sign3A_195 : i1 to i32
      %sign3A_197 = arith.constant 0 : i32
      %sign3A_198 = arith.cmpi slt, %jit3A_185, %sign3A_197 : i32
      %sign3A_199 = arith.extui %sign3A_198 : i1 to i32
      %sign3A_200 = arith.subi %sign3A_196, %sign3A_199 : i32
      %ne3A_201 = arith.cmpi ne, %sign3A_193, %sign3A_200 : i32
      %rem3A_202 = arith.remsi %max3A_184, %jit3A_185 : i32
      %ne3A_203 = arith.constant 0 : i32
      %ne3A_204 = arith.cmpi ne, %rem3A_202, %ne3A_203 : i32
      %and3A_205 = arith.andi %ne3A_201, %ne3A_204 : i1
      %sub3A_206 = arith.constant 1 : i32
      %sub3A_207 = arith.subi %div3A_186, %sub3A_206 : i32
      %select_n3A_208 = arith.select %and3A_205, %sub3A_207, %div3A_186 : i32
      %mul3A_209 = arith.constant 16 : i32
      %mul3A_210 = arith.muli %select_n3A_208, %mul3A_209 : i32
      %get3A = arith.index_cast %mul3A_210 : i32 to index
      %get3A_211 = tpu.vector_load %arg9[%get3A] {strides = array<i32>} : memref<16416xi32, #tpu.memory_space<vmem>>, vector<16xi32>,
      %jit3A_212 = arith.constant 16 : i32
      %eq3A_213 = arith.constant 0 : i32
      %eq3A_214 = arith.cmpi eq, %jit3A_212, %eq3A_213 : i32
      %jit3A_215 = arith.constant 1 : i32
      %select_n3A_216 = arith.select %eq3A_214, %jit3A_215, %jit3A_212 : i32
      %rem3A_217 = arith.remsi %max3A_184, %select_n3A_216 : i32
      %ne3A_218 = arith.constant 0 : i32
      %ne3A_219 = arith.cmpi ne, %rem3A_217, %ne3A_218 : i32
      %lt3A = arith.constant 0 : i32
      %lt3A_220 = arith.cmpi slt, %rem3A_217, %lt3A : i32
      %lt3A_221 = arith.constant 0 : i32
      %lt3A_222 = arith.cmpi slt, %select_n3A_216, %lt3A_221 : i32
      %ne3A_223 = arith.xori %lt3A_220, %lt3A_222 : i1
      %and3A_224 = arith.andi %ne3A_223, %ne3A_219 : i1
      %add3A_225 = arith.addi %rem3A_217, %select_n3A_216 : i32
      %select_n3A_226 = arith.select %and3A_224, %add3A_225, %rem3A_217 : i32
      %iota3A_227 = tpu.iota {dimensions = array<i32: 0>} : vector<16xi32>
      %eq3A_228 = vector.broadcast %select_n3A_226 : i32 to vector<16xi32>
      %eq3A_229 = arith.cmpi eq, %iota3A_227, %eq3A_228 : vector<16xi32>
      %jit3A_230 = arith.constant 0 : i32
      %broadcast_in_dim3A_231 = vector.broadcast %jit3A_230 : i32 to vector<16xi32>
      %select_n3A_232 = arith.select %eq3A_229, %get3A_211, %broadcast_in_dim3A_231 : vector<16xi1>, vector<16xi32>
      %reduce_sum3A = arith.constant true
      %reduce_sum3A_233 = vector.broadcast %reduce_sum3A : i1 to vector<16xi1>
      %reduce_sum3A_234 = tpu.scan <sum>, %select_n3A_232 masked %reduce_sum3A_233 : vector<16xi32>, vector<16xi1> -> vector<16xi32>
      %reduce_sum3A_235 = vector.extract %reduce_sum3A_234[15] : i32 from vector<16xi32>
      %add3A_236 = arith.constant 64 : i32
      %add3A_237 = arith.addi %while3A_180, %add3A_236 : i32
      %sub3A_238 = arith.constant 1 : i32
      %sub3A_239 = arith.subi %add3A_237, %sub3A_238 : i32
      %jit3A_240 = arith.constant 64 : i32
      %div3A_241 = arith.divsi %sub3A_239, %jit3A_240 : i32
      %sign3A_242 = arith.constant 0 : i32
      %sign3A_243 = arith.cmpi sgt, %sub3A_239, %sign3A_242 : i32
      %sign3A_244 = arith.extui %sign3A_243 : i1 to i32
      %sign3A_245 = arith.constant 0 : i32
      %sign3A_246 = arith.cmpi slt, %sub3A_239, %sign3A_245 : i32
      %sign3A_247 = arith.extui %sign3A_246 : i1 to i32
      %sign3A_248 = arith.subi %sign3A_244, %sign3A_247 : i32
      %sign3A_249 = arith.constant 0 : i32
      %sign3A_250 = arith.cmpi sgt, %jit3A_240, %sign3A_249 : i32
      %sign3A_251 = arith.extui %sign3A_250 : i1 to i32
      %sign3A_252 = arith.constant 0 : i32
      %sign3A_253 = arith.cmpi slt, %jit3A_240, %sign3A_252 : i32
      %sign3A_254 = arith.extui %sign3A_253 : i1 to i32
      %sign3A_255 = arith.subi %sign3A_251, %sign3A_254 : i32
      %ne3A_256 = arith.cmpi ne, %sign3A_248, %sign3A_255 : i32
      %rem3A_257 = arith.remsi %sub3A_239, %jit3A_240 : i32
      %ne3A_258 = arith.constant 0 : i32
      %ne3A_259 = arith.cmpi ne, %rem3A_257, %ne3A_258 : i32
      %and3A_260 = arith.andi %ne3A_256, %ne3A_259 : i1
      %sub3A_261 = arith.constant 1 : i32
      %sub3A_262 = arith.subi %div3A_241, %sub3A_261 : i32
      %select_n3A_263 = arith.select %and3A_260, %sub3A_262, %div3A_241 : i32
      %while3A_264 = arith.constant 0 : i32
      %while3A_265 = arith.constant 0 : i32
      %while3A_266 = arith.subi %select_n3A_263, %while3A_264 : i32
      %while3A_267 = arith.addi %while3A_264, %while3A_266 : i32
      %while3A_268 = arith.constant 1 : i32
      %while3A_269 = arith.divsi %while3A_266, %while3A_268 : i32
      %while3A_270 = arith.muli %while3A_269, %while3A_268 : i32
      %while3A_271 = arith.addi %while3A_264, %while3A_270 : i32
      %while3A_272 = arith.constant 1 : i32
      %while3A_273 = scf.for %while3A_301 = %while3A_264 to %while3A_271 step %while3A_272 iter_args(%while3A_302 = %while3A_265) -> (i32)  : i32 {
        %mul3A_303 = arith.constant 64 : i32
        %mul3A_304 = arith.muli %while3A_301, %mul3A_303 : i32
        %add3A_305 = arith.constant 0 : i32
        %add3A_306 = arith.addi %mul3A_304, %add3A_305 : i32
        %get3A_307 = arith.index_cast %add3A_306 : i32 to index
        %get3A_308 = tpu.vector_load %arg9[%get3A_307] {strides = array<i32>} : memref<16416xi32, #tpu.memory_space<vmem>>, vector<16xi32>,
        %add3A_309 = arith.constant 0 : i32
        %add3A_310 = arith.addi %mul3A_304, %add3A_309 : i32
        %add3A_311 = vector.broadcast %add3A_310 : i32 to vector<16xi32>
        %add3A_312 = arith.addi %add3A_311, %iota3A : vector<16xi32>
        %lt3A_313 = vector.broadcast %while3A_180 : i32 to vector<16xi32>
        %lt3A_314 = arith.cmpi slt, %add3A_312, %lt3A_313 : vector<16xi32>
        %broadcast_in_dim3A_315 = vector.broadcast %reduce_sum3A_235 : i32 to vector<16xi32>
        %select_n3A_316 = arith.select %lt3A_314, %get3A_308, %broadcast_in_dim3A_315 : vector<16xi1>, vector<16xi32>
        %shift_right_arithmetic3A = arith.constant 14 : i32
        %shift_right_arithmetic3A_317 = vector.broadcast %shift_right_arithmetic3A : i32 to vector<16xi32>
        %shift_right_arithmetic3A_318 = arith.shrsi %select_n3A_316, %shift_right_arithmetic3A_317 : vector<16xi32>
        %add3A_319 = vector.broadcast %mul3A_2 : i32 to vector<16xi32>
        %add3A_320 = arith.addi %add3A_319, %shift_right_arithmetic3A_318 : vector<16xi32>
        %swap3A_321 = arith.constant 0 : i32
        %swap3A_322 = arith.index_cast %swap3A_321 : i32 to index
        %swap3A_323 = arith.constant 0 : index
        %swap3A_324 = tpu.vector_load %arg14[%swap3A_322, %swap3A_323] {strides = array<i32>} : memref<1x64xi32, #tpu.memory_space<vmem>>, vector<16xi32>,
        tpu.vector_store %arg14[%swap3A_322, %swap3A_323], %add3A_320 {strides = array<i32>} : memref<1x64xi32, #tpu.memory_space<vmem>>, vector<16xi32>,
        %and3A_325 = arith.constant 16383 : i32
        %and3A_326 = vector.broadcast %and3A_325 : i32 to vector<16xi32>
        %and3A_327 = arith.andi %select_n3A_316, %and3A_326 : vector<16xi32>
        %swap3A_328 = arith.constant 0 : i32
        %swap3A_329 = arith.index_cast %swap3A_328 : i32 to index
        %swap3A_330 = arith.constant 0 : index
        %swap3A_331 = tpu.vector_load %arg13[%swap3A_329, %swap3A_330] {strides = array<i32>} : memref<1x64xi32, #tpu.memory_space<vmem>>, vector<16xi32>,
        tpu.vector_store %arg13[%swap3A_329, %swap3A_330], %and3A_327 {strides = array<i32>} : memref<1x64xi32, #tpu.memory_space<vmem>>, vector<16xi32>,
        %add3A_332 = arith.addi %mul3A_2, %mul3A_134 : i32
        %sub3A_333 = vector.broadcast %add3A_332 : i32 to vector<16xi32>
        %sub3A_334 = arith.subi %add3A_320, %sub3A_333 : vector<16xi32>
        %add3A_335 = vector.broadcast %mul3A_121 : i32 to vector<16xi32>
        %add3A_336 = arith.addi %sub3A_334, %add3A_335 : vector<16xi32>
        %swap3A_337 = arith.constant 0 : i32
        %swap3A_338 = arith.index_cast %swap3A_337 : i32 to index
        %swap3A_339 = arith.constant 0 : index
        %swap3A_340 = tpu.vector_load %arg15[%swap3A_338, %swap3A_339] {strides = array<i32>} : memref<1x64xi32, #tpu.memory_space<vmem>>, vector<16xi32>,
        tpu.vector_store %arg15[%swap3A_338, %swap3A_339], %add3A_336 {strides = array<i32>} : memref<1x64xi32, #tpu.memory_space<vmem>>, vector<16xi32>,
        %add3A_341 = arith.constant 16 : i32
        %add3A_342 = arith.addi %mul3A_304, %add3A_341 : i32
        %get3A_343 = arith.index_cast %add3A_342 : i32 to index
        %get3A_344 = tpu.vector_load %arg9[%get3A_343] {strides = array<i32>} : memref<16416xi32, #tpu.memory_space<vmem>>, vector<16xi32>,
        %add3A_345 = arith.constant 16 : i32
        %add3A_346 = arith.addi %mul3A_304, %add3A_345 : i32
        %add3A_347 = vector.broadcast %add3A_346 : i32 to vector<16xi32>
        %add3A_348 = arith.addi %add3A_347, %iota3A : vector<16xi32>
        %lt3A_349 = vector.broadcast %while3A_180 : i32 to vector<16xi32>
        %lt3A_350 = arith.cmpi slt, %add3A_348, %lt3A_349 : vector<16xi32>
        %broadcast_in_dim3A_351 = vector.broadcast %reduce_sum3A_235 : i32 to vector<16xi32>
        %select_n3A_352 = arith.select %lt3A_350, %get3A_344, %broadcast_in_dim3A_351 : vector<16xi1>, vector<16xi32>
        %shift_right_arithmetic3A_353 = arith.constant 14 : i32
        %shift_right_arithmetic3A_354 = vector.broadcast %shift_right_arithmetic3A_353 : i32 to vector<16xi32>
        %shift_right_arithmetic3A_355 = arith.shrsi %select_n3A_352, %shift_right_arithmetic3A_354 : vector<16xi32>
        %add3A_356 = vector.broadcast %mul3A_2 : i32 to vector<16xi32>
        %add3A_357 = arith.addi %add3A_356, %shift_right_arithmetic3A_355 : vector<16xi32>
        %swap3A_358 = arith.constant 0 : i32
        %swap3A_359 = arith.index_cast %swap3A_358 : i32 to index
        %swap3A_360 = arith.constant 16 : index
        %swap3A_361 = tpu.vector_load %arg14[%swap3A_359, %swap3A_360] {strides = array<i32>} : memref<1x64xi32, #tpu.memory_space<vmem>>, vector<16xi32>,
        tpu.vector_store %arg14[%swap3A_359, %swap3A_360], %add3A_357 {strides = array<i32>} : memref<1x64xi32, #tpu.memory_space<vmem>>, vector<16xi32>,
        %and3A_362 = arith.constant 16383 : i32
        %and3A_363 = vector.broadcast %and3A_362 : i32 to vector<16xi32>
        %and3A_364 = arith.andi %select_n3A_352, %and3A_363 : vector<16xi32>
        %swap3A_365 = arith.constant 0 : i32
        %swap3A_366 = arith.index_cast %swap3A_365 : i32 to index
        %swap3A_367 = arith.constant 16 : index
        %swap3A_368 = tpu.vector_load %arg13[%swap3A_366, %swap3A_367] {strides = array<i32>} : memref<1x64xi32, #tpu.memory_space<vmem>>, vector<16xi32>,
        tpu.vector_store %arg13[%swap3A_366, %swap3A_367], %and3A_364 {strides = array<i32>} : memref<1x64xi32, #tpu.memory_space<vmem>>, vector<16xi32>,
        %add3A_369 = arith.addi %mul3A_2, %mul3A_134 : i32
        %sub3A_370 = vector.broadcast %add3A_369 : i32 to vector<16xi32>
        %sub3A_371 = arith.subi %add3A_357, %sub3A_370 : vector<16xi32>
        %add3A_372 = vector.broadcast %mul3A_121 : i32 to vector<16xi32>
        %add3A_373 = arith.addi %sub3A_371, %add3A_372 : vector<16xi32>
        %swap3A_374 = arith.constant 0 : i32
        %swap3A_375 = arith.index_cast %swap3A_374 : i32 to index
        %swap3A_376 = arith.constant 16 : index
        %swap3A_377 = tpu.vector_load %arg15[%swap3A_375, %swap3A_376] {strides = array<i32>} : memref<1x64xi32, #tpu.memory_space<vmem>>, vector<16xi32>,
        tpu.vector_store %arg15[%swap3A_375, %swap3A_376], %add3A_373 {strides = array<i32>} : memref<1x64xi32, #tpu.memory_space<vmem>>, vector<16xi32>,
        %add3A_378 = arith.constant 32 : i32
        %add3A_379 = arith.addi %mul3A_304, %add3A_378 : i32
        %get3A_380 = arith.index_cast %add3A_379 : i32 to index
        %get3A_381 = tpu.vector_load %arg9[%get3A_380] {strides = array<i32>} : memref<16416xi32, #tpu.memory_space<vmem>>, vector<16xi32>,
        %add3A_382 = arith.constant 32 : i32
        %add3A_383 = arith.addi %mul3A_304, %add3A_382 : i32
        %add3A_384 = vector.broadcast %add3A_383 : i32 to vector<16xi32>
        %add3A_385 = arith.addi %add3A_384, %iota3A : vector<16xi32>
        %lt3A_386 = vector.broadcast %while3A_180 : i32 to vector<16xi32>
        %lt3A_387 = arith.cmpi slt, %add3A_385, %lt3A_386 : vector<16xi32>
        %broadcast_in_dim3A_388 = vector.broadcast %reduce_sum3A_235 : i32 to vector<16xi32>
        %select_n3A_389 = arith.select %lt3A_387, %get3A_381, %broadcast_in_dim3A_388 : vector<16xi1>, vector<16xi32>
        %shift_right_arithmetic3A_390 = arith.constant 14 : i32
        %shift_right_arithmetic3A_391 = vector.broadcast %shift_right_arithmetic3A_390 : i32 to vector<16xi32>
        %shift_right_arithmetic3A_392 = arith.shrsi %select_n3A_389, %shift_right_arithmetic3A_391 : vector<16xi32>
        %add3A_393 = vector.broadcast %mul3A_2 : i32 to vector<16xi32>
        %add3A_394 = arith.addi %add3A_393, %shift_right_arithmetic3A_392 : vector<16xi32>
        %swap3A_395 = arith.constant 0 : i32
        %swap3A_396 = arith.index_cast %swap3A_395 : i32 to index
        %swap3A_397 = arith.constant 32 : index
        %swap3A_398 = tpu.vector_load %arg14[%swap3A_396, %swap3A_397] {strides = array<i32>} : memref<1x64xi32, #tpu.memory_space<vmem>>, vector<16xi32>,
        tpu.vector_store %arg14[%swap3A_396, %swap3A_397], %add3A_394 {strides = array<i32>} : memref<1x64xi32, #tpu.memory_space<vmem>>, vector<16xi32>,
        %and3A_399 = arith.constant 16383 : i32
        %and3A_400 = vector.broadcast %and3A_399 : i32 to vector<16xi32>
        %and3A_401 = arith.andi %select_n3A_389, %and3A_400 : vector<16xi32>
        %swap3A_402 = arith.constant 0 : i32
        %swap3A_403 = arith.index_cast %swap3A_402 : i32 to index
        %swap3A_404 = arith.constant 32 : index
        %swap3A_405 = tpu.vector_load %arg13[%swap3A_403, %swap3A_404] {strides = array<i32>} : memref<1x64xi32, #tpu.memory_space<vmem>>, vector<16xi32>,
        tpu.vector_store %arg13[%swap3A_403, %swap3A_404], %and3A_401 {strides = array<i32>} : memref<1x64xi32, #tpu.memory_space<vmem>>, vector<16xi32>,
        %add3A_406 = arith.addi %mul3A_2, %mul3A_134 : i32
        %sub3A_407 = vector.broadcast %add3A_406 : i32 to vector<16xi32>
        %sub3A_408 = arith.subi %add3A_394, %sub3A_407 : vector<16xi32>
        %add3A_409 = vector.broadcast %mul3A_121 : i32 to vector<16xi32>
        %add3A_410 = arith.addi %sub3A_408, %add3A_409 : vector<16xi32>
        %swap3A_411 = arith.constant 0 : i32
        %swap3A_412 = arith.index_cast %swap3A_411 : i32 to index
        %swap3A_413 = arith.constant 32 : index
        %swap3A_414 = tpu.vector_load %arg15[%swap3A_412, %swap3A_413] {strides = array<i32>} : memref<1x64xi32, #tpu.memory_space<vmem>>, vector<16xi32>,
        tpu.vector_store %arg15[%swap3A_412, %swap3A_413], %add3A_410 {strides = array<i32>} : memref<1x64xi32, #tpu.memory_space<vmem>>, vector<16xi32>,
        %add3A_415 = arith.constant 48 : i32
        %add3A_416 = arith.addi %mul3A_304, %add3A_415 : i32
        %get3A_417 = arith.index_cast %add3A_416 : i32 to index
        %get3A_418 = tpu.vector_load %arg9[%get3A_417] {strides = array<i32>} : memref<16416xi32, #tpu.memory_space<vmem>>, vector<16xi32>,
        %add3A_419 = arith.constant 48 : i32
        %add3A_420 = arith.addi %mul3A_304, %add3A_419 : i32
        %add3A_421 = vector.broadcast %add3A_420 : i32 to vector<16xi32>
        %add3A_422 = arith.addi %add3A_421, %iota3A : vector<16xi32>
        %lt3A_423 = vector.broadcast %while3A_180 : i32 to vector<16xi32>
        %lt3A_424 = arith.cmpi slt, %add3A_422, %lt3A_423 : vector<16xi32>
        %broadcast_in_dim3A_425 = vector.broadcast %reduce_sum3A_235 : i32 to vector<16xi32>
        %select_n3A_426 = arith.select %lt3A_424, %get3A_418, %broadcast_in_dim3A_425 : vector<16xi1>, vector<16xi32>
        %shift_right_arithmetic3A_427 = arith.constant 14 : i32
        %shift_right_arithmetic3A_428 = vector.broadcast %shift_right_arithmetic3A_427 : i32 to vector<16xi32>
        %shift_right_arithmetic3A_429 = arith.shrsi %select_n3A_426, %shift_right_arithmetic3A_428 : vector<16xi32>
        %add3A_430 = vector.broadcast %mul3A_2 : i32 to vector<16xi32>
        %add3A_431 = arith.addi %add3A_430, %shift_right_arithmetic3A_429 : vector<16xi32>
        %swap3A_432 = arith.constant 0 : i32
        %swap3A_433 = arith.index_cast %swap3A_432 : i32 to index
        %swap3A_434 = arith.constant 48 : index
        %swap3A_435 = tpu.vector_load %arg14[%swap3A_433, %swap3A_434] {strides = array<i32>} : memref<1x64xi32, #tpu.memory_space<vmem>>, vector<16xi32>,
        tpu.vector_store %arg14[%swap3A_433, %swap3A_434], %add3A_431 {strides = array<i32>} : memref<1x64xi32, #tpu.memory_space<vmem>>, vector<16xi32>,
        %and3A_436 = arith.constant 16383 : i32
        %and3A_437 = vector.broadcast %and3A_436 : i32 to vector<16xi32>
        %and3A_438 = arith.andi %select_n3A_426, %and3A_437 : vector<16xi32>
        %swap3A_439 = arith.constant 0 : i32
        %swap3A_440 = arith.index_cast %swap3A_439 : i32 to index
        %swap3A_441 = arith.constant 48 : index
        %swap3A_442 = tpu.vector_load %arg13[%swap3A_440, %swap3A_441] {strides = array<i32>} : memref<1x64xi32, #tpu.memory_space<vmem>>, vector<16xi32>,
        tpu.vector_store %arg13[%swap3A_440, %swap3A_441], %and3A_438 {strides = array<i32>} : memref<1x64xi32, #tpu.memory_space<vmem>>, vector<16xi32>,
        %add3A_443 = arith.addi %mul3A_2, %mul3A_134 : i32
        %sub3A_444 = vector.broadcast %add3A_443 : i32 to vector<16xi32>
        %sub3A_445 = arith.subi %add3A_431, %sub3A_444 : vector<16xi32>
        %add3A_446 = vector.broadcast %mul3A_121 : i32 to vector<16xi32>
        %add3A_447 = arith.addi %sub3A_445, %add3A_446 : vector<16xi32>
        %swap3A_448 = arith.constant 0 : i32
        %swap3A_449 = arith.index_cast %swap3A_448 : i32 to index
        %swap3A_450 = arith.constant 48 : index
        %swap3A_451 = tpu.vector_load %arg15[%swap3A_449, %swap3A_450] {strides = array<i32>} : memref<1x64xi32, #tpu.memory_space<vmem>>, vector<16xi32>,
        tpu.vector_store %arg15[%swap3A_449, %swap3A_450], %add3A_447 {strides = array<i32>} : memref<1x64xi32, #tpu.memory_space<vmem>>, vector<16xi32>,
        %run_scoped3A = arith.constant 0 : i32
        "tpu.region"() ({
          %run_scoped3A_453 = tpu.sem_alloc : memref<!tpu.dma_semaphore, #tpu.memory_space<semaphore_mem>>
          %dma_start3A_454 = arith.constant 0 : i32
          %dma_start3A_455 = tpu.memref_slice %arg15[%run_scoped3A, %dma_start3A_454] : memref<1x64xi32, #tpu.memory_space<vmem>> -> memref<1x64xi32, #tpu.memory_space<vmem>>
          %dma_start3A_456 = tpu.memref_squeeze %dma_start3A_455 : memref<1x64xi32, #tpu.memory_space<vmem>> -> memref<64xi32, #tpu.memory_space<vmem>>
          %dma_start3A_457 = arith.constant 0 : i32
          %dma_start3A_458 = arith.constant 0 : i32
          %dma_start3A_459 = tpu.memref_slice %arg19[%dma_start3A_457, %dma_start3A_458] : memref<4608x128xf32, #tpu.memory_space<vmem_shared>> -> memref<4608x128xf32, #tpu.memory_space<vmem_shared>>
          tpu.enqueue_indirect_dma source(%arg12 : memref<64x128xf32, #tpu.memory_space<vmem>>) target(%dma_start3A_459 : memref<4608x128xf32, #tpu.memory_space<vmem_shared>>) offsets(%dma_start3A_456 : memref<64xi32, #tpu.memory_space<vmem>>) semaphore(%run_scoped3A_453 : memref<!tpu.dma_semaphore, #tpu.memory_space<semaphore_mem>>)
          %dma_wait3A = arith.constant 0 : i32
          %dma_wait3A_460 = tpu.memref_slice %arg15[%run_scoped3A, %dma_wait3A] : memref<1x64xi32, #tpu.memory_space<vmem>> -> memref<1x64xi32, #tpu.memory_space<vmem>>
          %dma_wait3A_461 = tpu.memref_squeeze %dma_wait3A_460 : memref<1x64xi32, #tpu.memory_space<vmem>> -> memref<64xi32, #tpu.memory_space<vmem>>
          %dma_wait3A_462 = arith.constant 0 : i32
          %dma_wait3A_463 = arith.constant 0 : i32
          %dma_wait3A_464 = tpu.memref_slice %arg19[%dma_wait3A_462, %dma_wait3A_463] : memref<4608x128xf32, #tpu.memory_space<vmem_shared>> -> memref<4608x128xf32, #tpu.memory_space<vmem_shared>>
          tpu.wait_indirect_dma semaphore(%run_scoped3A_453 : memref<!tpu.dma_semaphore, #tpu.memory_space<semaphore_mem>>) src(%arg12 : memref<64x128xf32, #tpu.memory_space<vmem>>) dst(%dma_wait3A_464 : memref<4608x128xf32, #tpu.memory_space<vmem_shared>>)
          tpu.yield
        }) : () -> ()
        %while3A_452 = arith.constant 0 : i32
        scf.yield %while3A_452 : i32
      }
      %while3A_274 = arith.constant 1 : i32
      %while3A_275 = scf.for %while3A_301 = %while3A_271 to %while3A_267 step %while3A_274 iter_args(%while3A_302 = %while3A_273) -> (i32)  : i32 {
        %mul3A_303 = arith.constant 64 : i32
        %mul3A_304 = arith.muli %while3A_301, %mul3A_303 : i32
        %add3A_305 = arith.constant 0 : i32
        %add3A_306 = arith.addi %mul3A_304, %add3A_305 : i32
        %get3A_307 = arith.index_cast %add3A_306 : i32 to index
        %get3A_308 = tpu.vector_load %arg9[%get3A_307] {strides = array<i32>} : memref<16416xi32, #tpu.memory_space<vmem>>, vector<16xi32>,
        %add3A_309 = arith.constant 0 : i32
        %add3A_310 = arith.addi %mul3A_304, %add3A_309 : i32
        %add3A_311 = vector.broadcast %add3A_310 : i32 to vector<16xi32>
        %add3A_312 = arith.addi %add3A_311, %iota3A : vector<16xi32>
        %lt3A_313 = vector.broadcast %while3A_180 : i32 to vector<16xi32>
        %lt3A_314 = arith.cmpi slt, %add3A_312, %lt3A_313 : vector<16xi32>
        %broadcast_in_dim3A_315 = vector.broadcast %reduce_sum3A_235 : i32 to vector<16xi32>
        %select_n3A_316 = arith.select %lt3A_314, %get3A_308, %broadcast_in_dim3A_315 : vector<16xi1>, vector<16xi32>
        %shift_right_arithmetic3A = arith.constant 14 : i32
        %shift_right_arithmetic3A_317 = vector.broadcast %shift_right_arithmetic3A : i32 to vector<16xi32>
        %shift_right_arithmetic3A_318 = arith.shrsi %select_n3A_316, %shift_right_arithmetic3A_317 : vector<16xi32>
        %add3A_319 = vector.broadcast %mul3A_2 : i32 to vector<16xi32>
        %add3A_320 = arith.addi %add3A_319, %shift_right_arithmetic3A_318 : vector<16xi32>
        %swap3A_321 = arith.constant 0 : i32
        %swap3A_322 = arith.index_cast %swap3A_321 : i32 to index
        %swap3A_323 = arith.constant 0 : index
        %swap3A_324 = tpu.vector_load %arg14[%swap3A_322, %swap3A_323] {strides = array<i32>} : memref<1x64xi32, #tpu.memory_space<vmem>>, vector<16xi32>,
        tpu.vector_store %arg14[%swap3A_322, %swap3A_323], %add3A_320 {strides = array<i32>} : memref<1x64xi32, #tpu.memory_space<vmem>>, vector<16xi32>,
        %and3A_325 = arith.constant 16383 : i32
        %and3A_326 = vector.broadcast %and3A_325 : i32 to vector<16xi32>
        %and3A_327 = arith.andi %select_n3A_316, %and3A_326 : vector<16xi32>
        %swap3A_328 = arith.constant 0 : i32
        %swap3A_329 = arith.index_cast %swap3A_328 : i32 to index
        %swap3A_330 = arith.constant 0 : index
        %swap3A_331 = tpu.vector_load %arg13[%swap3A_329, %swap3A_330] {strides = array<i32>} : memref<1x64xi32, #tpu.memory_space<vmem>>, vector<16xi32>,
        tpu.vector_store %arg13[%swap3A_329, %swap3A_330], %and3A_327 {strides = array<i32>} : memref<1x64xi32, #tpu.memory_space<vmem>>, vector<16xi32>,
        %add3A_332 = arith.addi %mul3A_2, %mul3A_134 : i32
        %sub3A_333 = vector.broadcast %add3A_332 : i32 to vector<16xi32>
        %sub3A_334 = arith.subi %add3A_320, %sub3A_333 : vector<16xi32>
        %add3A_335 = vector.broadcast %mul3A_121 : i32 to vector<16xi32>
        %add3A_336 = arith.addi %sub3A_334, %add3A_335 : vector<16xi32>
        %swap3A_337 = arith.constant 0 : i32
        %swap3A_338 = arith.index_cast %swap3A_337 : i32 to index
        %swap3A_339 = arith.constant 0 : index
        %swap3A_340 = tpu.vector_load %arg15[%swap3A_338, %swap3A_339] {strides = array<i32>} : memref<1x64xi32, #tpu.memory_space<vmem>>, vector<16xi32>,
        tpu.vector_store %arg15[%swap3A_338, %swap3A_339], %add3A_336 {strides = array<i32>} : memref<1x64xi32, #tpu.memory_space<vmem>>, vector<16xi32>,
        %add3A_341 = arith.constant 16 : i32
        %add3A_342 = arith.addi %mul3A_304, %add3A_341 : i32
        %get3A_343 = arith.index_cast %add3A_342 : i32 to index
        %get3A_344 = tpu.vector_load %arg9[%get3A_343] {strides = array<i32>} : memref<16416xi32, #tpu.memory_space<vmem>>, vector<16xi32>,
        %add3A_345 = arith.constant 16 : i32
        %add3A_346 = arith.addi %mul3A_304, %add3A_345 : i32
        %add3A_347 = vector.broadcast %add3A_346 : i32 to vector<16xi32>
        %add3A_348 = arith.addi %add3A_347, %iota3A : vector<16xi32>
        %lt3A_349 = vector.broadcast %while3A_180 : i32 to vector<16xi32>
        %lt3A_350 = arith.cmpi slt, %add3A_348, %lt3A_349 : vector<16xi32>
        %broadcast_in_dim3A_351 = vector.broadcast %reduce_sum3A_235 : i32 to vector<16xi32>
        %select_n3A_352 = arith.select %lt3A_350, %get3A_344, %broadcast_in_dim3A_351 : vector<16xi1>, vector<16xi32>
        %shift_right_arithmetic3A_353 = arith.constant 14 : i32
        %shift_right_arithmetic3A_354 = vector.broadcast %shift_right_arithmetic3A_353 : i32 to vector<16xi32>
        %shift_right_arithmetic3A_355 = arith.shrsi %select_n3A_352, %shift_right_arithmetic3A_354 : vector<16xi32>
        %add3A_356 = vector.broadcast %mul3A_2 : i32 to vector<16xi32>
        %add3A_357 = arith.addi %add3A_356, %shift_right_arithmetic3A_355 : vector<16xi32>
        %swap3A_358 = arith.constant 0 : i32
        %swap3A_359 = arith.index_cast %swap3A_358 : i32 to index
        %swap3A_360 = arith.constant 16 : index
        %swap3A_361 = tpu.vector_load %arg14[%swap3A_359, %swap3A_360] {strides = array<i32>} : memref<1x64xi32, #tpu.memory_space<vmem>>, vector<16xi32>,
        tpu.vector_store %arg14[%swap3A_359, %swap3A_360], %add3A_357 {strides = array<i32>} : memref<1x64xi32, #tpu.memory_space<vmem>>, vector<16xi32>,
        %and3A_362 = arith.constant 16383 : i32
        %and3A_363 = vector.broadcast %and3A_362 : i32 to vector<16xi32>
        %and3A_364 = arith.andi %select_n3A_352, %and3A_363 : vector<16xi32>
        %swap3A_365 = arith.constant 0 : i32
        %swap3A_366 = arith.index_cast %swap3A_365 : i32 to index
        %swap3A_367 = arith.constant 16 : index
        %swap3A_368 = tpu.vector_load %arg13[%swap3A_366, %swap3A_367] {strides = array<i32>} : memref<1x64xi32, #tpu.memory_space<vmem>>, vector<16xi32>,
        tpu.vector_store %arg13[%swap3A_366, %swap3A_367], %and3A_364 {strides = array<i32>} : memref<1x64xi32, #tpu.memory_space<vmem>>, vector<16xi32>,
        %add3A_369 = arith.addi %mul3A_2, %mul3A_134 : i32
        %sub3A_370 = vector.broadcast %add3A_369 : i32 to vector<16xi32>
        %sub3A_371 = arith.subi %add3A_357, %sub3A_370 : vector<16xi32>
        %add3A_372 = vector.broadcast %mul3A_121 : i32 to vector<16xi32>
        %add3A_373 = arith.addi %sub3A_371, %add3A_372 : vector<16xi32>
        %swap3A_374 = arith.constant 0 : i32
        %swap3A_375 = arith.index_cast %swap3A_374 : i32 to index
        %swap3A_376 = arith.constant 16 : index
        %swap3A_377 = tpu.vector_load %arg15[%swap3A_375, %swap3A_376] {strides = array<i32>} : memref<1x64xi32, #tpu.memory_space<vmem>>, vector<16xi32>,
        tpu.vector_store %arg15[%swap3A_375, %swap3A_376], %add3A_373 {strides = array<i32>} : memref<1x64xi32, #tpu.memory_space<vmem>>, vector<16xi32>,
        %add3A_378 = arith.constant 32 : i32
        %add3A_379 = arith.addi %mul3A_304, %add3A_378 : i32
        %get3A_380 = arith.index_cast %add3A_379 : i32 to index
        %get3A_381 = tpu.vector_load %arg9[%get3A_380] {strides = array<i32>} : memref<16416xi32, #tpu.memory_space<vmem>>, vector<16xi32>,
        %add3A_382 = arith.constant 32 : i32
        %add3A_383 = arith.addi %mul3A_304, %add3A_382 : i32
        %add3A_384 = vector.broadcast %add3A_383 : i32 to vector<16xi32>
        %add3A_385 = arith.addi %add3A_384, %iota3A : vector<16xi32>
        %lt3A_386 = vector.broadcast %while3A_180 : i32 to vector<16xi32>
        %lt3A_387 = arith.cmpi slt, %add3A_385, %lt3A_386 : vector<16xi32>
        %broadcast_in_dim3A_388 = vector.broadcast %reduce_sum3A_235 : i32 to vector<16xi32>
        %select_n3A_389 = arith.select %lt3A_387, %get3A_381, %broadcast_in_dim3A_388 : vector<16xi1>, vector<16xi32>
        %shift_right_arithmetic3A_390 = arith.constant 14 : i32
        %shift_right_arithmetic3A_391 = vector.broadcast %shift_right_arithmetic3A_390 : i32 to vector<16xi32>
        %shift_right_arithmetic3A_392 = arith.shrsi %select_n3A_389, %shift_right_arithmetic3A_391 : vector<16xi32>
        %add3A_393 = vector.broadcast %mul3A_2 : i32 to vector<16xi32>
        %add3A_394 = arith.addi %add3A_393, %shift_right_arithmetic3A_392 : vector<16xi32>
        %swap3A_395 = arith.constant 0 : i32
        %swap3A_396 = arith.index_cast %swap3A_395 : i32 to index
        %swap3A_397 = arith.constant 32 : index
        %swap3A_398 = tpu.vector_load %arg14[%swap3A_396, %swap3A_397] {strides = array<i32>} : memref<1x64xi32, #tpu.memory_space<vmem>>, vector<16xi32>,
        tpu.vector_store %arg14[%swap3A_396, %swap3A_397], %add3A_394 {strides = array<i32>} : memref<1x64xi32, #tpu.memory_space<vmem>>, vector<16xi32>,
        %and3A_399 = arith.constant 16383 : i32
        %and3A_400 = vector.broadcast %and3A_399 : i32 to vector<16xi32>
        %and3A_401 = arith.andi %select_n3A_389, %and3A_400 : vector<16xi32>
        %swap3A_402 = arith.constant 0 : i32
        %swap3A_403 = arith.index_cast %swap3A_402 : i32 to index
        %swap3A_404 = arith.constant 32 : index
        %swap3A_405 = tpu.vector_load %arg13[%swap3A_403, %swap3A_404] {strides = array<i32>} : memref<1x64xi32, #tpu.memory_space<vmem>>, vector<16xi32>,
        tpu.vector_store %arg13[%swap3A_403, %swap3A_404], %and3A_401 {strides = array<i32>} : memref<1x64xi32, #tpu.memory_space<vmem>>, vector<16xi32>,
        %add3A_406 = arith.addi %mul3A_2, %mul3A_134 : i32
        %sub3A_407 = vector.broadcast %add3A_406 : i32 to vector<16xi32>
        %sub3A_408 = arith.subi %add3A_394, %sub3A_407 : vector<16xi32>
        %add3A_409 = vector.broadcast %mul3A_121 : i32 to vector<16xi32>
        %add3A_410 = arith.addi %sub3A_408, %add3A_409 : vector<16xi32>
        %swap3A_411 = arith.constant 0 : i32
        %swap3A_412 = arith.index_cast %swap3A_411 : i32 to index
        %swap3A_413 = arith.constant 32 : index
        %swap3A_414 = tpu.vector_load %arg15[%swap3A_412, %swap3A_413] {strides = array<i32>} : memref<1x64xi32, #tpu.memory_space<vmem>>, vector<16xi32>,
        tpu.vector_store %arg15[%swap3A_412, %swap3A_413], %add3A_410 {strides = array<i32>} : memref<1x64xi32, #tpu.memory_space<vmem>>, vector<16xi32>,
        %add3A_415 = arith.constant 48 : i32
        %add3A_416 = arith.addi %mul3A_304, %add3A_415 : i32
        %get3A_417 = arith.index_cast %add3A_416 : i32 to index
        %get3A_418 = tpu.vector_load %arg9[%get3A_417] {strides = array<i32>} : memref<16416xi32, #tpu.memory_space<vmem>>, vector<16xi32>,
        %add3A_419 = arith.constant 48 : i32
        %add3A_420 = arith.addi %mul3A_304, %add3A_419 : i32
        %add3A_421 = vector.broadcast %add3A_420 : i32 to vector<16xi32>
        %add3A_422 = arith.addi %add3A_421, %iota3A : vector<16xi32>
        %lt3A_423 = vector.broadcast %while3A_180 : i32 to vector<16xi32>
        %lt3A_424 = arith.cmpi slt, %add3A_422, %lt3A_423 : vector<16xi32>
        %broadcast_in_dim3A_425 = vector.broadcast %reduce_sum3A_235 : i32 to vector<16xi32>
        %select_n3A_426 = arith.select %lt3A_424, %get3A_418, %broadcast_in_dim3A_425 : vector<16xi1>, vector<16xi32>
        %shift_right_arithmetic3A_427 = arith.constant 14 : i32
        %shift_right_arithmetic3A_428 = vector.broadcast %shift_right_arithmetic3A_427 : i32 to vector<16xi32>
        %shift_right_arithmetic3A_429 = arith.shrsi %select_n3A_426, %shift_right_arithmetic3A_428 : vector<16xi32>
        %add3A_430 = vector.broadcast %mul3A_2 : i32 to vector<16xi32>
        %add3A_431 = arith.addi %add3A_430, %shift_right_arithmetic3A_429 : vector<16xi32>
        %swap3A_432 = arith.constant 0 : i32
        %swap3A_433 = arith.index_cast %swap3A_432 : i32 to index
        %swap3A_434 = arith.constant 48 : index
        %swap3A_435 = tpu.vector_load %arg14[%swap3A_433, %swap3A_434] {strides = array<i32>} : memref<1x64xi32, #tpu.memory_space<vmem>>, vector<16xi32>,
        tpu.vector_store %arg14[%swap3A_433, %swap3A_434], %add3A_431 {strides = array<i32>} : memref<1x64xi32, #tpu.memory_space<vmem>>, vector<16xi32>,
        %and3A_436 = arith.constant 16383 : i32
        %and3A_437 = vector.broadcast %and3A_436 : i32 to vector<16xi32>
        %and3A_438 = arith.andi %select_n3A_426, %and3A_437 : vector<16xi32>
        %swap3A_439 = arith.constant 0 : i32
        %swap3A_440 = arith.index_cast %swap3A_439 : i32 to index
        %swap3A_441 = arith.constant 48 : index
        %swap3A_442 = tpu.vector_load %arg13[%swap3A_440, %swap3A_441] {strides = array<i32>} : memref<1x64xi32, #tpu.memory_space<vmem>>, vector<16xi32>,
        tpu.vector_store %arg13[%swap3A_440, %swap3A_441], %and3A_438 {strides = array<i32>} : memref<1x64xi32, #tpu.memory_space<vmem>>, vector<16xi32>,
        %add3A_443 = arith.addi %mul3A_2, %mul3A_134 : i32
        %sub3A_444 = vector.broadcast %add3A_443 : i32 to vector<16xi32>
        %sub3A_445 = arith.subi %add3A_431, %sub3A_444 : vector<16xi32>
        %add3A_446 = vector.broadcast %mul3A_121 : i32 to vector<16xi32>
        %add3A_447 = arith.addi %sub3A_445, %add3A_446 : vector<16xi32>
        %swap3A_448 = arith.constant 0 : i32
        %swap3A_449 = arith.index_cast %swap3A_448 : i32 to index
        %swap3A_450 = arith.constant 48 : index
        %swap3A_451 = tpu.vector_load %arg15[%swap3A_449, %swap3A_450] {strides = array<i32>} : memref<1x64xi32, #tpu.memory_space<vmem>>, vector<16xi32>,
        tpu.vector_store %arg15[%swap3A_449, %swap3A_450], %add3A_447 {strides = array<i32>} : memref<1x64xi32, #tpu.memory_space<vmem>>, vector<16xi32>,
        %run_scoped3A = arith.constant 0 : i32
        "tpu.region"() ({
          %run_scoped3A_453 = tpu.sem_alloc : memref<!tpu.dma_semaphore, #tpu.memory_space<semaphore_mem>>
          %dma_start3A_454 = arith.constant 0 : i32
          %dma_start3A_455 = tpu.memref_slice %arg15[%run_scoped3A, %dma_start3A_454] : memref<1x64xi32, #tpu.memory_space<vmem>> -> memref<1x64xi32, #tpu.memory_space<vmem>>
          %dma_start3A_456 = tpu.memref_squeeze %dma_start3A_455 : memref<1x64xi32, #tpu.memory_space<vmem>> -> memref<64xi32, #tpu.memory_space<vmem>>
          %dma_start3A_457 = arith.constant 0 : i32
          %dma_start3A_458 = arith.constant 0 : i32
          %dma_start3A_459 = tpu.memref_slice %arg19[%dma_start3A_457, %dma_start3A_458] : memref<4608x128xf32, #tpu.memory_space<vmem_shared>> -> memref<4608x128xf32, #tpu.memory_space<vmem_shared>>
          tpu.enqueue_indirect_dma source(%arg12 : memref<64x128xf32, #tpu.memory_space<vmem>>) target(%dma_start3A_459 : memref<4608x128xf32, #tpu.memory_space<vmem_shared>>) offsets(%dma_start3A_456 : memref<64xi32, #tpu.memory_space<vmem>>) semaphore(%run_scoped3A_453 : memref<!tpu.dma_semaphore, #tpu.memory_space<semaphore_mem>>)
          %dma_wait3A = arith.constant 0 : i32
          %dma_wait3A_460 = tpu.memref_slice %arg15[%run_scoped3A, %dma_wait3A] : memref<1x64xi32, #tpu.memory_space<vmem>> -> memref<1x64xi32, #tpu.memory_space<vmem>>
          %dma_wait3A_461 = tpu.memref_squeeze %dma_wait3A_460 : memref<1x64xi32, #tpu.memory_space<vmem>> -> memref<64xi32, #tpu.memory_space<vmem>>
          %dma_wait3A_462 = arith.constant 0 : i32
          %dma_wait3A_463 = arith.constant 0 : i32
          %dma_wait3A_464 = tpu.memref_slice %arg19[%dma_wait3A_462, %dma_wait3A_463] : memref<4608x128xf32, #tpu.memory_space<vmem_shared>> -> memref<4608x128xf32, #tpu.memory_space<vmem_shared>>
          tpu.wait_indirect_dma semaphore(%run_scoped3A_453 : memref<!tpu.dma_semaphore, #tpu.memory_space<semaphore_mem>>) src(%arg12 : memref<64x128xf32, #tpu.memory_space<vmem>>) dst(%dma_wait3A_464 : memref<4608x128xf32, #tpu.memory_space<vmem_shared>>)
          tpu.yield
        }) : () -> ()
        %while3A_452 = arith.constant 0 : i32
        scf.yield %while3A_452 : i32
      }
      %while3A_276 = arith.constant 0 : i32
      %while3A_277 = arith.constant 0 : i32
      %while3A_278 = arith.subi %select_n3A_263, %while3A_276 : i32
      %while3A_279 = arith.addi %while3A_276, %while3A_278 : i32
      %while3A_280 = arith.constant 1 : i32
      %while3A_281 = arith.divsi %while3A_278, %while3A_280 : i32
      %while3A_282 = arith.muli %while3A_281, %while3A_280 : i32
      %while3A_283 = arith.addi %while3A_276, %while3A_282 : i32
      %while3A_284 = arith.constant 1 : i32
      %while3A_285 = scf.for %while3A_301 = %while3A_276 to %while3A_283 step %while3A_284 iter_args(%while3A_302 = %while3A_277) -> (i32)  : i32 {
        %mul3A_303 = arith.constant 64 : i32
        %mul3A_304 = arith.muli %while3A_301, %mul3A_303 : i32
        %add3A_305 = arith.constant 0 : i32
        %add3A_306 = arith.addi %mul3A_304, %add3A_305 : i32
        %get3A_307 = arith.index_cast %add3A_306 : i32 to index
        %get3A_308 = tpu.vector_load %arg9[%get3A_307] {strides = array<i32>} : memref<16416xi32, #tpu.memory_space<vmem>>, vector<16xi32>,
        %add3A_309 = arith.constant 0 : i32
        %add3A_310 = arith.addi %mul3A_304, %add3A_309 : i32
        %add3A_311 = vector.broadcast %add3A_310 : i32 to vector<16xi32>
        %add3A_312 = arith.addi %add3A_311, %iota3A : vector<16xi32>
        %lt3A_313 = vector.broadcast %while3A_180 : i32 to vector<16xi32>
        %lt3A_314 = arith.cmpi slt, %add3A_312, %lt3A_313 : vector<16xi32>
        %broadcast_in_dim3A_315 = vector.broadcast %reduce_sum3A_235 : i32 to vector<16xi32>
        %select_n3A_316 = arith.select %lt3A_314, %get3A_308, %broadcast_in_dim3A_315 : vector<16xi1>, vector<16xi32>
        %shift_right_arithmetic3A = arith.constant 14 : i32
        %shift_right_arithmetic3A_317 = vector.broadcast %shift_right_arithmetic3A : i32 to vector<16xi32>
        %shift_right_arithmetic3A_318 = arith.shrsi %select_n3A_316, %shift_right_arithmetic3A_317 : vector<16xi32>
        %add3A_319 = vector.broadcast %mul3A_2 : i32 to vector<16xi32>
        %add3A_320 = arith.addi %add3A_319, %shift_right_arithmetic3A_318 : vector<16xi32>
        %swap3A_321 = arith.constant 0 : i32
        %swap3A_322 = arith.index_cast %swap3A_321 : i32 to index
        %swap3A_323 = arith.constant 0 : index
        %swap3A_324 = tpu.vector_load %arg14[%swap3A_322, %swap3A_323] {strides = array<i32>} : memref<1x64xi32, #tpu.memory_space<vmem>>, vector<16xi32>,
        tpu.vector_store %arg14[%swap3A_322, %swap3A_323], %add3A_320 {strides = array<i32>} : memref<1x64xi32, #tpu.memory_space<vmem>>, vector<16xi32>,
        %and3A_325 = arith.constant 16383 : i32
        %and3A_326 = vector.broadcast %and3A_325 : i32 to vector<16xi32>
        %and3A_327 = arith.andi %select_n3A_316, %and3A_326 : vector<16xi32>
        %swap3A_328 = arith.constant 0 : i32
        %swap3A_329 = arith.index_cast %swap3A_328 : i32 to index
        %swap3A_330 = arith.constant 0 : index
        %swap3A_331 = tpu.vector_load %arg13[%swap3A_329, %swap3A_330] {strides = array<i32>} : memref<1x64xi32, #tpu.memory_space<vmem>>, vector<16xi32>,
        tpu.vector_store %arg13[%swap3A_329, %swap3A_330], %and3A_327 {strides = array<i32>} : memref<1x64xi32, #tpu.memory_space<vmem>>, vector<16xi32>,
        %add3A_332 = arith.addi %mul3A_2, %mul3A_134 : i32
        %sub3A_333 = vector.broadcast %add3A_332 : i32 to vector<16xi32>
        %sub3A_334 = arith.subi %add3A_320, %sub3A_333 : vector<16xi32>
        %add3A_335 = vector.broadcast %mul3A_121 : i32 to vector<16xi32>
        %add3A_336 = arith.addi %sub3A_334, %add3A_335 : vector<16xi32>
        %swap3A_337 = arith.constant 0 : i32
        %swap3A_338 = arith.index_cast %swap3A_337 : i32 to index
        %swap3A_339 = arith.constant 0 : index
        %swap3A_340 = tpu.vector_load %arg15[%swap3A_338, %swap3A_339] {strides = array<i32>} : memref<1x64xi32, #tpu.memory_space<vmem>>, vector<16xi32>,
        tpu.vector_store %arg15[%swap3A_338, %swap3A_339], %add3A_336 {strides = array<i32>} : memref<1x64xi32, #tpu.memory_space<vmem>>, vector<16xi32>,
        %add3A_341 = arith.constant 16 : i32
        %add3A_342 = arith.addi %mul3A_304, %add3A_341 : i32
        %get3A_343 = arith.index_cast %add3A_342 : i32 to index
        %get3A_344 = tpu.vector_load %arg9[%get3A_343] {strides = array<i32>} : memref<16416xi32, #tpu.memory_space<vmem>>, vector<16xi32>,
        %add3A_345 = arith.constant 16 : i32
        %add3A_346 = arith.addi %mul3A_304, %add3A_345 : i32
        %add3A_347 = vector.broadcast %add3A_346 : i32 to vector<16xi32>
        %add3A_348 = arith.addi %add3A_347, %iota3A : vector<16xi32>
        %lt3A_349 = vector.broadcast %while3A_180 : i32 to vector<16xi32>
        %lt3A_350 = arith.cmpi slt, %add3A_348, %lt3A_349 : vector<16xi32>
        %broadcast_in_dim3A_351 = vector.broadcast %reduce_sum3A_235 : i32 to vector<16xi32>
        %select_n3A_352 = arith.select %lt3A_350, %get3A_344, %broadcast_in_dim3A_351 : vector<16xi1>, vector<16xi32>
        %shift_right_arithmetic3A_353 = arith.constant 14 : i32
        %shift_right_arithmetic3A_354 = vector.broadcast %shift_right_arithmetic3A_353 : i32 to vector<16xi32>
        %shift_right_arithmetic3A_355 = arith.shrsi %select_n3A_352, %shift_right_arithmetic3A_354 : vector<16xi32>
        %add3A_356 = vector.broadcast %mul3A_2 : i32 to vector<16xi32>
        %add3A_357 = arith.addi %add3A_356, %shift_right_arithmetic3A_355 : vector<16xi32>
        %swap3A_358 = arith.constant 0 : i32
        %swap3A_359 = arith.index_cast %swap3A_358 : i32 to index
        %swap3A_360 = arith.constant 16 : index
        %swap3A_361 = tpu.vector_load %arg14[%swap3A_359, %swap3A_360] {strides = array<i32>} : memref<1x64xi32, #tpu.memory_space<vmem>>, vector<16xi32>,
        tpu.vector_store %arg14[%swap3A_359, %swap3A_360], %add3A_357 {strides = array<i32>} : memref<1x64xi32, #tpu.memory_space<vmem>>, vector<16xi32>,
        %and3A_362 = arith.constant 16383 : i32
        %and3A_363 = vector.broadcast %and3A_362 : i32 to vector<16xi32>
        %and3A_364 = arith.andi %select_n3A_352, %and3A_363 : vector<16xi32>
        %swap3A_365 = arith.constant 0 : i32
        %swap3A_366 = arith.index_cast %swap3A_365 : i32 to index
        %swap3A_367 = arith.constant 16 : index
        %swap3A_368 = tpu.vector_load %arg13[%swap3A_366, %swap3A_367] {strides = array<i32>} : memref<1x64xi32, #tpu.memory_space<vmem>>, vector<16xi32>,
        tpu.vector_store %arg13[%swap3A_366, %swap3A_367], %and3A_364 {strides = array<i32>} : memref<1x64xi32, #tpu.memory_space<vmem>>, vector<16xi32>,
        %add3A_369 = arith.addi %mul3A_2, %mul3A_134 : i32
        %sub3A_370 = vector.broadcast %add3A_369 : i32 to vector<16xi32>
        %sub3A_371 = arith.subi %add3A_357, %sub3A_370 : vector<16xi32>
        %add3A_372 = vector.broadcast %mul3A_121 : i32 to vector<16xi32>
        %add3A_373 = arith.addi %sub3A_371, %add3A_372 : vector<16xi32>
        %swap3A_374 = arith.constant 0 : i32
        %swap3A_375 = arith.index_cast %swap3A_374 : i32 to index
        %swap3A_376 = arith.constant 16 : index
        %swap3A_377 = tpu.vector_load %arg15[%swap3A_375, %swap3A_376] {strides = array<i32>} : memref<1x64xi32, #tpu.memory_space<vmem>>, vector<16xi32>,
        tpu.vector_store %arg15[%swap3A_375, %swap3A_376], %add3A_373 {strides = array<i32>} : memref<1x64xi32, #tpu.memory_space<vmem>>, vector<16xi32>,
        %add3A_378 = arith.constant 32 : i32
        %add3A_379 = arith.addi %mul3A_304, %add3A_378 : i32
        %get3A_380 = arith.index_cast %add3A_379 : i32 to index
        %get3A_381 = tpu.vector_load %arg9[%get3A_380] {strides = array<i32>} : memref<16416xi32, #tpu.memory_space<vmem>>, vector<16xi32>,
        %add3A_382 = arith.constant 32 : i32
        %add3A_383 = arith.addi %mul3A_304, %add3A_382 : i32
        %add3A_384 = vector.broadcast %add3A_383 : i32 to vector<16xi32>
        %add3A_385 = arith.addi %add3A_384, %iota3A : vector<16xi32>
        %lt3A_386 = vector.broadcast %while3A_180 : i32 to vector<16xi32>
        %lt3A_387 = arith.cmpi slt, %add3A_385, %lt3A_386 : vector<16xi32>
        %broadcast_in_dim3A_388 = vector.broadcast %reduce_sum3A_235 : i32 to vector<16xi32>
        %select_n3A_389 = arith.select %lt3A_387, %get3A_381, %broadcast_in_dim3A_388 : vector<16xi1>, vector<16xi32>
        %shift_right_arithmetic3A_390 = arith.constant 14 : i32
        %shift_right_arithmetic3A_391 = vector.broadcast %shift_right_arithmetic3A_390 : i32 to vector<16xi32>
        %shift_right_arithmetic3A_392 = arith.shrsi %select_n3A_389, %shift_right_arithmetic3A_391 : vector<16xi32>
        %add3A_393 = vector.broadcast %mul3A_2 : i32 to vector<16xi32>
        %add3A_394 = arith.addi %add3A_393, %shift_right_arithmetic3A_392 : vector<16xi32>
        %swap3A_395 = arith.constant 0 : i32
        %swap3A_396 = arith.index_cast %swap3A_395 : i32 to index
        %swap3A_397 = arith.constant 32 : index
        %swap3A_398 = tpu.vector_load %arg14[%swap3A_396, %swap3A_397] {strides = array<i32>} : memref<1x64xi32, #tpu.memory_space<vmem>>, vector<16xi32>,
        tpu.vector_store %arg14[%swap3A_396, %swap3A_397], %add3A_394 {strides = array<i32>} : memref<1x64xi32, #tpu.memory_space<vmem>>, vector<16xi32>,
        %and3A_399 = arith.constant 16383 : i32
        %and3A_400 = vector.broadcast %and3A_399 : i32 to vector<16xi32>
        %and3A_401 = arith.andi %select_n3A_389, %and3A_400 : vector<16xi32>
        %swap3A_402 = arith.constant 0 : i32
        %swap3A_403 = arith.index_cast %swap3A_402 : i32 to index
        %swap3A_404 = arith.constant 32 : index
        %swap3A_405 = tpu.vector_load %arg13[%swap3A_403, %swap3A_404] {strides = array<i32>} : memref<1x64xi32, #tpu.memory_space<vmem>>, vector<16xi32>,
        tpu.vector_store %arg13[%swap3A_403, %swap3A_404], %and3A_401 {strides = array<i32>} : memref<1x64xi32, #tpu.memory_space<vmem>>, vector<16xi32>,
        %add3A_406 = arith.addi %mul3A_2, %mul3A_134 : i32
        %sub3A_407 = vector.broadcast %add3A_406 : i32 to vector<16xi32>
        %sub3A_408 = arith.subi %add3A_394, %sub3A_407 : vector<16xi32>
        %add3A_409 = vector.broadcast %mul3A_121 : i32 to vector<16xi32>
        %add3A_410 = arith.addi %sub3A_408, %add3A_409 : vector<16xi32>
        %swap3A_411 = arith.constant 0 : i32
        %swap3A_412 = arith.index_cast %swap3A_411 : i32 to index
        %swap3A_413 = arith.constant 32 : index
        %swap3A_414 = tpu.vector_load %arg15[%swap3A_412, %swap3A_413] {strides = array<i32>} : memref<1x64xi32, #tpu.memory_space<vmem>>, vector<16xi32>,
        tpu.vector_store %arg15[%swap3A_412, %swap3A_413], %add3A_410 {strides = array<i32>} : memref<1x64xi32, #tpu.memory_space<vmem>>, vector<16xi32>,
        %add3A_415 = arith.constant 48 : i32
        %add3A_416 = arith.addi %mul3A_304, %add3A_415 : i32
        %get3A_417 = arith.index_cast %add3A_416 : i32 to index
        %get3A_418 = tpu.vector_load %arg9[%get3A_417] {strides = array<i32>} : memref<16416xi32, #tpu.memory_space<vmem>>, vector<16xi32>,
        %add3A_419 = arith.constant 48 : i32
        %add3A_420 = arith.addi %mul3A_304, %add3A_419 : i32
        %add3A_421 = vector.broadcast %add3A_420 : i32 to vector<16xi32>
        %add3A_422 = arith.addi %add3A_421, %iota3A : vector<16xi32>
        %lt3A_423 = vector.broadcast %while3A_180 : i32 to vector<16xi32>
        %lt3A_424 = arith.cmpi slt, %add3A_422, %lt3A_423 : vector<16xi32>
        %broadcast_in_dim3A_425 = vector.broadcast %reduce_sum3A_235 : i32 to vector<16xi32>
        %select_n3A_426 = arith.select %lt3A_424, %get3A_418, %broadcast_in_dim3A_425 : vector<16xi1>, vector<16xi32>
        %shift_right_arithmetic3A_427 = arith.constant 14 : i32
        %shift_right_arithmetic3A_428 = vector.broadcast %shift_right_arithmetic3A_427 : i32 to vector<16xi32>
        %shift_right_arithmetic3A_429 = arith.shrsi %select_n3A_426, %shift_right_arithmetic3A_428 : vector<16xi32>
        %add3A_430 = vector.broadcast %mul3A_2 : i32 to vector<16xi32>
        %add3A_431 = arith.addi %add3A_430, %shift_right_arithmetic3A_429 : vector<16xi32>
        %swap3A_432 = arith.constant 0 : i32
        %swap3A_433 = arith.index_cast %swap3A_432 : i32 to index
        %swap3A_434 = arith.constant 48 : index
        %swap3A_435 = tpu.vector_load %arg14[%swap3A_433, %swap3A_434] {strides = array<i32>} : memref<1x64xi32, #tpu.memory_space<vmem>>, vector<16xi32>,
        tpu.vector_store %arg14[%swap3A_433, %swap3A_434], %add3A_431 {strides = array<i32>} : memref<1x64xi32, #tpu.memory_space<vmem>>, vector<16xi32>,
        %and3A_436 = arith.constant 16383 : i32
        %and3A_437 = vector.broadcast %and3A_436 : i32 to vector<16xi32>
        %and3A_438 = arith.andi %select_n3A_426, %and3A_437 : vector<16xi32>
        %swap3A_439 = arith.constant 0 : i32
        %swap3A_440 = arith.index_cast %swap3A_439 : i32 to index
        %swap3A_441 = arith.constant 48 : index
        %swap3A_442 = tpu.vector_load %arg13[%swap3A_440, %swap3A_441] {strides = array<i32>} : memref<1x64xi32, #tpu.memory_space<vmem>>, vector<16xi32>,
        tpu.vector_store %arg13[%swap3A_440, %swap3A_441], %and3A_438 {strides = array<i32>} : memref<1x64xi32, #tpu.memory_space<vmem>>, vector<16xi32>,
        %add3A_443 = arith.addi %mul3A_2, %mul3A_134 : i32
        %sub3A_444 = vector.broadcast %add3A_443 : i32 to vector<16xi32>
        %sub3A_445 = arith.subi %add3A_431, %sub3A_444 : vector<16xi32>
        %add3A_446 = vector.broadcast %mul3A_121 : i32 to vector<16xi32>
        %add3A_447 = arith.addi %sub3A_445, %add3A_446 : vector<16xi32>
        %swap3A_448 = arith.constant 0 : i32
        %swap3A_449 = arith.index_cast %swap3A_448 : i32 to index
        %swap3A_450 = arith.constant 48 : index
        %swap3A_451 = tpu.vector_load %arg15[%swap3A_449, %swap3A_450] {strides = array<i32>} : memref<1x64xi32, #tpu.memory_space<vmem>>, vector<16xi32>,
        tpu.vector_store %arg15[%swap3A_449, %swap3A_450], %add3A_447 {strides = array<i32>} : memref<1x64xi32, #tpu.memory_space<vmem>>, vector<16xi32>,
        %dma_start3A_452 = arith.constant 0 : i32
        %dma_start3A_453 = arith.constant 0 : i32
        %dma_start3A_454 = tpu.memref_slice %arg13[%dma_start3A_452, %dma_start3A_453] : memref<1x64xi32, #tpu.memory_space<vmem>> -> memref<1x64xi32, #tpu.memory_space<vmem>>
        %dma_start3A_455 = tpu.memref_squeeze %dma_start3A_454 : memref<1x64xi32, #tpu.memory_space<vmem>> -> memref<64xi32, #tpu.memory_space<vmem>>
        %dma_start3A_456 = arith.constant 0 : i32
        %dma_start3A_457 = arith.constant 0 : i32
        %dma_start3A_458 = tpu.memref_slice %arg2[%dma_start3A_456, %dma_start3A_457] : memref<16384x128xf32, #tpu.memory_space<hbm>> -> memref<16384x128xf32, #tpu.memory_space<hbm>>
        tpu.enqueue_indirect_dma source(%dma_start3A_458 : memref<16384x128xf32, #tpu.memory_space<hbm>>) target(%arg10 : memref<64x128xf32, #tpu.memory_space<vmem>>) offsets(%dma_start3A_455 : memref<64xi32, #tpu.memory_space<vmem>>) semaphore(%arg20 : memref<!tpu.dma_semaphore, #tpu.memory_space<semaphore_mem>>)
        %dma_start3A_459 = arith.constant 0 : i32
        %dma_start3A_460 = arith.constant 0 : i32
        %dma_start3A_461 = tpu.memref_slice %arg14[%dma_start3A_459, %dma_start3A_460] : memref<1x64xi32, #tpu.memory_space<vmem>> -> memref<1x64xi32, #tpu.memory_space<vmem>>
        %dma_start3A_462 = tpu.memref_squeeze %dma_start3A_461 : memref<1x64xi32, #tpu.memory_space<vmem>> -> memref<64xi32, #tpu.memory_space<vmem>>
        %dma_start3A_463 = arith.constant 0 : i32
        %dma_start3A_464 = arith.constant 0 : i32
        %dma_start3A_465 = tpu.memref_slice %arg4[%dma_start3A_463, %dma_start3A_464] : memref<100000x128xf32, #tpu.memory_space<hbm>> -> memref<100000x128xf32, #tpu.memory_space<hbm>>
        tpu.enqueue_indirect_dma source(%dma_start3A_465 : memref<100000x128xf32, #tpu.memory_space<hbm>>) target(%arg11 : memref<64x128xf32, #tpu.memory_space<vmem>>) offsets(%dma_start3A_462 : memref<64xi32, #tpu.memory_space<vmem>>) semaphore(%arg21 : memref<!tpu.dma_semaphore, #tpu.memory_space<semaphore_mem>>)
        %dma_wait3A = arith.constant 0 : i32
        %dma_wait3A_466 = arith.constant 0 : i32
        %dma_wait3A_467 = tpu.memref_slice %arg13[%dma_wait3A, %dma_wait3A_466] : memref<1x64xi32, #tpu.memory_space<vmem>> -> memref<1x64xi32, #tpu.memory_space<vmem>>
        %dma_wait3A_468 = tpu.memref_squeeze %dma_wait3A_467 : memref<1x64xi32, #tpu.memory_space<vmem>> -> memref<64xi32, #tpu.memory_space<vmem>>
        %dma_wait3A_469 = arith.constant 0 : i32
        %dma_wait3A_470 = arith.constant 0 : i32
        %dma_wait3A_471 = tpu.memref_slice %arg2[%dma_wait3A_469, %dma_wait3A_470] : memref<16384x128xf32, #tpu.memory_space<hbm>> -> memref<16384x128xf32, #tpu.memory_space<hbm>>
        tpu.wait_indirect_dma semaphore(%arg20 : memref<!tpu.dma_semaphore, #tpu.memory_space<semaphore_mem>>) src(%dma_wait3A_471 : memref<16384x128xf32, #tpu.memory_space<hbm>>) dst(%arg10 : memref<64x128xf32, #tpu.memory_space<vmem>>)
        %dma_wait3A_472 = arith.constant 0 : i32
        %dma_wait3A_473 = arith.constant 0 : i32
        %dma_wait3A_474 = tpu.memref_slice %arg14[%dma_wait3A_472, %dma_wait3A_473] : memref<1x64xi32, #tpu.memory_space<vmem>> -> memref<1x64xi32, #tpu.memory_space<vmem>>
        %dma_wait3A_475 = tpu.memref_squeeze %dma_wait3A_474 : memref<1x64xi32, #tpu.memory_space<vmem>> -> memref<64xi32, #tpu.memory_space<vmem>>
        %dma_wait3A_476 = arith.constant 0 : i32
        %dma_wait3A_477 = arith.constant 0 : i32
        %dma_wait3A_478 = tpu.memref_slice %arg4[%dma_wait3A_476, %dma_wait3A_477] : memref<100000x128xf32, #tpu.memory_space<hbm>> -> memref<100000x128xf32, #tpu.memory_space<hbm>>
        tpu.wait_indirect_dma semaphore(%arg21 : memref<!tpu.dma_semaphore, #tpu.memory_space<semaphore_mem>>) src(%dma_wait3A_478 : memref<100000x128xf32, #tpu.memory_space<hbm>>) dst(%arg11 : memref<64x128xf32, #tpu.memory_space<vmem>>)
        %mul3A_479 = arith.constant 64 : i32
        %mul3A_480 = arith.muli %while3A_301, %mul3A_479 : i32
        %broadcast_in_dim3A_481 = arith.constant 0.000000e+00 : f32
        %broadcast_in_dim3A_482 = vector.broadcast %broadcast_in_dim3A_481 : f32 to vector<16xf32>
        %scan3A_483 = arith.constant 0 : i32
        %scan3A_484 = arith.constant 64 : i32
        %scan3A_485 = arith.addi %scan3A_483, %scan3A_484 : i32
        %scan3A_486 = arith.constant 1 : i32
        %scan3A_487 = scf.for %scan3A_495 = %scan3A_483 to %scan3A_485 step %scan3A_486 iter_args(%scan3A_496 = %broadcast_in_dim3A_482) -> (vector<16xf32>)  : i32 {
          %add3A_497 = arith.addi %mul3A_480, %scan3A_495 : i32
          %lt3A_498 = arith.cmpi slt, %add3A_497, %while3A_180 : i32
          %get3A_499 = arith.index_cast %scan3A_495 : i32 to index
          %get3A_500 = arith.constant 0 : index
          %get3A_501 = tpu.vector_load %arg10[%get3A_499, %get3A_500] {strides = array<i32>} : memref<64x128xf32, #tpu.memory_space<vmem>>, vector<16xf32>,
          %get3A_502 = arith.index_cast %scan3A_495 : i32 to index
          %get3A_503 = arith.constant 0 : index
          %get3A_504 = tpu.vector_load %arg11[%get3A_502, %get3A_503] {strides = array<i32>} : memref<64x128xf32, #tpu.memory_space<vmem>>, vector<16xf32>,
          %sub3A_505 = arith.subf %get3A_501, %get3A_504 : vector<16xf32>
          %jit3A_506 = arith.constant 0.000000e+00 : f32
          %broadcast_in_dim3A_507 = vector.broadcast %jit3A_506 : f32 to vector<16xf32>
          %select_n3A_508 = arith.select %lt3A_498, %sub3A_505, %broadcast_in_dim3A_507 : vector<16xf32>
          %mul3A_509 = arith.constant 5.000000e-02 : f32
          %mul3A_510 = vector.broadcast %mul3A_509 : f32 to vector<16xf32>
          %mul3A_511 = arith.mulf %mul3A_510, %select_n3A_508 : vector<16xf32>
          %swap3A_512 = arith.index_cast %scan3A_495 : i32 to index
          %swap3A_513 = arith.constant 0 : index
          %swap3A_514 = tpu.vector_load %arg10[%swap3A_512, %swap3A_513] {strides = array<i32>} : memref<64x128xf32, #tpu.memory_space<vmem>>, vector<16xf32>,
          tpu.vector_store %arg10[%swap3A_512, %swap3A_513], %mul3A_511 {strides = array<i32>} : memref<64x128xf32, #tpu.memory_space<vmem>>, vector<16xf32>,
          %mul3A_515 = arith.mulf %select_n3A_508, %select_n3A_508 : vector<16xf32>
          %add3A_516 = arith.addf %scan3A_496, %mul3A_515 : vector<16xf32>
          %get3A_517 = arith.index_cast %scan3A_495 : i32 to index
          %get3A_518 = arith.constant 16 : index
          %get3A_519 = tpu.vector_load %arg10[%get3A_517, %get3A_518] {strides = array<i32>} : memref<64x128xf32, #tpu.memory_space<vmem>>, vector<16xf32>,
          %get3A_520 = arith.index_cast %scan3A_495 : i32 to index
          %get3A_521 = arith.constant 16 : index
          %get3A_522 = tpu.vector_load %arg11[%get3A_520, %get3A_521] {strides = array<i32>} : memref<64x128xf32, #tpu.memory_space<vmem>>, vector<16xf32>,
          %sub3A_523 = arith.subf %get3A_519, %get3A_522 : vector<16xf32>
          %jit3A_524 = arith.constant 0.000000e+00 : f32
          %broadcast_in_dim3A_525 = vector.broadcast %jit3A_524 : f32 to vector<16xf32>
          %select_n3A_526 = arith.select %lt3A_498, %sub3A_523, %broadcast_in_dim3A_525 : vector<16xf32>
          %mul3A_527 = arith.constant 5.000000e-02 : f32
          %mul3A_528 = vector.broadcast %mul3A_527 : f32 to vector<16xf32>
          %mul3A_529 = arith.mulf %mul3A_528, %select_n3A_526 : vector<16xf32>
          %swap3A_530 = arith.index_cast %scan3A_495 : i32 to index
          %swap3A_531 = arith.constant 16 : index
          %swap3A_532 = tpu.vector_load %arg10[%swap3A_530, %swap3A_531] {strides = array<i32>} : memref<64x128xf32, #tpu.memory_space<vmem>>, vector<16xf32>,
          tpu.vector_store %arg10[%swap3A_530, %swap3A_531], %mul3A_529 {strides = array<i32>} : memref<64x128xf32, #tpu.memory_space<vmem>>, vector<16xf32>,
          %mul3A_533 = arith.mulf %select_n3A_526, %select_n3A_526 : vector<16xf32>
          %add3A_534 = arith.addf %add3A_516, %mul3A_533 : vector<16xf32>
          %get3A_535 = arith.index_cast %scan3A_495 : i32 to index
          %get3A_536 = arith.constant 32 : index
          %get3A_537 = tpu.vector_load %arg10[%get3A_535, %get3A_536] {strides = array<i32>} : memref<64x128xf32, #tpu.memory_space<vmem>>, vector<16xf32>,
          %get3A_538 = arith.index_cast %scan3A_495 : i32 to index
          %get3A_539 = arith.constant 32 : index
          %get3A_540 = tpu.vector_load %arg11[%get3A_538, %get3A_539] {strides = array<i32>} : memref<64x128xf32, #tpu.memory_space<vmem>>, vector<16xf32>,
          %sub3A_541 = arith.subf %get3A_537, %get3A_540 : vector<16xf32>
          %jit3A_542 = arith.constant 0.000000e+00 : f32
          %broadcast_in_dim3A_543 = vector.broadcast %jit3A_542 : f32 to vector<16xf32>
          %select_n3A_544 = arith.select %lt3A_498, %sub3A_541, %broadcast_in_dim3A_543 : vector<16xf32>
          %mul3A_545 = arith.constant 5.000000e-02 : f32
          %mul3A_546 = vector.broadcast %mul3A_545 : f32 to vector<16xf32>
          %mul3A_547 = arith.mulf %mul3A_546, %select_n3A_544 : vector<16xf32>
          %swap3A_548 = arith.index_cast %scan3A_495 : i32 to index
          %swap3A_549 = arith.constant 32 : index
          %swap3A_550 = tpu.vector_load %arg10[%swap3A_548, %swap3A_549] {strides = array<i32>} : memref<64x128xf32, #tpu.memory_space<vmem>>, vector<16xf32>,
          tpu.vector_store %arg10[%swap3A_548, %swap3A_549], %mul3A_547 {strides = array<i32>} : memref<64x128xf32, #tpu.memory_space<vmem>>, vector<16xf32>,
          %mul3A_551 = arith.mulf %select_n3A_544, %select_n3A_544 : vector<16xf32>
          %add3A_552 = arith.addf %add3A_534, %mul3A_551 : vector<16xf32>
          %get3A_553 = arith.index_cast %scan3A_495 : i32 to index
          %get3A_554 = arith.constant 48 : index
          %get3A_555 = tpu.vector_load %arg10[%get3A_553, %get3A_554] {strides = array<i32>} : memref<64x128xf32, #tpu.memory_space<vmem>>, vector<16xf32>,
          %get3A_556 = arith.index_cast %scan3A_495 : i32 to index
          %get3A_557 = arith.constant 48 : index
          %get3A_558 = tpu.vector_load %arg11[%get3A_556, %get3A_557] {strides = array<i32>} : memref<64x128xf32, #tpu.memory_space<vmem>>, vector<16xf32>,
          %sub3A_559 = arith.subf %get3A_555, %get3A_558 : vector<16xf32>
          %jit3A_560 = arith.constant 0.000000e+00 : f32
          %broadcast_in_dim3A_561 = vector.broadcast %jit3A_560 : f32 to vector<16xf32>
          %select_n3A_562 = arith.select %lt3A_498, %sub3A_559, %broadcast_in_dim3A_561 : vector<16xf32>
          %mul3A_563 = arith.constant 5.000000e-02 : f32
          %mul3A_564 = vector.broadcast %mul3A_563 : f32 to vector<16xf32>
          %mul3A_565 = arith.mulf %mul3A_564, %select_n3A_562 : vector<16xf32>
          %swap3A_566 = arith.index_cast %scan3A_495 : i32 to index
          %swap3A_567 = arith.constant 48 : index
          %swap3A_568 = tpu.vector_load %arg10[%swap3A_566, %swap3A_567] {strides = array<i32>} : memref<64x128xf32, #tpu.memory_space<vmem>>, vector<16xf32>,
          tpu.vector_store %arg10[%swap3A_566, %swap3A_567], %mul3A_565 {strides = array<i32>} : memref<64x128xf32, #tpu.memory_space<vmem>>, vector<16xf32>,
          %mul3A_569 = arith.mulf %select_n3A_562, %select_n3A_562 : vector<16xf32>
          %add3A_570 = arith.addf %add3A_552, %mul3A_569 : vector<16xf32>
          %get3A_571 = arith.index_cast %scan3A_495 : i32 to index
          %get3A_572 = arith.constant 64 : index
          %get3A_573 = tpu.vector_load %arg10[%get3A_571, %get3A_572] {strides = array<i32>} : memref<64x128xf32, #tpu.memory_space<vmem>>, vector<16xf32>,
          %get3A_574 = arith.index_cast %scan3A_495 : i32 to index
          %get3A_575 = arith.constant 64 : index
          %get3A_576 = tpu.vector_load %arg11[%get3A_574, %get3A_575] {strides = array<i32>} : memref<64x128xf32, #tpu.memory_space<vmem>>, vector<16xf32>,
          %sub3A_577 = arith.subf %get3A_573, %get3A_576 : vector<16xf32>
          %jit3A_578 = arith.constant 0.000000e+00 : f32
          %broadcast_in_dim3A_579 = vector.broadcast %jit3A_578 : f32 to vector<16xf32>
          %select_n3A_580 = arith.select %lt3A_498, %sub3A_577, %broadcast_in_dim3A_579 : vector<16xf32>
          %mul3A_581 = arith.constant 5.000000e-02 : f32
          %mul3A_582 = vector.broadcast %mul3A_581 : f32 to vector<16xf32>
          %mul3A_583 = arith.mulf %mul3A_582, %select_n3A_580 : vector<16xf32>
          %swap3A_584 = arith.index_cast %scan3A_495 : i32 to index
          %swap3A_585 = arith.constant 64 : index
          %swap3A_586 = tpu.vector_load %arg10[%swap3A_584, %swap3A_585] {strides = array<i32>} : memref<64x128xf32, #tpu.memory_space<vmem>>, vector<16xf32>,
          tpu.vector_store %arg10[%swap3A_584, %swap3A_585], %mul3A_583 {strides = array<i32>} : memref<64x128xf32, #tpu.memory_space<vmem>>, vector<16xf32>,
          %mul3A_587 = arith.mulf %select_n3A_580, %select_n3A_580 : vector<16xf32>
          %add3A_588 = arith.addf %add3A_570, %mul3A_587 : vector<16xf32>
          %get3A_589 = arith.index_cast %scan3A_495 : i32 to index
          %get3A_590 = arith.constant 80 : index
          %get3A_591 = tpu.vector_load %arg10[%get3A_589, %get3A_590] {strides = array<i32>} : memref<64x128xf32, #tpu.memory_space<vmem>>, vector<16xf32>,
          %get3A_592 = arith.index_cast %scan3A_495 : i32 to index
          %get3A_593 = arith.constant 80 : index
          %get3A_594 = tpu.vector_load %arg11[%get3A_592, %get3A_593] {strides = array<i32>} : memref<64x128xf32, #tpu.memory_space<vmem>>, vector<16xf32>,
          %sub3A_595 = arith.subf %get3A_591, %get3A_594 : vector<16xf32>
          %jit3A_596 = arith.constant 0.000000e+00 : f32
          %broadcast_in_dim3A_597 = vector.broadcast %jit3A_596 : f32 to vector<16xf32>
          %select_n3A_598 = arith.select %lt3A_498, %sub3A_595, %broadcast_in_dim3A_597 : vector<16xf32>
          %mul3A_599 = arith.constant 5.000000e-02 : f32
          %mul3A_600 = vector.broadcast %mul3A_599 : f32 to vector<16xf32>
          %mul3A_601 = arith.mulf %mul3A_600, %select_n3A_598 : vector<16xf32>
          %swap3A_602 = arith.index_cast %scan3A_495 : i32 to index
          %swap3A_603 = arith.constant 80 : index
          %swap3A_604 = tpu.vector_load %arg10[%swap3A_602, %swap3A_603] {strides = array<i32>} : memref<64x128xf32, #tpu.memory_space<vmem>>, vector<16xf32>,
          tpu.vector_store %arg10[%swap3A_602, %swap3A_603], %mul3A_601 {strides = array<i32>} : memref<64x128xf32, #tpu.memory_space<vmem>>, vector<16xf32>,
          %mul3A_605 = arith.mulf %select_n3A_598, %select_n3A_598 : vector<16xf32>
          %add3A_606 = arith.addf %add3A_588, %mul3A_605 : vector<16xf32>
          %get3A_607 = arith.index_cast %scan3A_495 : i32 to index
          %get3A_608 = arith.constant 96 : index
          %get3A_609 = tpu.vector_load %arg10[%get3A_607, %get3A_608] {strides = array<i32>} : memref<64x128xf32, #tpu.memory_space<vmem>>, vector<16xf32>,
          %get3A_610 = arith.index_cast %scan3A_495 : i32 to index
          %get3A_611 = arith.constant 96 : index
          %get3A_612 = tpu.vector_load %arg11[%get3A_610, %get3A_611] {strides = array<i32>} : memref<64x128xf32, #tpu.memory_space<vmem>>, vector<16xf32>,
          %sub3A_613 = arith.subf %get3A_609, %get3A_612 : vector<16xf32>
          %jit3A_614 = arith.constant 0.000000e+00 : f32
          %broadcast_in_dim3A_615 = vector.broadcast %jit3A_614 : f32 to vector<16xf32>
          %select_n3A_616 = arith.select %lt3A_498, %sub3A_613, %broadcast_in_dim3A_615 : vector<16xf32>
          %mul3A_617 = arith.constant 5.000000e-02 : f32
          %mul3A_618 = vector.broadcast %mul3A_617 : f32 to vector<16xf32>
          %mul3A_619 = arith.mulf %mul3A_618, %select_n3A_616 : vector<16xf32>
          %swap3A_620 = arith.index_cast %scan3A_495 : i32 to index
          %swap3A_621 = arith.constant 96 : index
          %swap3A_622 = tpu.vector_load %arg10[%swap3A_620, %swap3A_621] {strides = array<i32>} : memref<64x128xf32, #tpu.memory_space<vmem>>, vector<16xf32>,
          tpu.vector_store %arg10[%swap3A_620, %swap3A_621], %mul3A_619 {strides = array<i32>} : memref<64x128xf32, #tpu.memory_space<vmem>>, vector<16xf32>,
          %mul3A_623 = arith.mulf %select_n3A_616, %select_n3A_616 : vector<16xf32>
          %add3A_624 = arith.addf %add3A_606, %mul3A_623 : vector<16xf32>
          %get3A_625 = arith.index_cast %scan3A_495 : i32 to index
          %get3A_626 = arith.constant 112 : index
          %get3A_627 = tpu.vector_load %arg10[%get3A_625, %get3A_626] {strides = array<i32>} : memref<64x128xf32, #tpu.memory_space<vmem>>, vector<16xf32>,
          %get3A_628 = arith.index_cast %scan3A_495 : i32 to index
          %get3A_629 = arith.constant 112 : index
          %get3A_630 = tpu.vector_load %arg11[%get3A_628, %get3A_629] {strides = array<i32>} : memref<64x128xf32, #tpu.memory_space<vmem>>, vector<16xf32>,
          %sub3A_631 = arith.subf %get3A_627, %get3A_630 : vector<16xf32>
          %jit3A_632 = arith.constant 0.000000e+00 : f32
          %broadcast_in_dim3A_633 = vector.broadcast %jit3A_632 : f32 to vector<16xf32>
          %select_n3A_634 = arith.select %lt3A_498, %sub3A_631, %broadcast_in_dim3A_633 : vector<16xf32>
          %mul3A_635 = arith.constant 5.000000e-02 : f32
          %mul3A_636 = vector.broadcast %mul3A_635 : f32 to vector<16xf32>
          %mul3A_637 = arith.mulf %mul3A_636, %select_n3A_634 : vector<16xf32>
          %swap3A_638 = arith.index_cast %scan3A_495 : i32 to index
          %swap3A_639 = arith.constant 112 : index
          %swap3A_640 = tpu.vector_load %arg10[%swap3A_638, %swap3A_639] {strides = array<i32>} : memref<64x128xf32, #tpu.memory_space<vmem>>, vector<16xf32>,
          tpu.vector_store %arg10[%swap3A_638, %swap3A_639], %mul3A_637 {strides = array<i32>} : memref<64x128xf32, #tpu.memory_space<vmem>>, vector<16xf32>,
          %mul3A_641 = arith.mulf %select_n3A_634, %select_n3A_634 : vector<16xf32>
          %add3A_642 = arith.addf %add3A_624, %mul3A_641 : vector<16xf32>
          scf.yield %add3A_642 : vector<16xf32>
        }
        %scan3A_488 = arith.constant 64 : i32
        %get3A_489 = arith.constant 0 : index
        %get3A_490 = tpu.vector_load %arg16[%get3A_489] {strides = array<i32>} : memref<16xf32, #tpu.memory_space<vmem>>, vector<16xf32>,
        %add3A_491 = arith.addf %get3A_490, %scan3A_487 : vector<16xf32>
        %swap3A_492 = arith.constant 0 : index
        %swap3A_493 = tpu.vector_load %arg16[%swap3A_492] {strides = array<i32>} : memref<16xf32, #tpu.memory_space<vmem>>, vector<16xf32>,
        tpu.vector_store %arg16[%swap3A_492], %add3A_491 {strides = array<i32>} : memref<16xf32, #tpu.memory_space<vmem>>, vector<16xf32>,
        %run_scoped3A = arith.constant 0 : i32
        "tpu.region"() ({
          %run_scoped3A_495 = tpu.sem_alloc : memref<!tpu.dma_semaphore, #tpu.memory_space<semaphore_mem>>
          %dma_start3A_496 = arith.constant 0 : i32
          %dma_start3A_497 = tpu.memref_slice %arg15[%run_scoped3A, %dma_start3A_496] : memref<1x64xi32, #tpu.memory_space<vmem>> -> memref<1x64xi32, #tpu.memory_space<vmem>>
          %dma_start3A_498 = tpu.memref_squeeze %dma_start3A_497 : memref<1x64xi32, #tpu.memory_space<vmem>> -> memref<64xi32, #tpu.memory_space<vmem>>
          %dma_start3A_499 = arith.constant 0 : i32
          %dma_start3A_500 = arith.constant 0 : i32
          %dma_start3A_501 = tpu.memref_slice %arg19[%dma_start3A_499, %dma_start3A_500] : memref<4608x128xf32, #tpu.memory_space<vmem_shared>> -> memref<4608x128xf32, #tpu.memory_space<vmem_shared>>
          tpu.enqueue_indirect_dma source(%arg10 : memref<64x128xf32, #tpu.memory_space<vmem>>) target(%dma_start3A_501 : memref<4608x128xf32, #tpu.memory_space<vmem_shared>>) offsets(%dma_start3A_498 : memref<64xi32, #tpu.memory_space<vmem>>) semaphore(%run_scoped3A_495 : memref<!tpu.dma_semaphore, #tpu.memory_space<semaphore_mem>>) {add = true}
          %dma_wait3A_502 = arith.constant 0 : i32
          %dma_wait3A_503 = tpu.memref_slice %arg15[%run_scoped3A, %dma_wait3A_502] : memref<1x64xi32, #tpu.memory_space<vmem>> -> memref<1x64xi32, #tpu.memory_space<vmem>>
          %dma_wait3A_504 = tpu.memref_squeeze %dma_wait3A_503 : memref<1x64xi32, #tpu.memory_space<vmem>> -> memref<64xi32, #tpu.memory_space<vmem>>
          %dma_wait3A_505 = arith.constant 0 : i32
          %dma_wait3A_506 = arith.constant 0 : i32
          %dma_wait3A_507 = tpu.memref_slice %arg19[%dma_wait3A_505, %dma_wait3A_506] : memref<4608x128xf32, #tpu.memory_space<vmem_shared>> -> memref<4608x128xf32, #tpu.memory_space<vmem_shared>>
          tpu.wait_indirect_dma semaphore(%run_scoped3A_495 : memref<!tpu.dma_semaphore, #tpu.memory_space<semaphore_mem>>) src(%arg10 : memref<64x128xf32, #tpu.memory_space<vmem>>) dst(%dma_wait3A_507 : memref<4608x128xf32, #tpu.memory_space<vmem_shared>>)
          tpu.yield
        }) : () -> ()
        %while3A_494 = arith.constant 0 : i32
        scf.yield %while3A_494 : i32
      }
      %while3A_286 = arith.constant 1 : i32
      %while3A_287 = scf.for %while3A_301 = %while3A_283 to %while3A_279 step %while3A_286 iter_args(%while3A_302 = %while3A_285) -> (i32)  : i32 {
        %mul3A_303 = arith.constant 64 : i32
        %mul3A_304 = arith.muli %while3A_301, %mul3A_303 : i32
        %add3A_305 = arith.constant 0 : i32
        %add3A_306 = arith.addi %mul3A_304, %add3A_305 : i32
        %get3A_307 = arith.index_cast %add3A_306 : i32 to index
        %get3A_308 = tpu.vector_load %arg9[%get3A_307] {strides = array<i32>} : memref<16416xi32, #tpu.memory_space<vmem>>, vector<16xi32>,
        %add3A_309 = arith.constant 0 : i32
        %add3A_310 = arith.addi %mul3A_304, %add3A_309 : i32
        %add3A_311 = vector.broadcast %add3A_310 : i32 to vector<16xi32>
        %add3A_312 = arith.addi %add3A_311, %iota3A : vector<16xi32>
        %lt3A_313 = vector.broadcast %while3A_180 : i32 to vector<16xi32>
        %lt3A_314 = arith.cmpi slt, %add3A_312, %lt3A_313 : vector<16xi32>
        %broadcast_in_dim3A_315 = vector.broadcast %reduce_sum3A_235 : i32 to vector<16xi32>
        %select_n3A_316 = arith.select %lt3A_314, %get3A_308, %broadcast_in_dim3A_315 : vector<16xi1>, vector<16xi32>
        %shift_right_arithmetic3A = arith.constant 14 : i32
        %shift_right_arithmetic3A_317 = vector.broadcast %shift_right_arithmetic3A : i32 to vector<16xi32>
        %shift_right_arithmetic3A_318 = arith.shrsi %select_n3A_316, %shift_right_arithmetic3A_317 : vector<16xi32>
        %add3A_319 = vector.broadcast %mul3A_2 : i32 to vector<16xi32>
        %add3A_320 = arith.addi %add3A_319, %shift_right_arithmetic3A_318 : vector<16xi32>
        %swap3A_321 = arith.constant 0 : i32
        %swap3A_322 = arith.index_cast %swap3A_321 : i32 to index
        %swap3A_323 = arith.constant 0 : index
        %swap3A_324 = tpu.vector_load %arg14[%swap3A_322, %swap3A_323] {strides = array<i32>} : memref<1x64xi32, #tpu.memory_space<vmem>>, vector<16xi32>,
        tpu.vector_store %arg14[%swap3A_322, %swap3A_323], %add3A_320 {strides = array<i32>} : memref<1x64xi32, #tpu.memory_space<vmem>>, vector<16xi32>,
        %and3A_325 = arith.constant 16383 : i32
        %and3A_326 = vector.broadcast %and3A_325 : i32 to vector<16xi32>
        %and3A_327 = arith.andi %select_n3A_316, %and3A_326 : vector<16xi32>
        %swap3A_328 = arith.constant 0 : i32
        %swap3A_329 = arith.index_cast %swap3A_328 : i32 to index
        %swap3A_330 = arith.constant 0 : index
        %swap3A_331 = tpu.vector_load %arg13[%swap3A_329, %swap3A_330] {strides = array<i32>} : memref<1x64xi32, #tpu.memory_space<vmem>>, vector<16xi32>,
        tpu.vector_store %arg13[%swap3A_329, %swap3A_330], %and3A_327 {strides = array<i32>} : memref<1x64xi32, #tpu.memory_space<vmem>>, vector<16xi32>,
        %add3A_332 = arith.addi %mul3A_2, %mul3A_134 : i32
        %sub3A_333 = vector.broadcast %add3A_332 : i32 to vector<16xi32>
        %sub3A_334 = arith.subi %add3A_320, %sub3A_333 : vector<16xi32>
        %add3A_335 = vector.broadcast %mul3A_121 : i32 to vector<16xi32>
        %add3A_336 = arith.addi %sub3A_334, %add3A_335 : vector<16xi32>
        %swap3A_337 = arith.constant 0 : i32
        %swap3A_338 = arith.index_cast %swap3A_337 : i32 to index
        %swap3A_339 = arith.constant 0 : index
        %swap3A_340 = tpu.vector_load %arg15[%swap3A_338, %swap3A_339] {strides = array<i32>} : memref<1x64xi32, #tpu.memory_space<vmem>>, vector<16xi32>,
        tpu.vector_store %arg15[%swap3A_338, %swap3A_339], %add3A_336 {strides = array<i32>} : memref<1x64xi32, #tpu.memory_space<vmem>>, vector<16xi32>,
        %add3A_341 = arith.constant 16 : i32
        %add3A_342 = arith.addi %mul3A_304, %add3A_341 : i32
        %get3A_343 = arith.index_cast %add3A_342 : i32 to index
        %get3A_344 = tpu.vector_load %arg9[%get3A_343] {strides = array<i32>} : memref<16416xi32, #tpu.memory_space<vmem>>, vector<16xi32>,
        %add3A_345 = arith.constant 16 : i32
        %add3A_346 = arith.addi %mul3A_304, %add3A_345 : i32
        %add3A_347 = vector.broadcast %add3A_346 : i32 to vector<16xi32>
        %add3A_348 = arith.addi %add3A_347, %iota3A : vector<16xi32>
        %lt3A_349 = vector.broadcast %while3A_180 : i32 to vector<16xi32>
        %lt3A_350 = arith.cmpi slt, %add3A_348, %lt3A_349 : vector<16xi32>
        %broadcast_in_dim3A_351 = vector.broadcast %reduce_sum3A_235 : i32 to vector<16xi32>
        %select_n3A_352 = arith.select %lt3A_350, %get3A_344, %broadcast_in_dim3A_351 : vector<16xi1>, vector<16xi32>
        %shift_right_arithmetic3A_353 = arith.constant 14 : i32
        %shift_right_arithmetic3A_354 = vector.broadcast %shift_right_arithmetic3A_353 : i32 to vector<16xi32>
        %shift_right_arithmetic3A_355 = arith.shrsi %select_n3A_352, %shift_right_arithmetic3A_354 : vector<16xi32>
        %add3A_356 = vector.broadcast %mul3A_2 : i32 to vector<16xi32>
        %add3A_357 = arith.addi %add3A_356, %shift_right_arithmetic3A_355 : vector<16xi32>
        %swap3A_358 = arith.constant 0 : i32
        %swap3A_359 = arith.index_cast %swap3A_358 : i32 to index
        %swap3A_360 = arith.constant 16 : index
        %swap3A_361 = tpu.vector_load %arg14[%swap3A_359, %swap3A_360] {strides = array<i32>} : memref<1x64xi32, #tpu.memory_space<vmem>>, vector<16xi32>,
        tpu.vector_store %arg14[%swap3A_359, %swap3A_360], %add3A_357 {strides = array<i32>} : memref<1x64xi32, #tpu.memory_space<vmem>>, vector<16xi32>,
        %and3A_362 = arith.constant 16383 : i32
        %and3A_363 = vector.broadcast %and3A_362 : i32 to vector<16xi32>
        %and3A_364 = arith.andi %select_n3A_352, %and3A_363 : vector<16xi32>
        %swap3A_365 = arith.constant 0 : i32
        %swap3A_366 = arith.index_cast %swap3A_365 : i32 to index
        %swap3A_367 = arith.constant 16 : index
        %swap3A_368 = tpu.vector_load %arg13[%swap3A_366, %swap3A_367] {strides = array<i32>} : memref<1x64xi32, #tpu.memory_space<vmem>>, vector<16xi32>,
        tpu.vector_store %arg13[%swap3A_366, %swap3A_367], %and3A_364 {strides = array<i32>} : memref<1x64xi32, #tpu.memory_space<vmem>>, vector<16xi32>,
        %add3A_369 = arith.addi %mul3A_2, %mul3A_134 : i32
        %sub3A_370 = vector.broadcast %add3A_369 : i32 to vector<16xi32>
        %sub3A_371 = arith.subi %add3A_357, %sub3A_370 : vector<16xi32>
        %add3A_372 = vector.broadcast %mul3A_121 : i32 to vector<16xi32>
        %add3A_373 = arith.addi %sub3A_371, %add3A_372 : vector<16xi32>
        %swap3A_374 = arith.constant 0 : i32
        %swap3A_375 = arith.index_cast %swap3A_374 : i32 to index
        %swap3A_376 = arith.constant 16 : index
        %swap3A_377 = tpu.vector_load %arg15[%swap3A_375, %swap3A_376] {strides = array<i32>} : memref<1x64xi32, #tpu.memory_space<vmem>>, vector<16xi32>,
        tpu.vector_store %arg15[%swap3A_375, %swap3A_376], %add3A_373 {strides = array<i32>} : memref<1x64xi32, #tpu.memory_space<vmem>>, vector<16xi32>,
        %add3A_378 = arith.constant 32 : i32
        %add3A_379 = arith.addi %mul3A_304, %add3A_378 : i32
        %get3A_380 = arith.index_cast %add3A_379 : i32 to index
        %get3A_381 = tpu.vector_load %arg9[%get3A_380] {strides = array<i32>} : memref<16416xi32, #tpu.memory_space<vmem>>, vector<16xi32>,
        %add3A_382 = arith.constant 32 : i32
        %add3A_383 = arith.addi %mul3A_304, %add3A_382 : i32
        %add3A_384 = vector.broadcast %add3A_383 : i32 to vector<16xi32>
        %add3A_385 = arith.addi %add3A_384, %iota3A : vector<16xi32>
        %lt3A_386 = vector.broadcast %while3A_180 : i32 to vector<16xi32>
        %lt3A_387 = arith.cmpi slt, %add3A_385, %lt3A_386 : vector<16xi32>
        %broadcast_in_dim3A_388 = vector.broadcast %reduce_sum3A_235 : i32 to vector<16xi32>
        %select_n3A_389 = arith.select %lt3A_387, %get3A_381, %broadcast_in_dim3A_388 : vector<16xi1>, vector<16xi32>
        %shift_right_arithmetic3A_390 = arith.constant 14 : i32
        %shift_right_arithmetic3A_391 = vector.broadcast %shift_right_arithmetic3A_390 : i32 to vector<16xi32>
        %shift_right_arithmetic3A_392 = arith.shrsi %select_n3A_389, %shift_right_arithmetic3A_391 : vector<16xi32>
        %add3A_393 = vector.broadcast %mul3A_2 : i32 to vector<16xi32>
        %add3A_394 = arith.addi %add3A_393, %shift_right_arithmetic3A_392 : vector<16xi32>
        %swap3A_395 = arith.constant 0 : i32
        %swap3A_396 = arith.index_cast %swap3A_395 : i32 to index
        %swap3A_397 = arith.constant 32 : index
        %swap3A_398 = tpu.vector_load %arg14[%swap3A_396, %swap3A_397] {strides = array<i32>} : memref<1x64xi32, #tpu.memory_space<vmem>>, vector<16xi32>,
        tpu.vector_store %arg14[%swap3A_396, %swap3A_397], %add3A_394 {strides = array<i32>} : memref<1x64xi32, #tpu.memory_space<vmem>>, vector<16xi32>,
        %and3A_399 = arith.constant 16383 : i32
        %and3A_400 = vector.broadcast %and3A_399 : i32 to vector<16xi32>
        %and3A_401 = arith.andi %select_n3A_389, %and3A_400 : vector<16xi32>
        %swap3A_402 = arith.constant 0 : i32
        %swap3A_403 = arith.index_cast %swap3A_402 : i32 to index
        %swap3A_404 = arith.constant 32 : index
        %swap3A_405 = tpu.vector_load %arg13[%swap3A_403, %swap3A_404] {strides = array<i32>} : memref<1x64xi32, #tpu.memory_space<vmem>>, vector<16xi32>,
        tpu.vector_store %arg13[%swap3A_403, %swap3A_404], %and3A_401 {strides = array<i32>} : memref<1x64xi32, #tpu.memory_space<vmem>>, vector<16xi32>,
        %add3A_406 = arith.addi %mul3A_2, %mul3A_134 : i32
        %sub3A_407 = vector.broadcast %add3A_406 : i32 to vector<16xi32>
        %sub3A_408 = arith.subi %add3A_394, %sub3A_407 : vector<16xi32>
        %add3A_409 = vector.broadcast %mul3A_121 : i32 to vector<16xi32>
        %add3A_410 = arith.addi %sub3A_408, %add3A_409 : vector<16xi32>
        %swap3A_411 = arith.constant 0 : i32
        %swap3A_412 = arith.index_cast %swap3A_411 : i32 to index
        %swap3A_413 = arith.constant 32 : index
        %swap3A_414 = tpu.vector_load %arg15[%swap3A_412, %swap3A_413] {strides = array<i32>} : memref<1x64xi32, #tpu.memory_space<vmem>>, vector<16xi32>,
        tpu.vector_store %arg15[%swap3A_412, %swap3A_413], %add3A_410 {strides = array<i32>} : memref<1x64xi32, #tpu.memory_space<vmem>>, vector<16xi32>,
        %add3A_415 = arith.constant 48 : i32
        %add3A_416 = arith.addi %mul3A_304, %add3A_415 : i32
        %get3A_417 = arith.index_cast %add3A_416 : i32 to index
        %get3A_418 = tpu.vector_load %arg9[%get3A_417] {strides = array<i32>} : memref<16416xi32, #tpu.memory_space<vmem>>, vector<16xi32>,
        %add3A_419 = arith.constant 48 : i32
        %add3A_420 = arith.addi %mul3A_304, %add3A_419 : i32
        %add3A_421 = vector.broadcast %add3A_420 : i32 to vector<16xi32>
        %add3A_422 = arith.addi %add3A_421, %iota3A : vector<16xi32>
        %lt3A_423 = vector.broadcast %while3A_180 : i32 to vector<16xi32>
        %lt3A_424 = arith.cmpi slt, %add3A_422, %lt3A_423 : vector<16xi32>
        %broadcast_in_dim3A_425 = vector.broadcast %reduce_sum3A_235 : i32 to vector<16xi32>
        %select_n3A_426 = arith.select %lt3A_424, %get3A_418, %broadcast_in_dim3A_425 : vector<16xi1>, vector<16xi32>
        %shift_right_arithmetic3A_427 = arith.constant 14 : i32
        %shift_right_arithmetic3A_428 = vector.broadcast %shift_right_arithmetic3A_427 : i32 to vector<16xi32>
        %shift_right_arithmetic3A_429 = arith.shrsi %select_n3A_426, %shift_right_arithmetic3A_428 : vector<16xi32>
        %add3A_430 = vector.broadcast %mul3A_2 : i32 to vector<16xi32>
        %add3A_431 = arith.addi %add3A_430, %shift_right_arithmetic3A_429 : vector<16xi32>
        %swap3A_432 = arith.constant 0 : i32
        %swap3A_433 = arith.index_cast %swap3A_432 : i32 to index
        %swap3A_434 = arith.constant 48 : index
        %swap3A_435 = tpu.vector_load %arg14[%swap3A_433, %swap3A_434] {strides = array<i32>} : memref<1x64xi32, #tpu.memory_space<vmem>>, vector<16xi32>,
        tpu.vector_store %arg14[%swap3A_433, %swap3A_434], %add3A_431 {strides = array<i32>} : memref<1x64xi32, #tpu.memory_space<vmem>>, vector<16xi32>,
        %and3A_436 = arith.constant 16383 : i32
        %and3A_437 = vector.broadcast %and3A_436 : i32 to vector<16xi32>
        %and3A_438 = arith.andi %select_n3A_426, %and3A_437 : vector<16xi32>
        %swap3A_439 = arith.constant 0 : i32
        %swap3A_440 = arith.index_cast %swap3A_439 : i32 to index
        %swap3A_441 = arith.constant 48 : index
        %swap3A_442 = tpu.vector_load %arg13[%swap3A_440, %swap3A_441] {strides = array<i32>} : memref<1x64xi32, #tpu.memory_space<vmem>>, vector<16xi32>,
        tpu.vector_store %arg13[%swap3A_440, %swap3A_441], %and3A_438 {strides = array<i32>} : memref<1x64xi32, #tpu.memory_space<vmem>>, vector<16xi32>,
        %add3A_443 = arith.addi %mul3A_2, %mul3A_134 : i32
        %sub3A_444 = vector.broadcast %add3A_443 : i32 to vector<16xi32>
        %sub3A_445 = arith.subi %add3A_431, %sub3A_444 : vector<16xi32>
        %add3A_446 = vector.broadcast %mul3A_121 : i32 to vector<16xi32>
        %add3A_447 = arith.addi %sub3A_445, %add3A_446 : vector<16xi32>
        %swap3A_448 = arith.constant 0 : i32
        %swap3A_449 = arith.index_cast %swap3A_448 : i32 to index
        %swap3A_450 = arith.constant 48 : index
        %swap3A_451 = tpu.vector_load %arg15[%swap3A_449, %swap3A_450] {strides = array<i32>} : memref<1x64xi32, #tpu.memory_space<vmem>>, vector<16xi32>,
        tpu.vector_store %arg15[%swap3A_449, %swap3A_450], %add3A_447 {strides = array<i32>} : memref<1x64xi32, #tpu.memory_space<vmem>>, vector<16xi32>,
        %dma_start3A_452 = arith.constant 0 : i32
        %dma_start3A_453 = arith.constant 0 : i32
        %dma_start3A_454 = tpu.memref_slice %arg13[%dma_start3A_452, %dma_start3A_453] : memref<1x64xi32, #tpu.memory_space<vmem>> -> memref<1x64xi32, #tpu.memory_space<vmem>>
        %dma_start3A_455 = tpu.memref_squeeze %dma_start3A_454 : memref<1x64xi32, #tpu.memory_space<vmem>> -> memref<64xi32, #tpu.memory_space<vmem>>
        %dma_start3A_456 = arith.constant 0 : i32
        %dma_start3A_457 = arith.constant 0 : i32
        %dma_start3A_458 = tpu.memref_slice %arg2[%dma_start3A_456, %dma_start3A_457] : memref<16384x128xf32, #tpu.memory_space<hbm>> -> memref<16384x128xf32, #tpu.memory_space<hbm>>
        tpu.enqueue_indirect_dma source(%dma_start3A_458 : memref<16384x128xf32, #tpu.memory_space<hbm>>) target(%arg10 : memref<64x128xf32, #tpu.memory_space<vmem>>) offsets(%dma_start3A_455 : memref<64xi32, #tpu.memory_space<vmem>>) semaphore(%arg20 : memref<!tpu.dma_semaphore, #tpu.memory_space<semaphore_mem>>)
        %dma_start3A_459 = arith.constant 0 : i32
        %dma_start3A_460 = arith.constant 0 : i32
        %dma_start3A_461 = tpu.memref_slice %arg14[%dma_start3A_459, %dma_start3A_460] : memref<1x64xi32, #tpu.memory_space<vmem>> -> memref<1x64xi32, #tpu.memory_space<vmem>>
        %dma_start3A_462 = tpu.memref_squeeze %dma_start3A_461 : memref<1x64xi32, #tpu.memory_space<vmem>> -> memref<64xi32, #tpu.memory_space<vmem>>
        %dma_start3A_463 = arith.constant 0 : i32
        %dma_start3A_464 = arith.constant 0 : i32
        %dma_start3A_465 = tpu.memref_slice %arg4[%dma_start3A_463, %dma_start3A_464] : memref<100000x128xf32, #tpu.memory_space<hbm>> -> memref<100000x128xf32, #tpu.memory_space<hbm>>
        tpu.enqueue_indirect_dma source(%dma_start3A_465 : memref<100000x128xf32, #tpu.memory_space<hbm>>) target(%arg11 : memref<64x128xf32, #tpu.memory_space<vmem>>) offsets(%dma_start3A_462 : memref<64xi32, #tpu.memory_space<vmem>>) semaphore(%arg21 : memref<!tpu.dma_semaphore, #tpu.memory_space<semaphore_mem>>)
        %dma_wait3A = arith.constant 0 : i32
        %dma_wait3A_466 = arith.constant 0 : i32
        %dma_wait3A_467 = tpu.memref_slice %arg13[%dma_wait3A, %dma_wait3A_466] : memref<1x64xi32, #tpu.memory_space<vmem>> -> memref<1x64xi32, #tpu.memory_space<vmem>>
        %dma_wait3A_468 = tpu.memref_squeeze %dma_wait3A_467 : memref<1x64xi32, #tpu.memory_space<vmem>> -> memref<64xi32, #tpu.memory_space<vmem>>
        %dma_wait3A_469 = arith.constant 0 : i32
        %dma_wait3A_470 = arith.constant 0 : i32
        %dma_wait3A_471 = tpu.memref_slice %arg2[%dma_wait3A_469, %dma_wait3A_470] : memref<16384x128xf32, #tpu.memory_space<hbm>> -> memref<16384x128xf32, #tpu.memory_space<hbm>>
        tpu.wait_indirect_dma semaphore(%arg20 : memref<!tpu.dma_semaphore, #tpu.memory_space<semaphore_mem>>) src(%dma_wait3A_471 : memref<16384x128xf32, #tpu.memory_space<hbm>>) dst(%arg10 : memref<64x128xf32, #tpu.memory_space<vmem>>)
        %dma_wait3A_472 = arith.constant 0 : i32
        %dma_wait3A_473 = arith.constant 0 : i32
        %dma_wait3A_474 = tpu.memref_slice %arg14[%dma_wait3A_472, %dma_wait3A_473] : memref<1x64xi32, #tpu.memory_space<vmem>> -> memref<1x64xi32, #tpu.memory_space<vmem>>
        %dma_wait3A_475 = tpu.memref_squeeze %dma_wait3A_474 : memref<1x64xi32, #tpu.memory_space<vmem>> -> memref<64xi32, #tpu.memory_space<vmem>>
        %dma_wait3A_476 = arith.constant 0 : i32
        %dma_wait3A_477 = arith.constant 0 : i32
        %dma_wait3A_478 = tpu.memref_slice %arg4[%dma_wait3A_476, %dma_wait3A_477] : memref<100000x128xf32, #tpu.memory_space<hbm>> -> memref<100000x128xf32, #tpu.memory_space<hbm>>
        tpu.wait_indirect_dma semaphore(%arg21 : memref<!tpu.dma_semaphore, #tpu.memory_space<semaphore_mem>>) src(%dma_wait3A_478 : memref<100000x128xf32, #tpu.memory_space<hbm>>) dst(%arg11 : memref<64x128xf32, #tpu.memory_space<vmem>>)
        %mul3A_479 = arith.constant 64 : i32
        %mul3A_480 = arith.muli %while3A_301, %mul3A_479 : i32
        %broadcast_in_dim3A_481 = arith.constant 0.000000e+00 : f32
        %broadcast_in_dim3A_482 = vector.broadcast %broadcast_in_dim3A_481 : f32 to vector<16xf32>
        %scan3A_483 = arith.constant 0 : i32
        %scan3A_484 = arith.constant 64 : i32
        %scan3A_485 = arith.addi %scan3A_483, %scan3A_484 : i32
        %scan3A_486 = arith.constant 1 : i32
        %scan3A_487 = scf.for %scan3A_495 = %scan3A_483 to %scan3A_485 step %scan3A_486 iter_args(%scan3A_496 = %broadcast_in_dim3A_482) -> (vector<16xf32>)  : i32 {
          %add3A_497 = arith.addi %mul3A_480, %scan3A_495 : i32
          %lt3A_498 = arith.cmpi slt, %add3A_497, %while3A_180 : i32
          %get3A_499 = arith.index_cast %scan3A_495 : i32 to index
          %get3A_500 = arith.constant 0 : index
          %get3A_501 = tpu.vector_load %arg10[%get3A_499, %get3A_500] {strides = array<i32>} : memref<64x128xf32, #tpu.memory_space<vmem>>, vector<16xf32>,
          %get3A_502 = arith.index_cast %scan3A_495 : i32 to index
          %get3A_503 = arith.constant 0 : index
          %get3A_504 = tpu.vector_load %arg11[%get3A_502, %get3A_503] {strides = array<i32>} : memref<64x128xf32, #tpu.memory_space<vmem>>, vector<16xf32>,
          %sub3A_505 = arith.subf %get3A_501, %get3A_504 : vector<16xf32>
          %jit3A_506 = arith.constant 0.000000e+00 : f32
          %broadcast_in_dim3A_507 = vector.broadcast %jit3A_506 : f32 to vector<16xf32>
          %select_n3A_508 = arith.select %lt3A_498, %sub3A_505, %broadcast_in_dim3A_507 : vector<16xf32>
          %mul3A_509 = arith.constant 5.000000e-02 : f32
          %mul3A_510 = vector.broadcast %mul3A_509 : f32 to vector<16xf32>
          %mul3A_511 = arith.mulf %mul3A_510, %select_n3A_508 : vector<16xf32>
          %swap3A_512 = arith.index_cast %scan3A_495 : i32 to index
          %swap3A_513 = arith.constant 0 : index
          %swap3A_514 = tpu.vector_load %arg10[%swap3A_512, %swap3A_513] {strides = array<i32>} : memref<64x128xf32, #tpu.memory_space<vmem>>, vector<16xf32>,
          tpu.vector_store %arg10[%swap3A_512, %swap3A_513], %mul3A_511 {strides = array<i32>} : memref<64x128xf32, #tpu.memory_space<vmem>>, vector<16xf32>,
          %mul3A_515 = arith.mulf %select_n3A_508, %select_n3A_508 : vector<16xf32>
          %add3A_516 = arith.addf %scan3A_496, %mul3A_515 : vector<16xf32>
          %get3A_517 = arith.index_cast %scan3A_495 : i32 to index
          %get3A_518 = arith.constant 16 : index
          %get3A_519 = tpu.vector_load %arg10[%get3A_517, %get3A_518] {strides = array<i32>} : memref<64x128xf32, #tpu.memory_space<vmem>>, vector<16xf32>,
          %get3A_520 = arith.index_cast %scan3A_495 : i32 to index
          %get3A_521 = arith.constant 16 : index
          %get3A_522 = tpu.vector_load %arg11[%get3A_520, %get3A_521] {strides = array<i32>} : memref<64x128xf32, #tpu.memory_space<vmem>>, vector<16xf32>,
          %sub3A_523 = arith.subf %get3A_519, %get3A_522 : vector<16xf32>
          %jit3A_524 = arith.constant 0.000000e+00 : f32
          %broadcast_in_dim3A_525 = vector.broadcast %jit3A_524 : f32 to vector<16xf32>
          %select_n3A_526 = arith.select %lt3A_498, %sub3A_523, %broadcast_in_dim3A_525 : vector<16xf32>
          %mul3A_527 = arith.constant 5.000000e-02 : f32
          %mul3A_528 = vector.broadcast %mul3A_527 : f32 to vector<16xf32>
          %mul3A_529 = arith.mulf %mul3A_528, %select_n3A_526 : vector<16xf32>
          %swap3A_530 = arith.index_cast %scan3A_495 : i32 to index
          %swap3A_531 = arith.constant 16 : index
          %swap3A_532 = tpu.vector_load %arg10[%swap3A_530, %swap3A_531] {strides = array<i32>} : memref<64x128xf32, #tpu.memory_space<vmem>>, vector<16xf32>,
          tpu.vector_store %arg10[%swap3A_530, %swap3A_531], %mul3A_529 {strides = array<i32>} : memref<64x128xf32, #tpu.memory_space<vmem>>, vector<16xf32>,
          %mul3A_533 = arith.mulf %select_n3A_526, %select_n3A_526 : vector<16xf32>
          %add3A_534 = arith.addf %add3A_516, %mul3A_533 : vector<16xf32>
          %get3A_535 = arith.index_cast %scan3A_495 : i32 to index
          %get3A_536 = arith.constant 32 : index
          %get3A_537 = tpu.vector_load %arg10[%get3A_535, %get3A_536] {strides = array<i32>} : memref<64x128xf32, #tpu.memory_space<vmem>>, vector<16xf32>,
          %get3A_538 = arith.index_cast %scan3A_495 : i32 to index
          %get3A_539 = arith.constant 32 : index
          %get3A_540 = tpu.vector_load %arg11[%get3A_538, %get3A_539] {strides = array<i32>} : memref<64x128xf32, #tpu.memory_space<vmem>>, vector<16xf32>,
          %sub3A_541 = arith.subf %get3A_537, %get3A_540 : vector<16xf32>
          %jit3A_542 = arith.constant 0.000000e+00 : f32
          %broadcast_in_dim3A_543 = vector.broadcast %jit3A_542 : f32 to vector<16xf32>
          %select_n3A_544 = arith.select %lt3A_498, %sub3A_541, %broadcast_in_dim3A_543 : vector<16xf32>
          %mul3A_545 = arith.constant 5.000000e-02 : f32
          %mul3A_546 = vector.broadcast %mul3A_545 : f32 to vector<16xf32>
          %mul3A_547 = arith.mulf %mul3A_546, %select_n3A_544 : vector<16xf32>
          %swap3A_548 = arith.index_cast %scan3A_495 : i32 to index
          %swap3A_549 = arith.constant 32 : index
          %swap3A_550 = tpu.vector_load %arg10[%swap3A_548, %swap3A_549] {strides = array<i32>} : memref<64x128xf32, #tpu.memory_space<vmem>>, vector<16xf32>,
          tpu.vector_store %arg10[%swap3A_548, %swap3A_549], %mul3A_547 {strides = array<i32>} : memref<64x128xf32, #tpu.memory_space<vmem>>, vector<16xf32>,
          %mul3A_551 = arith.mulf %select_n3A_544, %select_n3A_544 : vector<16xf32>
          %add3A_552 = arith.addf %add3A_534, %mul3A_551 : vector<16xf32>
          %get3A_553 = arith.index_cast %scan3A_495 : i32 to index
          %get3A_554 = arith.constant 48 : index
          %get3A_555 = tpu.vector_load %arg10[%get3A_553, %get3A_554] {strides = array<i32>} : memref<64x128xf32, #tpu.memory_space<vmem>>, vector<16xf32>,
          %get3A_556 = arith.index_cast %scan3A_495 : i32 to index
          %get3A_557 = arith.constant 48 : index
          %get3A_558 = tpu.vector_load %arg11[%get3A_556, %get3A_557] {strides = array<i32>} : memref<64x128xf32, #tpu.memory_space<vmem>>, vector<16xf32>,
          %sub3A_559 = arith.subf %get3A_555, %get3A_558 : vector<16xf32>
          %jit3A_560 = arith.constant 0.000000e+00 : f32
          %broadcast_in_dim3A_561 = vector.broadcast %jit3A_560 : f32 to vector<16xf32>
          %select_n3A_562 = arith.select %lt3A_498, %sub3A_559, %broadcast_in_dim3A_561 : vector<16xf32>
          %mul3A_563 = arith.constant 5.000000e-02 : f32
          %mul3A_564 = vector.broadcast %mul3A_563 : f32 to vector<16xf32>
          %mul3A_565 = arith.mulf %mul3A_564, %select_n3A_562 : vector<16xf32>
          %swap3A_566 = arith.index_cast %scan3A_495 : i32 to index
          %swap3A_567 = arith.constant 48 : index
          %swap3A_568 = tpu.vector_load %arg10[%swap3A_566, %swap3A_567] {strides = array<i32>} : memref<64x128xf32, #tpu.memory_space<vmem>>, vector<16xf32>,
          tpu.vector_store %arg10[%swap3A_566, %swap3A_567], %mul3A_565 {strides = array<i32>} : memref<64x128xf32, #tpu.memory_space<vmem>>, vector<16xf32>,
          %mul3A_569 = arith.mulf %select_n3A_562, %select_n3A_562 : vector<16xf32>
          %add3A_570 = arith.addf %add3A_552, %mul3A_569 : vector<16xf32>
          %get3A_571 = arith.index_cast %scan3A_495 : i32 to index
          %get3A_572 = arith.constant 64 : index
          %get3A_573 = tpu.vector_load %arg10[%get3A_571, %get3A_572] {strides = array<i32>} : memref<64x128xf32, #tpu.memory_space<vmem>>, vector<16xf32>,
          %get3A_574 = arith.index_cast %scan3A_495 : i32 to index
          %get3A_575 = arith.constant 64 : index
          %get3A_576 = tpu.vector_load %arg11[%get3A_574, %get3A_575] {strides = array<i32>} : memref<64x128xf32, #tpu.memory_space<vmem>>, vector<16xf32>,
          %sub3A_577 = arith.subf %get3A_573, %get3A_576 : vector<16xf32>
          %jit3A_578 = arith.constant 0.000000e+00 : f32
          %broadcast_in_dim3A_579 = vector.broadcast %jit3A_578 : f32 to vector<16xf32>
          %select_n3A_580 = arith.select %lt3A_498, %sub3A_577, %broadcast_in_dim3A_579 : vector<16xf32>
          %mul3A_581 = arith.constant 5.000000e-02 : f32
          %mul3A_582 = vector.broadcast %mul3A_581 : f32 to vector<16xf32>
          %mul3A_583 = arith.mulf %mul3A_582, %select_n3A_580 : vector<16xf32>
          %swap3A_584 = arith.index_cast %scan3A_495 : i32 to index
          %swap3A_585 = arith.constant 64 : index
          %swap3A_586 = tpu.vector_load %arg10[%swap3A_584, %swap3A_585] {strides = array<i32>} : memref<64x128xf32, #tpu.memory_space<vmem>>, vector<16xf32>,
          tpu.vector_store %arg10[%swap3A_584, %swap3A_585], %mul3A_583 {strides = array<i32>} : memref<64x128xf32, #tpu.memory_space<vmem>>, vector<16xf32>,
          %mul3A_587 = arith.mulf %select_n3A_580, %select_n3A_580 : vector<16xf32>
          %add3A_588 = arith.addf %add3A_570, %mul3A_587 : vector<16xf32>
          %get3A_589 = arith.index_cast %scan3A_495 : i32 to index
          %get3A_590 = arith.constant 80 : index
          %get3A_591 = tpu.vector_load %arg10[%get3A_589, %get3A_590] {strides = array<i32>} : memref<64x128xf32, #tpu.memory_space<vmem>>, vector<16xf32>,
          %get3A_592 = arith.index_cast %scan3A_495 : i32 to index
          %get3A_593 = arith.constant 80 : index
          %get3A_594 = tpu.vector_load %arg11[%get3A_592, %get3A_593] {strides = array<i32>} : memref<64x128xf32, #tpu.memory_space<vmem>>, vector<16xf32>,
          %sub3A_595 = arith.subf %get3A_591, %get3A_594 : vector<16xf32>
          %jit3A_596 = arith.constant 0.000000e+00 : f32
          %broadcast_in_dim3A_597 = vector.broadcast %jit3A_596 : f32 to vector<16xf32>
          %select_n3A_598 = arith.select %lt3A_498, %sub3A_595, %broadcast_in_dim3A_597 : vector<16xf32>
          %mul3A_599 = arith.constant 5.000000e-02 : f32
          %mul3A_600 = vector.broadcast %mul3A_599 : f32 to vector<16xf32>
          %mul3A_601 = arith.mulf %mul3A_600, %select_n3A_598 : vector<16xf32>
          %swap3A_602 = arith.index_cast %scan3A_495 : i32 to index
          %swap3A_603 = arith.constant 80 : index
          %swap3A_604 = tpu.vector_load %arg10[%swap3A_602, %swap3A_603] {strides = array<i32>} : memref<64x128xf32, #tpu.memory_space<vmem>>, vector<16xf32>,
          tpu.vector_store %arg10[%swap3A_602, %swap3A_603], %mul3A_601 {strides = array<i32>} : memref<64x128xf32, #tpu.memory_space<vmem>>, vector<16xf32>,
          %mul3A_605 = arith.mulf %select_n3A_598, %select_n3A_598 : vector<16xf32>
          %add3A_606 = arith.addf %add3A_588, %mul3A_605 : vector<16xf32>
          %get3A_607 = arith.index_cast %scan3A_495 : i32 to index
          %get3A_608 = arith.constant 96 : index
          %get3A_609 = tpu.vector_load %arg10[%get3A_607, %get3A_608] {strides = array<i32>} : memref<64x128xf32, #tpu.memory_space<vmem>>, vector<16xf32>,
          %get3A_610 = arith.index_cast %scan3A_495 : i32 to index
          %get3A_611 = arith.constant 96 : index
          %get3A_612 = tpu.vector_load %arg11[%get3A_610, %get3A_611] {strides = array<i32>} : memref<64x128xf32, #tpu.memory_space<vmem>>, vector<16xf32>,
          %sub3A_613 = arith.subf %get3A_609, %get3A_612 : vector<16xf32>
          %jit3A_614 = arith.constant 0.000000e+00 : f32
          %broadcast_in_dim3A_615 = vector.broadcast %jit3A_614 : f32 to vector<16xf32>
          %select_n3A_616 = arith.select %lt3A_498, %sub3A_613, %broadcast_in_dim3A_615 : vector<16xf32>
          %mul3A_617 = arith.constant 5.000000e-02 : f32
          %mul3A_618 = vector.broadcast %mul3A_617 : f32 to vector<16xf32>
          %mul3A_619 = arith.mulf %mul3A_618, %select_n3A_616 : vector<16xf32>
          %swap3A_620 = arith.index_cast %scan3A_495 : i32 to index
          %swap3A_621 = arith.constant 96 : index
          %swap3A_622 = tpu.vector_load %arg10[%swap3A_620, %swap3A_621] {strides = array<i32>} : memref<64x128xf32, #tpu.memory_space<vmem>>, vector<16xf32>,
          tpu.vector_store %arg10[%swap3A_620, %swap3A_621], %mul3A_619 {strides = array<i32>} : memref<64x128xf32, #tpu.memory_space<vmem>>, vector<16xf32>,
          %mul3A_623 = arith.mulf %select_n3A_616, %select_n3A_616 : vector<16xf32>
          %add3A_624 = arith.addf %add3A_606, %mul3A_623 : vector<16xf32>
          %get3A_625 = arith.index_cast %scan3A_495 : i32 to index
          %get3A_626 = arith.constant 112 : index
          %get3A_627 = tpu.vector_load %arg10[%get3A_625, %get3A_626] {strides = array<i32>} : memref<64x128xf32, #tpu.memory_space<vmem>>, vector<16xf32>,
          %get3A_628 = arith.index_cast %scan3A_495 : i32 to index
          %get3A_629 = arith.constant 112 : index
          %get3A_630 = tpu.vector_load %arg11[%get3A_628, %get3A_629] {strides = array<i32>} : memref<64x128xf32, #tpu.memory_space<vmem>>, vector<16xf32>,
          %sub3A_631 = arith.subf %get3A_627, %get3A_630 : vector<16xf32>
          %jit3A_632 = arith.constant 0.000000e+00 : f32
          %broadcast_in_dim3A_633 = vector.broadcast %jit3A_632 : f32 to vector<16xf32>
          %select_n3A_634 = arith.select %lt3A_498, %sub3A_631, %broadcast_in_dim3A_633 : vector<16xf32>
          %mul3A_635 = arith.constant 5.000000e-02 : f32
          %mul3A_636 = vector.broadcast %mul3A_635 : f32 to vector<16xf32>
          %mul3A_637 = arith.mulf %mul3A_636, %select_n3A_634 : vector<16xf32>
          %swap3A_638 = arith.index_cast %scan3A_495 : i32 to index
          %swap3A_639 = arith.constant 112 : index
          %swap3A_640 = tpu.vector_load %arg10[%swap3A_638, %swap3A_639] {strides = array<i32>} : memref<64x128xf32, #tpu.memory_space<vmem>>, vector<16xf32>,
          tpu.vector_store %arg10[%swap3A_638, %swap3A_639], %mul3A_637 {strides = array<i32>} : memref<64x128xf32, #tpu.memory_space<vmem>>, vector<16xf32>,
          %mul3A_641 = arith.mulf %select_n3A_634, %select_n3A_634 : vector<16xf32>
          %add3A_642 = arith.addf %add3A_624, %mul3A_641 : vector<16xf32>
          scf.yield %add3A_642 : vector<16xf32>
        }
        %scan3A_488 = arith.constant 64 : i32
        %get3A_489 = arith.constant 0 : index
        %get3A_490 = tpu.vector_load %arg16[%get3A_489] {strides = array<i32>} : memref<16xf32, #tpu.memory_space<vmem>>, vector<16xf32>,
        %add3A_491 = arith.addf %get3A_490, %scan3A_487 : vector<16xf32>
        %swap3A_492 = arith.constant 0 : index
        %swap3A_493 = tpu.vector_load %arg16[%swap3A_492] {strides = array<i32>} : memref<16xf32, #tpu.memory_space<vmem>>, vector<16xf32>,
        tpu.vector_store %arg16[%swap3A_492], %add3A_491 {strides = array<i32>} : memref<16xf32, #tpu.memory_space<vmem>>, vector<16xf32>,
        %run_scoped3A = arith.constant 0 : i32
        "tpu.region"() ({
          %run_scoped3A_495 = tpu.sem_alloc : memref<!tpu.dma_semaphore, #tpu.memory_space<semaphore_mem>>
          %dma_start3A_496 = arith.constant 0 : i32
          %dma_start3A_497 = tpu.memref_slice %arg15[%run_scoped3A, %dma_start3A_496] : memref<1x64xi32, #tpu.memory_space<vmem>> -> memref<1x64xi32, #tpu.memory_space<vmem>>
          %dma_start3A_498 = tpu.memref_squeeze %dma_start3A_497 : memref<1x64xi32, #tpu.memory_space<vmem>> -> memref<64xi32, #tpu.memory_space<vmem>>
          %dma_start3A_499 = arith.constant 0 : i32
          %dma_start3A_500 = arith.constant 0 : i32
          %dma_start3A_501 = tpu.memref_slice %arg19[%dma_start3A_499, %dma_start3A_500] : memref<4608x128xf32, #tpu.memory_space<vmem_shared>> -> memref<4608x128xf32, #tpu.memory_space<vmem_shared>>
          tpu.enqueue_indirect_dma source(%arg10 : memref<64x128xf32, #tpu.memory_space<vmem>>) target(%dma_start3A_501 : memref<4608x128xf32, #tpu.memory_space<vmem_shared>>) offsets(%dma_start3A_498 : memref<64xi32, #tpu.memory_space<vmem>>) semaphore(%run_scoped3A_495 : memref<!tpu.dma_semaphore, #tpu.memory_space<semaphore_mem>>) {add = true}
          %dma_wait3A_502 = arith.constant 0 : i32
          %dma_wait3A_503 = tpu.memref_slice %arg15[%run_scoped3A, %dma_wait3A_502] : memref<1x64xi32, #tpu.memory_space<vmem>> -> memref<1x64xi32, #tpu.memory_space<vmem>>
          %dma_wait3A_504 = tpu.memref_squeeze %dma_wait3A_503 : memref<1x64xi32, #tpu.memory_space<vmem>> -> memref<64xi32, #tpu.memory_space<vmem>>
          %dma_wait3A_505 = arith.constant 0 : i32
          %dma_wait3A_506 = arith.constant 0 : i32
          %dma_wait3A_507 = tpu.memref_slice %arg19[%dma_wait3A_505, %dma_wait3A_506] : memref<4608x128xf32, #tpu.memory_space<vmem_shared>> -> memref<4608x128xf32, #tpu.memory_space<vmem_shared>>
          tpu.wait_indirect_dma semaphore(%run_scoped3A_495 : memref<!tpu.dma_semaphore, #tpu.memory_space<semaphore_mem>>) src(%arg10 : memref<64x128xf32, #tpu.memory_space<vmem>>) dst(%dma_wait3A_507 : memref<4608x128xf32, #tpu.memory_space<vmem_shared>>)
          tpu.yield
        }) : () -> ()
        %while3A_494 = arith.constant 0 : i32
        scf.yield %while3A_494 : i32
      }
      %while3A_288 = arith.constant 0 : i32
      %while3A_289 = arith.constant 0 : i32
      %while3A_290 = arith.subi %select_n3A_263, %while3A_288 : i32
      %while3A_291 = arith.addi %while3A_288, %while3A_290 : i32
      %while3A_292 = arith.constant 1 : i32
      %while3A_293 = arith.divsi %while3A_290, %while3A_292 : i32
      %while3A_294 = arith.muli %while3A_293, %while3A_292 : i32
      %while3A_295 = arith.addi %while3A_288, %while3A_294 : i32
      %while3A_296 = arith.constant 1 : i32
      %while3A_297 = scf.for %while3A_301 = %while3A_288 to %while3A_295 step %while3A_296 iter_args(%while3A_302 = %while3A_289) -> (i32)  : i32 {
        %mul3A_303 = arith.constant 64 : i32
        %mul3A_304 = arith.muli %while3A_301, %mul3A_303 : i32
        %add3A_305 = arith.constant 0 : i32
        %add3A_306 = arith.addi %mul3A_304, %add3A_305 : i32
        %get3A_307 = arith.index_cast %add3A_306 : i32 to index
        %get3A_308 = tpu.vector_load %arg9[%get3A_307] {strides = array<i32>} : memref<16416xi32, #tpu.memory_space<vmem>>, vector<16xi32>,
        %add3A_309 = arith.constant 0 : i32
        %add3A_310 = arith.addi %mul3A_304, %add3A_309 : i32
        %add3A_311 = vector.broadcast %add3A_310 : i32 to vector<16xi32>
        %add3A_312 = arith.addi %add3A_311, %iota3A : vector<16xi32>
        %lt3A_313 = vector.broadcast %while3A_180 : i32 to vector<16xi32>
        %lt3A_314 = arith.cmpi slt, %add3A_312, %lt3A_313 : vector<16xi32>
        %broadcast_in_dim3A_315 = vector.broadcast %reduce_sum3A_235 : i32 to vector<16xi32>
        %select_n3A_316 = arith.select %lt3A_314, %get3A_308, %broadcast_in_dim3A_315 : vector<16xi1>, vector<16xi32>
        %shift_right_arithmetic3A = arith.constant 14 : i32
        %shift_right_arithmetic3A_317 = vector.broadcast %shift_right_arithmetic3A : i32 to vector<16xi32>
        %shift_right_arithmetic3A_318 = arith.shrsi %select_n3A_316, %shift_right_arithmetic3A_317 : vector<16xi32>
        %add3A_319 = vector.broadcast %mul3A_2 : i32 to vector<16xi32>
        %add3A_320 = arith.addi %add3A_319, %shift_right_arithmetic3A_318 : vector<16xi32>
        %swap3A_321 = arith.constant 0 : i32
        %swap3A_322 = arith.index_cast %swap3A_321 : i32 to index
        %swap3A_323 = arith.constant 0 : index
        %swap3A_324 = tpu.vector_load %arg14[%swap3A_322, %swap3A_323] {strides = array<i32>} : memref<1x64xi32, #tpu.memory_space<vmem>>, vector<16xi32>,
        tpu.vector_store %arg14[%swap3A_322, %swap3A_323], %add3A_320 {strides = array<i32>} : memref<1x64xi32, #tpu.memory_space<vmem>>, vector<16xi32>,
        %and3A_325 = arith.constant 16383 : i32
        %and3A_326 = vector.broadcast %and3A_325 : i32 to vector<16xi32>
        %and3A_327 = arith.andi %select_n3A_316, %and3A_326 : vector<16xi32>
        %swap3A_328 = arith.constant 0 : i32
        %swap3A_329 = arith.index_cast %swap3A_328 : i32 to index
        %swap3A_330 = arith.constant 0 : index
        %swap3A_331 = tpu.vector_load %arg13[%swap3A_329, %swap3A_330] {strides = array<i32>} : memref<1x64xi32, #tpu.memory_space<vmem>>, vector<16xi32>,
        tpu.vector_store %arg13[%swap3A_329, %swap3A_330], %and3A_327 {strides = array<i32>} : memref<1x64xi32, #tpu.memory_space<vmem>>, vector<16xi32>,
        %add3A_332 = arith.addi %mul3A_2, %mul3A_134 : i32
        %sub3A_333 = vector.broadcast %add3A_332 : i32 to vector<16xi32>
        %sub3A_334 = arith.subi %add3A_320, %sub3A_333 : vector<16xi32>
        %add3A_335 = vector.broadcast %mul3A_121 : i32 to vector<16xi32>
        %add3A_336 = arith.addi %sub3A_334, %add3A_335 : vector<16xi32>
        %swap3A_337 = arith.constant 0 : i32
        %swap3A_338 = arith.index_cast %swap3A_337 : i32 to index
        %swap3A_339 = arith.constant 0 : index
        %swap3A_340 = tpu.vector_load %arg15[%swap3A_338, %swap3A_339] {strides = array<i32>} : memref<1x64xi32, #tpu.memory_space<vmem>>, vector<16xi32>,
        tpu.vector_store %arg15[%swap3A_338, %swap3A_339], %add3A_336 {strides = array<i32>} : memref<1x64xi32, #tpu.memory_space<vmem>>, vector<16xi32>,
        %add3A_341 = arith.constant 16 : i32
        %add3A_342 = arith.addi %mul3A_304, %add3A_341 : i32
        %get3A_343 = arith.index_cast %add3A_342 : i32 to index
        %get3A_344 = tpu.vector_load %arg9[%get3A_343] {strides = array<i32>} : memref<16416xi32, #tpu.memory_space<vmem>>, vector<16xi32>,
        %add3A_345 = arith.constant 16 : i32
        %add3A_346 = arith.addi %mul3A_304, %add3A_345 : i32
        %add3A_347 = vector.broadcast %add3A_346 : i32 to vector<16xi32>
        %add3A_348 = arith.addi %add3A_347, %iota3A : vector<16xi32>
        %lt3A_349 = vector.broadcast %while3A_180 : i32 to vector<16xi32>
        %lt3A_350 = arith.cmpi slt, %add3A_348, %lt3A_349 : vector<16xi32>
        %broadcast_in_dim3A_351 = vector.broadcast %reduce_sum3A_235 : i32 to vector<16xi32>
        %select_n3A_352 = arith.select %lt3A_350, %get3A_344, %broadcast_in_dim3A_351 : vector<16xi1>, vector<16xi32>
        %shift_right_arithmetic3A_353 = arith.constant 14 : i32
        %shift_right_arithmetic3A_354 = vector.broadcast %shift_right_arithmetic3A_353 : i32 to vector<16xi32>
        %shift_right_arithmetic3A_355 = arith.shrsi %select_n3A_352, %shift_right_arithmetic3A_354 : vector<16xi32>
        %add3A_356 = vector.broadcast %mul3A_2 : i32 to vector<16xi32>
        %add3A_357 = arith.addi %add3A_356, %shift_right_arithmetic3A_355 : vector<16xi32>
        %swap3A_358 = arith.constant 0 : i32
        %swap3A_359 = arith.index_cast %swap3A_358 : i32 to index
        %swap3A_360 = arith.constant 16 : index
        %swap3A_361 = tpu.vector_load %arg14[%swap3A_359, %swap3A_360] {strides = array<i32>} : memref<1x64xi32, #tpu.memory_space<vmem>>, vector<16xi32>,
        tpu.vector_store %arg14[%swap3A_359, %swap3A_360], %add3A_357 {strides = array<i32>} : memref<1x64xi32, #tpu.memory_space<vmem>>, vector<16xi32>,
        %and3A_362 = arith.constant 16383 : i32
        %and3A_363 = vector.broadcast %and3A_362 : i32 to vector<16xi32>
        %and3A_364 = arith.andi %select_n3A_352, %and3A_363 : vector<16xi32>
        %swap3A_365 = arith.constant 0 : i32
        %swap3A_366 = arith.index_cast %swap3A_365 : i32 to index
        %swap3A_367 = arith.constant 16 : index
        %swap3A_368 = tpu.vector_load %arg13[%swap3A_366, %swap3A_367] {strides = array<i32>} : memref<1x64xi32, #tpu.memory_space<vmem>>, vector<16xi32>,
        tpu.vector_store %arg13[%swap3A_366, %swap3A_367], %and3A_364 {strides = array<i32>} : memref<1x64xi32, #tpu.memory_space<vmem>>, vector<16xi32>,
        %add3A_369 = arith.addi %mul3A_2, %mul3A_134 : i32
        %sub3A_370 = vector.broadcast %add3A_369 : i32 to vector<16xi32>
        %sub3A_371 = arith.subi %add3A_357, %sub3A_370 : vector<16xi32>
        %add3A_372 = vector.broadcast %mul3A_121 : i32 to vector<16xi32>
        %add3A_373 = arith.addi %sub3A_371, %add3A_372 : vector<16xi32>
        %swap3A_374 = arith.constant 0 : i32
        %swap3A_375 = arith.index_cast %swap3A_374 : i32 to index
        %swap3A_376 = arith.constant 16 : index
        %swap3A_377 = tpu.vector_load %arg15[%swap3A_375, %swap3A_376] {strides = array<i32>} : memref<1x64xi32, #tpu.memory_space<vmem>>, vector<16xi32>,
        tpu.vector_store %arg15[%swap3A_375, %swap3A_376], %add3A_373 {strides = array<i32>} : memref<1x64xi32, #tpu.memory_space<vmem>>, vector<16xi32>,
        %add3A_378 = arith.constant 32 : i32
        %add3A_379 = arith.addi %mul3A_304, %add3A_378 : i32
        %get3A_380 = arith.index_cast %add3A_379 : i32 to index
        %get3A_381 = tpu.vector_load %arg9[%get3A_380] {strides = array<i32>} : memref<16416xi32, #tpu.memory_space<vmem>>, vector<16xi32>,
        %add3A_382 = arith.constant 32 : i32
        %add3A_383 = arith.addi %mul3A_304, %add3A_382 : i32
        %add3A_384 = vector.broadcast %add3A_383 : i32 to vector<16xi32>
        %add3A_385 = arith.addi %add3A_384, %iota3A : vector<16xi32>
        %lt3A_386 = vector.broadcast %while3A_180 : i32 to vector<16xi32>
        %lt3A_387 = arith.cmpi slt, %add3A_385, %lt3A_386 : vector<16xi32>
        %broadcast_in_dim3A_388 = vector.broadcast %reduce_sum3A_235 : i32 to vector<16xi32>
        %select_n3A_389 = arith.select %lt3A_387, %get3A_381, %broadcast_in_dim3A_388 : vector<16xi1>, vector<16xi32>
        %shift_right_arithmetic3A_390 = arith.constant 14 : i32
        %shift_right_arithmetic3A_391 = vector.broadcast %shift_right_arithmetic3A_390 : i32 to vector<16xi32>
        %shift_right_arithmetic3A_392 = arith.shrsi %select_n3A_389, %shift_right_arithmetic3A_391 : vector<16xi32>
        %add3A_393 = vector.broadcast %mul3A_2 : i32 to vector<16xi32>
        %add3A_394 = arith.addi %add3A_393, %shift_right_arithmetic3A_392 : vector<16xi32>
        %swap3A_395 = arith.constant 0 : i32
        %swap3A_396 = arith.index_cast %swap3A_395 : i32 to index
        %swap3A_397 = arith.constant 32 : index
        %swap3A_398 = tpu.vector_load %arg14[%swap3A_396, %swap3A_397] {strides = array<i32>} : memref<1x64xi32, #tpu.memory_space<vmem>>, vector<16xi32>,
        tpu.vector_store %arg14[%swap3A_396, %swap3A_397], %add3A_394 {strides = array<i32>} : memref<1x64xi32, #tpu.memory_space<vmem>>, vector<16xi32>,
        %and3A_399 = arith.constant 16383 : i32
        %and3A_400 = vector.broadcast %and3A_399 : i32 to vector<16xi32>
        %and3A_401 = arith.andi %select_n3A_389, %and3A_400 : vector<16xi32>
        %swap3A_402 = arith.constant 0 : i32
        %swap3A_403 = arith.index_cast %swap3A_402 : i32 to index
        %swap3A_404 = arith.constant 32 : index
        %swap3A_405 = tpu.vector_load %arg13[%swap3A_403, %swap3A_404] {strides = array<i32>} : memref<1x64xi32, #tpu.memory_space<vmem>>, vector<16xi32>,
        tpu.vector_store %arg13[%swap3A_403, %swap3A_404], %and3A_401 {strides = array<i32>} : memref<1x64xi32, #tpu.memory_space<vmem>>, vector<16xi32>,
        %add3A_406 = arith.addi %mul3A_2, %mul3A_134 : i32
        %sub3A_407 = vector.broadcast %add3A_406 : i32 to vector<16xi32>
        %sub3A_408 = arith.subi %add3A_394, %sub3A_407 : vector<16xi32>
        %add3A_409 = vector.broadcast %mul3A_121 : i32 to vector<16xi32>
        %add3A_410 = arith.addi %sub3A_408, %add3A_409 : vector<16xi32>
        %swap3A_411 = arith.constant 0 : i32
        %swap3A_412 = arith.index_cast %swap3A_411 : i32 to index
        %swap3A_413 = arith.constant 32 : index
        %swap3A_414 = tpu.vector_load %arg15[%swap3A_412, %swap3A_413] {strides = array<i32>} : memref<1x64xi32, #tpu.memory_space<vmem>>, vector<16xi32>,
        tpu.vector_store %arg15[%swap3A_412, %swap3A_413], %add3A_410 {strides = array<i32>} : memref<1x64xi32, #tpu.memory_space<vmem>>, vector<16xi32>,
        %add3A_415 = arith.constant 48 : i32
        %add3A_416 = arith.addi %mul3A_304, %add3A_415 : i32
        %get3A_417 = arith.index_cast %add3A_416 : i32 to index
        %get3A_418 = tpu.vector_load %arg9[%get3A_417] {strides = array<i32>} : memref<16416xi32, #tpu.memory_space<vmem>>, vector<16xi32>,
        %add3A_419 = arith.constant 48 : i32
        %add3A_420 = arith.addi %mul3A_304, %add3A_419 : i32
        %add3A_421 = vector.broadcast %add3A_420 : i32 to vector<16xi32>
        %add3A_422 = arith.addi %add3A_421, %iota3A : vector<16xi32>
        %lt3A_423 = vector.broadcast %while3A_180 : i32 to vector<16xi32>
        %lt3A_424 = arith.cmpi slt, %add3A_422, %lt3A_423 : vector<16xi32>
        %broadcast_in_dim3A_425 = vector.broadcast %reduce_sum3A_235 : i32 to vector<16xi32>
        %select_n3A_426 = arith.select %lt3A_424, %get3A_418, %broadcast_in_dim3A_425 : vector<16xi1>, vector<16xi32>
        %shift_right_arithmetic3A_427 = arith.constant 14 : i32
        %shift_right_arithmetic3A_428 = vector.broadcast %shift_right_arithmetic3A_427 : i32 to vector<16xi32>
        %shift_right_arithmetic3A_429 = arith.shrsi %select_n3A_426, %shift_right_arithmetic3A_428 : vector<16xi32>
        %add3A_430 = vector.broadcast %mul3A_2 : i32 to vector<16xi32>
        %add3A_431 = arith.addi %add3A_430, %shift_right_arithmetic3A_429 : vector<16xi32>
        %swap3A_432 = arith.constant 0 : i32
        %swap3A_433 = arith.index_cast %swap3A_432 : i32 to index
        %swap3A_434 = arith.constant 48 : index
        %swap3A_435 = tpu.vector_load %arg14[%swap3A_433, %swap3A_434] {strides = array<i32>} : memref<1x64xi32, #tpu.memory_space<vmem>>, vector<16xi32>,
        tpu.vector_store %arg14[%swap3A_433, %swap3A_434], %add3A_431 {strides = array<i32>} : memref<1x64xi32, #tpu.memory_space<vmem>>, vector<16xi32>,
        %and3A_436 = arith.constant 16383 : i32
        %and3A_437 = vector.broadcast %and3A_436 : i32 to vector<16xi32>
        %and3A_438 = arith.andi %select_n3A_426, %and3A_437 : vector<16xi32>
        %swap3A_439 = arith.constant 0 : i32
        %swap3A_440 = arith.index_cast %swap3A_439 : i32 to index
        %swap3A_441 = arith.constant 48 : index
        %swap3A_442 = tpu.vector_load %arg13[%swap3A_440, %swap3A_441] {strides = array<i32>} : memref<1x64xi32, #tpu.memory_space<vmem>>, vector<16xi32>,
        tpu.vector_store %arg13[%swap3A_440, %swap3A_441], %and3A_438 {strides = array<i32>} : memref<1x64xi32, #tpu.memory_space<vmem>>, vector<16xi32>,
        %add3A_443 = arith.addi %mul3A_2, %mul3A_134 : i32
        %sub3A_444 = vector.broadcast %add3A_443 : i32 to vector<16xi32>
        %sub3A_445 = arith.subi %add3A_431, %sub3A_444 : vector<16xi32>
        %add3A_446 = vector.broadcast %mul3A_121 : i32 to vector<16xi32>
        %add3A_447 = arith.addi %sub3A_445, %add3A_446 : vector<16xi32>
        %swap3A_448 = arith.constant 0 : i32
        %swap3A_449 = arith.index_cast %swap3A_448 : i32 to index
        %swap3A_450 = arith.constant 48 : index
        %swap3A_451 = tpu.vector_load %arg15[%swap3A_449, %swap3A_450] {strides = array<i32>} : memref<1x64xi32, #tpu.memory_space<vmem>>, vector<16xi32>,
        tpu.vector_store %arg15[%swap3A_449, %swap3A_450], %add3A_447 {strides = array<i32>} : memref<1x64xi32, #tpu.memory_space<vmem>>, vector<16xi32>,
        %dma_start3A_452 = arith.constant 0 : i32
        %dma_start3A_453 = arith.constant 0 : i32
        %dma_start3A_454 = tpu.memref_slice %arg14[%dma_start3A_452, %dma_start3A_453] : memref<1x64xi32, #tpu.memory_space<vmem>> -> memref<1x64xi32, #tpu.memory_space<vmem>>
        %dma_start3A_455 = tpu.memref_squeeze %dma_start3A_454 : memref<1x64xi32, #tpu.memory_space<vmem>> -> memref<64xi32, #tpu.memory_space<vmem>>
        %dma_start3A_456 = arith.constant 0 : i32
        %dma_start3A_457 = arith.constant 0 : i32
        %dma_start3A_458 = tpu.memref_slice %arg4[%dma_start3A_456, %dma_start3A_457] : memref<100000x128xf32, #tpu.memory_space<hbm>> -> memref<100000x128xf32, #tpu.memory_space<hbm>>
        tpu.enqueue_indirect_dma source(%dma_start3A_458 : memref<100000x128xf32, #tpu.memory_space<hbm>>) target(%arg11 : memref<64x128xf32, #tpu.memory_space<vmem>>) offsets(%dma_start3A_455 : memref<64xi32, #tpu.memory_space<vmem>>) semaphore(%arg20 : memref<!tpu.dma_semaphore, #tpu.memory_space<semaphore_mem>>)
        %dma_start3A_459 = arith.constant 0 : i32
        %dma_start3A_460 = arith.constant 0 : i32
        %dma_start3A_461 = tpu.memref_slice %arg15[%dma_start3A_459, %dma_start3A_460] : memref<1x64xi32, #tpu.memory_space<vmem>> -> memref<1x64xi32, #tpu.memory_space<vmem>>
        %dma_start3A_462 = tpu.memref_squeeze %dma_start3A_461 : memref<1x64xi32, #tpu.memory_space<vmem>> -> memref<64xi32, #tpu.memory_space<vmem>>
        %dma_start3A_463 = arith.constant 0 : i32
        %dma_start3A_464 = arith.constant 0 : i32
        %dma_start3A_465 = tpu.memref_slice %arg19[%dma_start3A_463, %dma_start3A_464] : memref<4608x128xf32, #tpu.memory_space<vmem_shared>> -> memref<4608x128xf32, #tpu.memory_space<vmem_shared>>
        tpu.enqueue_indirect_dma source(%dma_start3A_465 : memref<4608x128xf32, #tpu.memory_space<vmem_shared>>) target(%arg10 : memref<64x128xf32, #tpu.memory_space<vmem>>) offsets(%dma_start3A_462 : memref<64xi32, #tpu.memory_space<vmem>>) semaphore(%arg21 : memref<!tpu.dma_semaphore, #tpu.memory_space<semaphore_mem>>)
        %dma_wait3A = arith.constant 0 : i32
        %dma_wait3A_466 = arith.constant 0 : i32
        %dma_wait3A_467 = tpu.memref_slice %arg14[%dma_wait3A, %dma_wait3A_466] : memref<1x64xi32, #tpu.memory_space<vmem>> -> memref<1x64xi32, #tpu.memory_space<vmem>>
        %dma_wait3A_468 = tpu.memref_squeeze %dma_wait3A_467 : memref<1x64xi32, #tpu.memory_space<vmem>> -> memref<64xi32, #tpu.memory_space<vmem>>
        %dma_wait3A_469 = arith.constant 0 : i32
        %dma_wait3A_470 = arith.constant 0 : i32
        %dma_wait3A_471 = tpu.memref_slice %arg4[%dma_wait3A_469, %dma_wait3A_470] : memref<100000x128xf32, #tpu.memory_space<hbm>> -> memref<100000x128xf32, #tpu.memory_space<hbm>>
        tpu.wait_indirect_dma semaphore(%arg20 : memref<!tpu.dma_semaphore, #tpu.memory_space<semaphore_mem>>) src(%dma_wait3A_471 : memref<100000x128xf32, #tpu.memory_space<hbm>>) dst(%arg11 : memref<64x128xf32, #tpu.memory_space<vmem>>)
        %dma_wait3A_472 = arith.constant 0 : i32
        %dma_wait3A_473 = arith.constant 0 : i32
        %dma_wait3A_474 = tpu.memref_slice %arg15[%dma_wait3A_472, %dma_wait3A_473] : memref<1x64xi32, #tpu.memory_space<vmem>> -> memref<1x64xi32, #tpu.memory_space<vmem>>
        %dma_wait3A_475 = tpu.memref_squeeze %dma_wait3A_474 : memref<1x64xi32, #tpu.memory_space<vmem>> -> memref<64xi32, #tpu.memory_space<vmem>>
        %dma_wait3A_476 = arith.constant 0 : i32
        %dma_wait3A_477 = arith.constant 0 : i32
        %dma_wait3A_478 = tpu.memref_slice %arg19[%dma_wait3A_476, %dma_wait3A_477] : memref<4608x128xf32, #tpu.memory_space<vmem_shared>> -> memref<4608x128xf32, #tpu.memory_space<vmem_shared>>
        tpu.wait_indirect_dma semaphore(%arg21 : memref<!tpu.dma_semaphore, #tpu.memory_space<semaphore_mem>>) src(%dma_wait3A_478 : memref<4608x128xf32, #tpu.memory_space<vmem_shared>>) dst(%arg10 : memref<64x128xf32, #tpu.memory_space<vmem>>)
        %scan3A_479 = arith.constant 0 : i32
        %scan3A_480 = arith.constant 0 : i32
        %scan3A_481 = arith.constant 64 : i32
        %scan3A_482 = arith.addi %scan3A_480, %scan3A_481 : i32
        %scan3A_483 = arith.constant 1 : i32
        %scan3A_484 = scf.for %scan3A_487 = %scan3A_480 to %scan3A_482 step %scan3A_483 iter_args(%scan3A_488 = %scan3A_479) -> (i32)  : i32 {
          %get3A_489 = arith.index_cast %scan3A_487 : i32 to index
          %get3A_490 = arith.constant 0 : index
          %get3A_491 = tpu.vector_load %arg11[%get3A_489, %get3A_490] {strides = array<i32>} : memref<64x128xf32, #tpu.memory_space<vmem>>, vector<16xf32>,
          %get3A_492 = arith.index_cast %scan3A_487 : i32 to index
          %get3A_493 = arith.constant 0 : index
          %get3A_494 = tpu.vector_load %arg10[%get3A_492, %get3A_493] {strides = array<i32>} : memref<64x128xf32, #tpu.memory_space<vmem>>, vector<16xf32>,
          %add3A_495 = arith.addf %get3A_491, %get3A_494 : vector<16xf32>
          %swap3A_496 = arith.index_cast %scan3A_487 : i32 to index
          %swap3A_497 = arith.constant 0 : index
          %swap3A_498 = tpu.vector_load %arg11[%swap3A_496, %swap3A_497] {strides = array<i32>} : memref<64x128xf32, #tpu.memory_space<vmem>>, vector<16xf32>,
          tpu.vector_store %arg11[%swap3A_496, %swap3A_497], %add3A_495 {strides = array<i32>} : memref<64x128xf32, #tpu.memory_space<vmem>>, vector<16xf32>,
          %get3A_499 = arith.index_cast %scan3A_487 : i32 to index
          %get3A_500 = arith.constant 16 : index
          %get3A_501 = tpu.vector_load %arg11[%get3A_499, %get3A_500] {strides = array<i32>} : memref<64x128xf32, #tpu.memory_space<vmem>>, vector<16xf32>,
          %get3A_502 = arith.index_cast %scan3A_487 : i32 to index
          %get3A_503 = arith.constant 16 : index
          %get3A_504 = tpu.vector_load %arg10[%get3A_502, %get3A_503] {strides = array<i32>} : memref<64x128xf32, #tpu.memory_space<vmem>>, vector<16xf32>,
          %add3A_505 = arith.addf %get3A_501, %get3A_504 : vector<16xf32>
          %swap3A_506 = arith.index_cast %scan3A_487 : i32 to index
          %swap3A_507 = arith.constant 16 : index
          %swap3A_508 = tpu.vector_load %arg11[%swap3A_506, %swap3A_507] {strides = array<i32>} : memref<64x128xf32, #tpu.memory_space<vmem>>, vector<16xf32>,
          tpu.vector_store %arg11[%swap3A_506, %swap3A_507], %add3A_505 {strides = array<i32>} : memref<64x128xf32, #tpu.memory_space<vmem>>, vector<16xf32>,
          %get3A_509 = arith.index_cast %scan3A_487 : i32 to index
          %get3A_510 = arith.constant 32 : index
          %get3A_511 = tpu.vector_load %arg11[%get3A_509, %get3A_510] {strides = array<i32>} : memref<64x128xf32, #tpu.memory_space<vmem>>, vector<16xf32>,
          %get3A_512 = arith.index_cast %scan3A_487 : i32 to index
          %get3A_513 = arith.constant 32 : index
          %get3A_514 = tpu.vector_load %arg10[%get3A_512, %get3A_513] {strides = array<i32>} : memref<64x128xf32, #tpu.memory_space<vmem>>, vector<16xf32>,
          %add3A_515 = arith.addf %get3A_511, %get3A_514 : vector<16xf32>
          %swap3A_516 = arith.index_cast %scan3A_487 : i32 to index
          %swap3A_517 = arith.constant 32 : index
          %swap3A_518 = tpu.vector_load %arg11[%swap3A_516, %swap3A_517] {strides = array<i32>} : memref<64x128xf32, #tpu.memory_space<vmem>>, vector<16xf32>,
          tpu.vector_store %arg11[%swap3A_516, %swap3A_517], %add3A_515 {strides = array<i32>} : memref<64x128xf32, #tpu.memory_space<vmem>>, vector<16xf32>,
          %get3A_519 = arith.index_cast %scan3A_487 : i32 to index
          %get3A_520 = arith.constant 48 : index
          %get3A_521 = tpu.vector_load %arg11[%get3A_519, %get3A_520] {strides = array<i32>} : memref<64x128xf32, #tpu.memory_space<vmem>>, vector<16xf32>,
          %get3A_522 = arith.index_cast %scan3A_487 : i32 to index
          %get3A_523 = arith.constant 48 : index
          %get3A_524 = tpu.vector_load %arg10[%get3A_522, %get3A_523] {strides = array<i32>} : memref<64x128xf32, #tpu.memory_space<vmem>>, vector<16xf32>,
          %add3A_525 = arith.addf %get3A_521, %get3A_524 : vector<16xf32>
          %swap3A_526 = arith.index_cast %scan3A_487 : i32 to index
          %swap3A_527 = arith.constant 48 : index
          %swap3A_528 = tpu.vector_load %arg11[%swap3A_526, %swap3A_527] {strides = array<i32>} : memref<64x128xf32, #tpu.memory_space<vmem>>, vector<16xf32>,
          tpu.vector_store %arg11[%swap3A_526, %swap3A_527], %add3A_525 {strides = array<i32>} : memref<64x128xf32, #tpu.memory_space<vmem>>, vector<16xf32>,
          %get3A_529 = arith.index_cast %scan3A_487 : i32 to index
          %get3A_530 = arith.constant 64 : index
          %get3A_531 = tpu.vector_load %arg11[%get3A_529, %get3A_530] {strides = array<i32>} : memref<64x128xf32, #tpu.memory_space<vmem>>, vector<16xf32>,
          %get3A_532 = arith.index_cast %scan3A_487 : i32 to index
          %get3A_533 = arith.constant 64 : index
          %get3A_534 = tpu.vector_load %arg10[%get3A_532, %get3A_533] {strides = array<i32>} : memref<64x128xf32, #tpu.memory_space<vmem>>, vector<16xf32>,
          %add3A_535 = arith.addf %get3A_531, %get3A_534 : vector<16xf32>
          %swap3A_536 = arith.index_cast %scan3A_487 : i32 to index
          %swap3A_537 = arith.constant 64 : index
          %swap3A_538 = tpu.vector_load %arg11[%swap3A_536, %swap3A_537] {strides = array<i32>} : memref<64x128xf32, #tpu.memory_space<vmem>>, vector<16xf32>,
          tpu.vector_store %arg11[%swap3A_536, %swap3A_537], %add3A_535 {strides = array<i32>} : memref<64x128xf32, #tpu.memory_space<vmem>>, vector<16xf32>,
          %get3A_539 = arith.index_cast %scan3A_487 : i32 to index
          %get3A_540 = arith.constant 80 : index
          %get3A_541 = tpu.vector_load %arg11[%get3A_539, %get3A_540] {strides = array<i32>} : memref<64x128xf32, #tpu.memory_space<vmem>>, vector<16xf32>,
          %get3A_542 = arith.index_cast %scan3A_487 : i32 to index
          %get3A_543 = arith.constant 80 : index
          %get3A_544 = tpu.vector_load %arg10[%get3A_542, %get3A_543] {strides = array<i32>} : memref<64x128xf32, #tpu.memory_space<vmem>>, vector<16xf32>,
          %add3A_545 = arith.addf %get3A_541, %get3A_544 : vector<16xf32>
          %swap3A_546 = arith.index_cast %scan3A_487 : i32 to index
          %swap3A_547 = arith.constant 80 : index
          %swap3A_548 = tpu.vector_load %arg11[%swap3A_546, %swap3A_547] {strides = array<i32>} : memref<64x128xf32, #tpu.memory_space<vmem>>, vector<16xf32>,
          tpu.vector_store %arg11[%swap3A_546, %swap3A_547], %add3A_545 {strides = array<i32>} : memref<64x128xf32, #tpu.memory_space<vmem>>, vector<16xf32>,
          %get3A_549 = arith.index_cast %scan3A_487 : i32 to index
          %get3A_550 = arith.constant 96 : index
          %get3A_551 = tpu.vector_load %arg11[%get3A_549, %get3A_550] {strides = array<i32>} : memref<64x128xf32, #tpu.memory_space<vmem>>, vector<16xf32>,
          %get3A_552 = arith.index_cast %scan3A_487 : i32 to index
          %get3A_553 = arith.constant 96 : index
          %get3A_554 = tpu.vector_load %arg10[%get3A_552, %get3A_553] {strides = array<i32>} : memref<64x128xf32, #tpu.memory_space<vmem>>, vector<16xf32>,
          %add3A_555 = arith.addf %get3A_551, %get3A_554 : vector<16xf32>
          %swap3A_556 = arith.index_cast %scan3A_487 : i32 to index
          %swap3A_557 = arith.constant 96 : index
          %swap3A_558 = tpu.vector_load %arg11[%swap3A_556, %swap3A_557] {strides = array<i32>} : memref<64x128xf32, #tpu.memory_space<vmem>>, vector<16xf32>,
          tpu.vector_store %arg11[%swap3A_556, %swap3A_557], %add3A_555 {strides = array<i32>} : memref<64x128xf32, #tpu.memory_space<vmem>>, vector<16xf32>,
          %get3A_559 = arith.index_cast %scan3A_487 : i32 to index
          %get3A_560 = arith.constant 112 : index
          %get3A_561 = tpu.vector_load %arg11[%get3A_559, %get3A_560] {strides = array<i32>} : memref<64x128xf32, #tpu.memory_space<vmem>>, vector<16xf32>,
          %get3A_562 = arith.index_cast %scan3A_487 : i32 to index
          %get3A_563 = arith.constant 112 : index
          %get3A_564 = tpu.vector_load %arg10[%get3A_562, %get3A_563] {strides = array<i32>} : memref<64x128xf32, #tpu.memory_space<vmem>>, vector<16xf32>,
          %add3A_565 = arith.addf %get3A_561, %get3A_564 : vector<16xf32>
          %swap3A_566 = arith.index_cast %scan3A_487 : i32 to index
          %swap3A_567 = arith.constant 112 : index
          %swap3A_568 = tpu.vector_load %arg11[%swap3A_566, %swap3A_567] {strides = array<i32>} : memref<64x128xf32, #tpu.memory_space<vmem>>, vector<16xf32>,
          tpu.vector_store %arg11[%swap3A_566, %swap3A_567], %add3A_565 {strides = array<i32>} : memref<64x128xf32, #tpu.memory_space<vmem>>, vector<16xf32>,
          %scan3A_569 = arith.constant 0 : i32
          scf.yield %scan3A_569 : i32
        }
        %scan3A_485 = arith.constant 64 : i32
        %run_scoped3A = arith.constant 0 : i32
        "tpu.region"() ({
          %run_scoped3A_487 = tpu.sem_alloc : memref<!tpu.dma_semaphore, #tpu.memory_space<semaphore_mem>>
          %dma_start3A_488 = arith.constant 0 : i32
          %dma_start3A_489 = tpu.memref_slice %arg14[%run_scoped3A, %dma_start3A_488] : memref<1x64xi32, #tpu.memory_space<vmem>> -> memref<1x64xi32, #tpu.memory_space<vmem>>
          %dma_start3A_490 = tpu.memref_squeeze %dma_start3A_489 : memref<1x64xi32, #tpu.memory_space<vmem>> -> memref<64xi32, #tpu.memory_space<vmem>>
          %dma_start3A_491 = arith.constant 0 : i32
          %dma_start3A_492 = arith.constant 0 : i32
          %dma_start3A_493 = tpu.memref_slice %arg6[%dma_start3A_491, %dma_start3A_492] : memref<100000x128xf32, #tpu.memory_space<hbm>> -> memref<100000x128xf32, #tpu.memory_space<hbm>>
          tpu.enqueue_indirect_dma source(%arg11 : memref<64x128xf32, #tpu.memory_space<vmem>>) target(%dma_start3A_493 : memref<100000x128xf32, #tpu.memory_space<hbm>>) offsets(%dma_start3A_490 : memref<64xi32, #tpu.memory_space<vmem>>) semaphore(%run_scoped3A_487 : memref<!tpu.dma_semaphore, #tpu.memory_space<semaphore_mem>>)
          %dma_wait3A_494 = arith.constant 0 : i32
          %dma_wait3A_495 = tpu.memref_slice %arg14[%run_scoped3A, %dma_wait3A_494] : memref<1x64xi32, #tpu.memory_space<vmem>> -> memref<1x64xi32, #tpu.memory_space<vmem>>
          %dma_wait3A_496 = tpu.memref_squeeze %dma_wait3A_495 : memref<1x64xi32, #tpu.memory_space<vmem>> -> memref<64xi32, #tpu.memory_space<vmem>>
          %dma_wait3A_497 = arith.constant 0 : i32
          %dma_wait3A_498 = arith.constant 0 : i32
          %dma_wait3A_499 = tpu.memref_slice %arg6[%dma_wait3A_497, %dma_wait3A_498] : memref<100000x128xf32, #tpu.memory_space<hbm>> -> memref<100000x128xf32, #tpu.memory_space<hbm>>
          tpu.wait_indirect_dma semaphore(%run_scoped3A_487 : memref<!tpu.dma_semaphore, #tpu.memory_space<semaphore_mem>>) src(%arg11 : memref<64x128xf32, #tpu.memory_space<vmem>>) dst(%dma_wait3A_499 : memref<100000x128xf32, #tpu.memory_space<hbm>>)
          tpu.yield
        }) : () -> ()
        %while3A_486 = arith.constant 0 : i32
        scf.yield %while3A_486 : i32
      }
      %while3A_298 = arith.constant 1 : i32
      %while3A_299 = scf.for %while3A_301 = %while3A_295 to %while3A_291 step %while3A_298 iter_args(%while3A_302 = %while3A_297) -> (i32)  : i32 {
        %mul3A_303 = arith.constant 64 : i32
        %mul3A_304 = arith.muli %while3A_301, %mul3A_303 : i32
        %add3A_305 = arith.constant 0 : i32
        %add3A_306 = arith.addi %mul3A_304, %add3A_305 : i32
        %get3A_307 = arith.index_cast %add3A_306 : i32 to index
        %get3A_308 = tpu.vector_load %arg9[%get3A_307] {strides = array<i32>} : memref<16416xi32, #tpu.memory_space<vmem>>, vector<16xi32>,
        %add3A_309 = arith.constant 0 : i32
        %add3A_310 = arith.addi %mul3A_304, %add3A_309 : i32
        %add3A_311 = vector.broadcast %add3A_310 : i32 to vector<16xi32>
        %add3A_312 = arith.addi %add3A_311, %iota3A : vector<16xi32>
        %lt3A_313 = vector.broadcast %while3A_180 : i32 to vector<16xi32>
        %lt3A_314 = arith.cmpi slt, %add3A_312, %lt3A_313 : vector<16xi32>
        %broadcast_in_dim3A_315 = vector.broadcast %reduce_sum3A_235 : i32 to vector<16xi32>
        %select_n3A_316 = arith.select %lt3A_314, %get3A_308, %broadcast_in_dim3A_315 : vector<16xi1>, vector<16xi32>
        %shift_right_arithmetic3A = arith.constant 14 : i32
        %shift_right_arithmetic3A_317 = vector.broadcast %shift_right_arithmetic3A : i32 to vector<16xi32>
        %shift_right_arithmetic3A_318 = arith.shrsi %select_n3A_316, %shift_right_arithmetic3A_317 : vector<16xi32>
        %add3A_319 = vector.broadcast %mul3A_2 : i32 to vector<16xi32>
        %add3A_320 = arith.addi %add3A_319, %shift_right_arithmetic3A_318 : vector<16xi32>
        %swap3A_321 = arith.constant 0 : i32
        %swap3A_322 = arith.index_cast %swap3A_321 : i32 to index
        %swap3A_323 = arith.constant 0 : index
        %swap3A_324 = tpu.vector_load %arg14[%swap3A_322, %swap3A_323] {strides = array<i32>} : memref<1x64xi32, #tpu.memory_space<vmem>>, vector<16xi32>,
        tpu.vector_store %arg14[%swap3A_322, %swap3A_323], %add3A_320 {strides = array<i32>} : memref<1x64xi32, #tpu.memory_space<vmem>>, vector<16xi32>,
        %and3A_325 = arith.constant 16383 : i32
        %and3A_326 = vector.broadcast %and3A_325 : i32 to vector<16xi32>
        %and3A_327 = arith.andi %select_n3A_316, %and3A_326 : vector<16xi32>
        %swap3A_328 = arith.constant 0 : i32
        %swap3A_329 = arith.index_cast %swap3A_328 : i32 to index
        %swap3A_330 = arith.constant 0 : index
        %swap3A_331 = tpu.vector_load %arg13[%swap3A_329, %swap3A_330] {strides = array<i32>} : memref<1x64xi32, #tpu.memory_space<vmem>>, vector<16xi32>,
        tpu.vector_store %arg13[%swap3A_329, %swap3A_330], %and3A_327 {strides = array<i32>} : memref<1x64xi32, #tpu.memory_space<vmem>>, vector<16xi32>,
        %add3A_332 = arith.addi %mul3A_2, %mul3A_134 : i32
        %sub3A_333 = vector.broadcast %add3A_332 : i32 to vector<16xi32>
        %sub3A_334 = arith.subi %add3A_320, %sub3A_333 : vector<16xi32>
        %add3A_335 = vector.broadcast %mul3A_121 : i32 to vector<16xi32>
        %add3A_336 = arith.addi %sub3A_334, %add3A_335 : vector<16xi32>
        %swap3A_337 = arith.constant 0 : i32
        %swap3A_338 = arith.index_cast %swap3A_337 : i32 to index
        %swap3A_339 = arith.constant 0 : index
        %swap3A_340 = tpu.vector_load %arg15[%swap3A_338, %swap3A_339] {strides = array<i32>} : memref<1x64xi32, #tpu.memory_space<vmem>>, vector<16xi32>,
        tpu.vector_store %arg15[%swap3A_338, %swap3A_339], %add3A_336 {strides = array<i32>} : memref<1x64xi32, #tpu.memory_space<vmem>>, vector<16xi32>,
        %add3A_341 = arith.constant 16 : i32
        %add3A_342 = arith.addi %mul3A_304, %add3A_341 : i32
        %get3A_343 = arith.index_cast %add3A_342 : i32 to index
        %get3A_344 = tpu.vector_load %arg9[%get3A_343] {strides = array<i32>} : memref<16416xi32, #tpu.memory_space<vmem>>, vector<16xi32>,
        %add3A_345 = arith.constant 16 : i32
        %add3A_346 = arith.addi %mul3A_304, %add3A_345 : i32
        %add3A_347 = vector.broadcast %add3A_346 : i32 to vector<16xi32>
        %add3A_348 = arith.addi %add3A_347, %iota3A : vector<16xi32>
        %lt3A_349 = vector.broadcast %while3A_180 : i32 to vector<16xi32>
        %lt3A_350 = arith.cmpi slt, %add3A_348, %lt3A_349 : vector<16xi32>
        %broadcast_in_dim3A_351 = vector.broadcast %reduce_sum3A_235 : i32 to vector<16xi32>
        %select_n3A_352 = arith.select %lt3A_350, %get3A_344, %broadcast_in_dim3A_351 : vector<16xi1>, vector<16xi32>
        %shift_right_arithmetic3A_353 = arith.constant 14 : i32
        %shift_right_arithmetic3A_354 = vector.broadcast %shift_right_arithmetic3A_353 : i32 to vector<16xi32>
        %shift_right_arithmetic3A_355 = arith.shrsi %select_n3A_352, %shift_right_arithmetic3A_354 : vector<16xi32>
        %add3A_356 = vector.broadcast %mul3A_2 : i32 to vector<16xi32>
        %add3A_357 = arith.addi %add3A_356, %shift_right_arithmetic3A_355 : vector<16xi32>
        %swap3A_358 = arith.constant 0 : i32
        %swap3A_359 = arith.index_cast %swap3A_358 : i32 to index
        %swap3A_360 = arith.constant 16 : index
        %swap3A_361 = tpu.vector_load %arg14[%swap3A_359, %swap3A_360] {strides = array<i32>} : memref<1x64xi32, #tpu.memory_space<vmem>>, vector<16xi32>,
        tpu.vector_store %arg14[%swap3A_359, %swap3A_360], %add3A_357 {strides = array<i32>} : memref<1x64xi32, #tpu.memory_space<vmem>>, vector<16xi32>,
        %and3A_362 = arith.constant 16383 : i32
        %and3A_363 = vector.broadcast %and3A_362 : i32 to vector<16xi32>
        %and3A_364 = arith.andi %select_n3A_352, %and3A_363 : vector<16xi32>
        %swap3A_365 = arith.constant 0 : i32
        %swap3A_366 = arith.index_cast %swap3A_365 : i32 to index
        %swap3A_367 = arith.constant 16 : index
        %swap3A_368 = tpu.vector_load %arg13[%swap3A_366, %swap3A_367] {strides = array<i32>} : memref<1x64xi32, #tpu.memory_space<vmem>>, vector<16xi32>,
        tpu.vector_store %arg13[%swap3A_366, %swap3A_367], %and3A_364 {strides = array<i32>} : memref<1x64xi32, #tpu.memory_space<vmem>>, vector<16xi32>,
        %add3A_369 = arith.addi %mul3A_2, %mul3A_134 : i32
        %sub3A_370 = vector.broadcast %add3A_369 : i32 to vector<16xi32>
        %sub3A_371 = arith.subi %add3A_357, %sub3A_370 : vector<16xi32>
        %add3A_372 = vector.broadcast %mul3A_121 : i32 to vector<16xi32>
        %add3A_373 = arith.addi %sub3A_371, %add3A_372 : vector<16xi32>
        %swap3A_374 = arith.constant 0 : i32
        %swap3A_375 = arith.index_cast %swap3A_374 : i32 to index
        %swap3A_376 = arith.constant 16 : index
        %swap3A_377 = tpu.vector_load %arg15[%swap3A_375, %swap3A_376] {strides = array<i32>} : memref<1x64xi32, #tpu.memory_space<vmem>>, vector<16xi32>,
        tpu.vector_store %arg15[%swap3A_375, %swap3A_376], %add3A_373 {strides = array<i32>} : memref<1x64xi32, #tpu.memory_space<vmem>>, vector<16xi32>,
        %add3A_378 = arith.constant 32 : i32
        %add3A_379 = arith.addi %mul3A_304, %add3A_378 : i32
        %get3A_380 = arith.index_cast %add3A_379 : i32 to index
        %get3A_381 = tpu.vector_load %arg9[%get3A_380] {strides = array<i32>} : memref<16416xi32, #tpu.memory_space<vmem>>, vector<16xi32>,
        %add3A_382 = arith.constant 32 : i32
        %add3A_383 = arith.addi %mul3A_304, %add3A_382 : i32
        %add3A_384 = vector.broadcast %add3A_383 : i32 to vector<16xi32>
        %add3A_385 = arith.addi %add3A_384, %iota3A : vector<16xi32>
        %lt3A_386 = vector.broadcast %while3A_180 : i32 to vector<16xi32>
        %lt3A_387 = arith.cmpi slt, %add3A_385, %lt3A_386 : vector<16xi32>
        %broadcast_in_dim3A_388 = vector.broadcast %reduce_sum3A_235 : i32 to vector<16xi32>
        %select_n3A_389 = arith.select %lt3A_387, %get3A_381, %broadcast_in_dim3A_388 : vector<16xi1>, vector<16xi32>
        %shift_right_arithmetic3A_390 = arith.constant 14 : i32
        %shift_right_arithmetic3A_391 = vector.broadcast %shift_right_arithmetic3A_390 : i32 to vector<16xi32>
        %shift_right_arithmetic3A_392 = arith.shrsi %select_n3A_389, %shift_right_arithmetic3A_391 : vector<16xi32>
        %add3A_393 = vector.broadcast %mul3A_2 : i32 to vector<16xi32>
        %add3A_394 = arith.addi %add3A_393, %shift_right_arithmetic3A_392 : vector<16xi32>
        %swap3A_395 = arith.constant 0 : i32
        %swap3A_396 = arith.index_cast %swap3A_395 : i32 to index
        %swap3A_397 = arith.constant 32 : index
        %swap3A_398 = tpu.vector_load %arg14[%swap3A_396, %swap3A_397] {strides = array<i32>} : memref<1x64xi32, #tpu.memory_space<vmem>>, vector<16xi32>,
        tpu.vector_store %arg14[%swap3A_396, %swap3A_397], %add3A_394 {strides = array<i32>} : memref<1x64xi32, #tpu.memory_space<vmem>>, vector<16xi32>,
        %and3A_399 = arith.constant 16383 : i32
        %and3A_400 = vector.broadcast %and3A_399 : i32 to vector<16xi32>
        %and3A_401 = arith.andi %select_n3A_389, %and3A_400 : vector<16xi32>
        %swap3A_402 = arith.constant 0 : i32
        %swap3A_403 = arith.index_cast %swap3A_402 : i32 to index
        %swap3A_404 = arith.constant 32 : index
        %swap3A_405 = tpu.vector_load %arg13[%swap3A_403, %swap3A_404] {strides = array<i32>} : memref<1x64xi32, #tpu.memory_space<vmem>>, vector<16xi32>,
        tpu.vector_store %arg13[%swap3A_403, %swap3A_404], %and3A_401 {strides = array<i32>} : memref<1x64xi32, #tpu.memory_space<vmem>>, vector<16xi32>,
        %add3A_406 = arith.addi %mul3A_2, %mul3A_134 : i32
        %sub3A_407 = vector.broadcast %add3A_406 : i32 to vector<16xi32>
        %sub3A_408 = arith.subi %add3A_394, %sub3A_407 : vector<16xi32>
        %add3A_409 = vector.broadcast %mul3A_121 : i32 to vector<16xi32>
        %add3A_410 = arith.addi %sub3A_408, %add3A_409 : vector<16xi32>
        %swap3A_411 = arith.constant 0 : i32
        %swap3A_412 = arith.index_cast %swap3A_411 : i32 to index
        %swap3A_413 = arith.constant 32 : index
        %swap3A_414 = tpu.vector_load %arg15[%swap3A_412, %swap3A_413] {strides = array<i32>} : memref<1x64xi32, #tpu.memory_space<vmem>>, vector<16xi32>,
        tpu.vector_store %arg15[%swap3A_412, %swap3A_413], %add3A_410 {strides = array<i32>} : memref<1x64xi32, #tpu.memory_space<vmem>>, vector<16xi32>,
        %add3A_415 = arith.constant 48 : i32
        %add3A_416 = arith.addi %mul3A_304, %add3A_415 : i32
        %get3A_417 = arith.index_cast %add3A_416 : i32 to index
        %get3A_418 = tpu.vector_load %arg9[%get3A_417] {strides = array<i32>} : memref<16416xi32, #tpu.memory_space<vmem>>, vector<16xi32>,
        %add3A_419 = arith.constant 48 : i32
        %add3A_420 = arith.addi %mul3A_304, %add3A_419 : i32
        %add3A_421 = vector.broadcast %add3A_420 : i32 to vector<16xi32>
        %add3A_422 = arith.addi %add3A_421, %iota3A : vector<16xi32>
        %lt3A_423 = vector.broadcast %while3A_180 : i32 to vector<16xi32>
        %lt3A_424 = arith.cmpi slt, %add3A_422, %lt3A_423 : vector<16xi32>
        %broadcast_in_dim3A_425 = vector.broadcast %reduce_sum3A_235 : i32 to vector<16xi32>
        %select_n3A_426 = arith.select %lt3A_424, %get3A_418, %broadcast_in_dim3A_425 : vector<16xi1>, vector<16xi32>
        %shift_right_arithmetic3A_427 = arith.constant 14 : i32
        %shift_right_arithmetic3A_428 = vector.broadcast %shift_right_arithmetic3A_427 : i32 to vector<16xi32>
        %shift_right_arithmetic3A_429 = arith.shrsi %select_n3A_426, %shift_right_arithmetic3A_428 : vector<16xi32>
        %add3A_430 = vector.broadcast %mul3A_2 : i32 to vector<16xi32>
        %add3A_431 = arith.addi %add3A_430, %shift_right_arithmetic3A_429 : vector<16xi32>
        %swap3A_432 = arith.constant 0 : i32
        %swap3A_433 = arith.index_cast %swap3A_432 : i32 to index
        %swap3A_434 = arith.constant 48 : index
        %swap3A_435 = tpu.vector_load %arg14[%swap3A_433, %swap3A_434] {strides = array<i32>} : memref<1x64xi32, #tpu.memory_space<vmem>>, vector<16xi32>,
        tpu.vector_store %arg14[%swap3A_433, %swap3A_434], %add3A_431 {strides = array<i32>} : memref<1x64xi32, #tpu.memory_space<vmem>>, vector<16xi32>,
        %and3A_436 = arith.constant 16383 : i32
        %and3A_437 = vector.broadcast %and3A_436 : i32 to vector<16xi32>
        %and3A_438 = arith.andi %select_n3A_426, %and3A_437 : vector<16xi32>
        %swap3A_439 = arith.constant 0 : i32
        %swap3A_440 = arith.index_cast %swap3A_439 : i32 to index
        %swap3A_441 = arith.constant 48 : index
        %swap3A_442 = tpu.vector_load %arg13[%swap3A_440, %swap3A_441] {strides = array<i32>} : memref<1x64xi32, #tpu.memory_space<vmem>>, vector<16xi32>,
        tpu.vector_store %arg13[%swap3A_440, %swap3A_441], %and3A_438 {strides = array<i32>} : memref<1x64xi32, #tpu.memory_space<vmem>>, vector<16xi32>,
        %add3A_443 = arith.addi %mul3A_2, %mul3A_134 : i32
        %sub3A_444 = vector.broadcast %add3A_443 : i32 to vector<16xi32>
        %sub3A_445 = arith.subi %add3A_431, %sub3A_444 : vector<16xi32>
        %add3A_446 = vector.broadcast %mul3A_121 : i32 to vector<16xi32>
        %add3A_447 = arith.addi %sub3A_445, %add3A_446 : vector<16xi32>
        %swap3A_448 = arith.constant 0 : i32
        %swap3A_449 = arith.index_cast %swap3A_448 : i32 to index
        %swap3A_450 = arith.constant 48 : index
        %swap3A_451 = tpu.vector_load %arg15[%swap3A_449, %swap3A_450] {strides = array<i32>} : memref<1x64xi32, #tpu.memory_space<vmem>>, vector<16xi32>,
        tpu.vector_store %arg15[%swap3A_449, %swap3A_450], %add3A_447 {strides = array<i32>} : memref<1x64xi32, #tpu.memory_space<vmem>>, vector<16xi32>,
        %dma_start3A_452 = arith.constant 0 : i32
        %dma_start3A_453 = arith.constant 0 : i32
        %dma_start3A_454 = tpu.memref_slice %arg14[%dma_start3A_452, %dma_start3A_453] : memref<1x64xi32, #tpu.memory_space<vmem>> -> memref<1x64xi32, #tpu.memory_space<vmem>>
        %dma_start3A_455 = tpu.memref_squeeze %dma_start3A_454 : memref<1x64xi32, #tpu.memory_space<vmem>> -> memref<64xi32, #tpu.memory_space<vmem>>
        %dma_start3A_456 = arith.constant 0 : i32
        %dma_start3A_457 = arith.constant 0 : i32
        %dma_start3A_458 = tpu.memref_slice %arg4[%dma_start3A_456, %dma_start3A_457] : memref<100000x128xf32, #tpu.memory_space<hbm>> -> memref<100000x128xf32, #tpu.memory_space<hbm>>
        tpu.enqueue_indirect_dma source(%dma_start3A_458 : memref<100000x128xf32, #tpu.memory_space<hbm>>) target(%arg11 : memref<64x128xf32, #tpu.memory_space<vmem>>) offsets(%dma_start3A_455 : memref<64xi32, #tpu.memory_space<vmem>>) semaphore(%arg20 : memref<!tpu.dma_semaphore, #tpu.memory_space<semaphore_mem>>)
        %dma_start3A_459 = arith.constant 0 : i32
        %dma_start3A_460 = arith.constant 0 : i32
        %dma_start3A_461 = tpu.memref_slice %arg15[%dma_start3A_459, %dma_start3A_460] : memref<1x64xi32, #tpu.memory_space<vmem>> -> memref<1x64xi32, #tpu.memory_space<vmem>>
        %dma_start3A_462 = tpu.memref_squeeze %dma_start3A_461 : memref<1x64xi32, #tpu.memory_space<vmem>> -> memref<64xi32, #tpu.memory_space<vmem>>
        %dma_start3A_463 = arith.constant 0 : i32
        %dma_start3A_464 = arith.constant 0 : i32
        %dma_start3A_465 = tpu.memref_slice %arg19[%dma_start3A_463, %dma_start3A_464] : memref<4608x128xf32, #tpu.memory_space<vmem_shared>> -> memref<4608x128xf32, #tpu.memory_space<vmem_shared>>
        tpu.enqueue_indirect_dma source(%dma_start3A_465 : memref<4608x128xf32, #tpu.memory_space<vmem_shared>>) target(%arg10 : memref<64x128xf32, #tpu.memory_space<vmem>>) offsets(%dma_start3A_462 : memref<64xi32, #tpu.memory_space<vmem>>) semaphore(%arg21 : memref<!tpu.dma_semaphore, #tpu.memory_space<semaphore_mem>>)
        %dma_wait3A = arith.constant 0 : i32
        %dma_wait3A_466 = arith.constant 0 : i32
        %dma_wait3A_467 = tpu.memref_slice %arg14[%dma_wait3A, %dma_wait3A_466] : memref<1x64xi32, #tpu.memory_space<vmem>> -> memref<1x64xi32, #tpu.memory_space<vmem>>
        %dma_wait3A_468 = tpu.memref_squeeze %dma_wait3A_467 : memref<1x64xi32, #tpu.memory_space<vmem>> -> memref<64xi32, #tpu.memory_space<vmem>>
        %dma_wait3A_469 = arith.constant 0 : i32
        %dma_wait3A_470 = arith.constant 0 : i32
        %dma_wait3A_471 = tpu.memref_slice %arg4[%dma_wait3A_469, %dma_wait3A_470] : memref<100000x128xf32, #tpu.memory_space<hbm>> -> memref<100000x128xf32, #tpu.memory_space<hbm>>
        tpu.wait_indirect_dma semaphore(%arg20 : memref<!tpu.dma_semaphore, #tpu.memory_space<semaphore_mem>>) src(%dma_wait3A_471 : memref<100000x128xf32, #tpu.memory_space<hbm>>) dst(%arg11 : memref<64x128xf32, #tpu.memory_space<vmem>>)
        %dma_wait3A_472 = arith.constant 0 : i32
        %dma_wait3A_473 = arith.constant 0 : i32
        %dma_wait3A_474 = tpu.memref_slice %arg15[%dma_wait3A_472, %dma_wait3A_473] : memref<1x64xi32, #tpu.memory_space<vmem>> -> memref<1x64xi32, #tpu.memory_space<vmem>>
        %dma_wait3A_475 = tpu.memref_squeeze %dma_wait3A_474 : memref<1x64xi32, #tpu.memory_space<vmem>> -> memref<64xi32, #tpu.memory_space<vmem>>
        %dma_wait3A_476 = arith.constant 0 : i32
        %dma_wait3A_477 = arith.constant 0 : i32
        %dma_wait3A_478 = tpu.memref_slice %arg19[%dma_wait3A_476, %dma_wait3A_477] : memref<4608x128xf32, #tpu.memory_space<vmem_shared>> -> memref<4608x128xf32, #tpu.memory_space<vmem_shared>>
        tpu.wait_indirect_dma semaphore(%arg21 : memref<!tpu.dma_semaphore, #tpu.memory_space<semaphore_mem>>) src(%dma_wait3A_478 : memref<4608x128xf32, #tpu.memory_space<vmem_shared>>) dst(%arg10 : memref<64x128xf32, #tpu.memory_space<vmem>>)
        %scan3A_479 = arith.constant 0 : i32
        %scan3A_480 = arith.constant 0 : i32
        %scan3A_481 = arith.constant 64 : i32
        %scan3A_482 = arith.addi %scan3A_480, %scan3A_481 : i32
        %scan3A_483 = arith.constant 1 : i32
        %scan3A_484 = scf.for %scan3A_487 = %scan3A_480 to %scan3A_482 step %scan3A_483 iter_args(%scan3A_488 = %scan3A_479) -> (i32)  : i32 {
          %get3A_489 = arith.index_cast %scan3A_487 : i32 to index
          %get3A_490 = arith.constant 0 : index
          %get3A_491 = tpu.vector_load %arg11[%get3A_489, %get3A_490] {strides = array<i32>} : memref<64x128xf32, #tpu.memory_space<vmem>>, vector<16xf32>,
          %get3A_492 = arith.index_cast %scan3A_487 : i32 to index
          %get3A_493 = arith.constant 0 : index
          %get3A_494 = tpu.vector_load %arg10[%get3A_492, %get3A_493] {strides = array<i32>} : memref<64x128xf32, #tpu.memory_space<vmem>>, vector<16xf32>,
          %add3A_495 = arith.addf %get3A_491, %get3A_494 : vector<16xf32>
          %swap3A_496 = arith.index_cast %scan3A_487 : i32 to index
          %swap3A_497 = arith.constant 0 : index
          %swap3A_498 = tpu.vector_load %arg11[%swap3A_496, %swap3A_497] {strides = array<i32>} : memref<64x128xf32, #tpu.memory_space<vmem>>, vector<16xf32>,
          tpu.vector_store %arg11[%swap3A_496, %swap3A_497], %add3A_495 {strides = array<i32>} : memref<64x128xf32, #tpu.memory_space<vmem>>, vector<16xf32>,
          %get3A_499 = arith.index_cast %scan3A_487 : i32 to index
          %get3A_500 = arith.constant 16 : index
          %get3A_501 = tpu.vector_load %arg11[%get3A_499, %get3A_500] {strides = array<i32>} : memref<64x128xf32, #tpu.memory_space<vmem>>, vector<16xf32>,
          %get3A_502 = arith.index_cast %scan3A_487 : i32 to index
          %get3A_503 = arith.constant 16 : index
          %get3A_504 = tpu.vector_load %arg10[%get3A_502, %get3A_503] {strides = array<i32>} : memref<64x128xf32, #tpu.memory_space<vmem>>, vector<16xf32>,
          %add3A_505 = arith.addf %get3A_501, %get3A_504 : vector<16xf32>
          %swap3A_506 = arith.index_cast %scan3A_487 : i32 to index
          %swap3A_507 = arith.constant 16 : index
          %swap3A_508 = tpu.vector_load %arg11[%swap3A_506, %swap3A_507] {strides = array<i32>} : memref<64x128xf32, #tpu.memory_space<vmem>>, vector<16xf32>,
          tpu.vector_store %arg11[%swap3A_506, %swap3A_507], %add3A_505 {strides = array<i32>} : memref<64x128xf32, #tpu.memory_space<vmem>>, vector<16xf32>,
          %get3A_509 = arith.index_cast %scan3A_487 : i32 to index
          %get3A_510 = arith.constant 32 : index
          %get3A_511 = tpu.vector_load %arg11[%get3A_509, %get3A_510] {strides = array<i32>} : memref<64x128xf32, #tpu.memory_space<vmem>>, vector<16xf32>,
          %get3A_512 = arith.index_cast %scan3A_487 : i32 to index
          %get3A_513 = arith.constant 32 : index
          %get3A_514 = tpu.vector_load %arg10[%get3A_512, %get3A_513] {strides = array<i32>} : memref<64x128xf32, #tpu.memory_space<vmem>>, vector<16xf32>,
          %add3A_515 = arith.addf %get3A_511, %get3A_514 : vector<16xf32>
          %swap3A_516 = arith.index_cast %scan3A_487 : i32 to index
          %swap3A_517 = arith.constant 32 : index
          %swap3A_518 = tpu.vector_load %arg11[%swap3A_516, %swap3A_517] {strides = array<i32>} : memref<64x128xf32, #tpu.memory_space<vmem>>, vector<16xf32>,
          tpu.vector_store %arg11[%swap3A_516, %swap3A_517], %add3A_515 {strides = array<i32>} : memref<64x128xf32, #tpu.memory_space<vmem>>, vector<16xf32>,
          %get3A_519 = arith.index_cast %scan3A_487 : i32 to index
          %get3A_520 = arith.constant 48 : index
          %get3A_521 = tpu.vector_load %arg11[%get3A_519, %get3A_520] {strides = array<i32>} : memref<64x128xf32, #tpu.memory_space<vmem>>, vector<16xf32>,
          %get3A_522 = arith.index_cast %scan3A_487 : i32 to index
          %get3A_523 = arith.constant 48 : index
          %get3A_524 = tpu.vector_load %arg10[%get3A_522, %get3A_523] {strides = array<i32>} : memref<64x128xf32, #tpu.memory_space<vmem>>, vector<16xf32>,
          %add3A_525 = arith.addf %get3A_521, %get3A_524 : vector<16xf32>
          %swap3A_526 = arith.index_cast %scan3A_487 : i32 to index
          %swap3A_527 = arith.constant 48 : index
          %swap3A_528 = tpu.vector_load %arg11[%swap3A_526, %swap3A_527] {strides = array<i32>} : memref<64x128xf32, #tpu.memory_space<vmem>>, vector<16xf32>,
          tpu.vector_store %arg11[%swap3A_526, %swap3A_527], %add3A_525 {strides = array<i32>} : memref<64x128xf32, #tpu.memory_space<vmem>>, vector<16xf32>,
          %get3A_529 = arith.index_cast %scan3A_487 : i32 to index
          %get3A_530 = arith.constant 64 : index
          %get3A_531 = tpu.vector_load %arg11[%get3A_529, %get3A_530] {strides = array<i32>} : memref<64x128xf32, #tpu.memory_space<vmem>>, vector<16xf32>,
          %get3A_532 = arith.index_cast %scan3A_487 : i32 to index
          %get3A_533 = arith.constant 64 : index
          %get3A_534 = tpu.vector_load %arg10[%get3A_532, %get3A_533] {strides = array<i32>} : memref<64x128xf32, #tpu.memory_space<vmem>>, vector<16xf32>,
          %add3A_535 = arith.addf %get3A_531, %get3A_534 : vector<16xf32>
          %swap3A_536 = arith.index_cast %scan3A_487 : i32 to index
          %swap3A_537 = arith.constant 64 : index
          %swap3A_538 = tpu.vector_load %arg11[%swap3A_536, %swap3A_537] {strides = array<i32>} : memref<64x128xf32, #tpu.memory_space<vmem>>, vector<16xf32>,
          tpu.vector_store %arg11[%swap3A_536, %swap3A_537], %add3A_535 {strides = array<i32>} : memref<64x128xf32, #tpu.memory_space<vmem>>, vector<16xf32>,
          %get3A_539 = arith.index_cast %scan3A_487 : i32 to index
          %get3A_540 = arith.constant 80 : index
          %get3A_541 = tpu.vector_load %arg11[%get3A_539, %get3A_540] {strides = array<i32>} : memref<64x128xf32, #tpu.memory_space<vmem>>, vector<16xf32>,
          %get3A_542 = arith.index_cast %scan3A_487 : i32 to index
          %get3A_543 = arith.constant 80 : index
          %get3A_544 = tpu.vector_load %arg10[%get3A_542, %get3A_543] {strides = array<i32>} : memref<64x128xf32, #tpu.memory_space<vmem>>, vector<16xf32>,
          %add3A_545 = arith.addf %get3A_541, %get3A_544 : vector<16xf32>
          %swap3A_546 = arith.index_cast %scan3A_487 : i32 to index
          %swap3A_547 = arith.constant 80 : index
          %swap3A_548 = tpu.vector_load %arg11[%swap3A_546, %swap3A_547] {strides = array<i32>} : memref<64x128xf32, #tpu.memory_space<vmem>>, vector<16xf32>,
          tpu.vector_store %arg11[%swap3A_546, %swap3A_547], %add3A_545 {strides = array<i32>} : memref<64x128xf32, #tpu.memory_space<vmem>>, vector<16xf32>,
          %get3A_549 = arith.index_cast %scan3A_487 : i32 to index
          %get3A_550 = arith.constant 96 : index
          %get3A_551 = tpu.vector_load %arg11[%get3A_549, %get3A_550] {strides = array<i32>} : memref<64x128xf32, #tpu.memory_space<vmem>>, vector<16xf32>,
          %get3A_552 = arith.index_cast %scan3A_487 : i32 to index
          %get3A_553 = arith.constant 96 : index
          %get3A_554 = tpu.vector_load %arg10[%get3A_552, %get3A_553] {strides = array<i32>} : memref<64x128xf32, #tpu.memory_space<vmem>>, vector<16xf32>,
          %add3A_555 = arith.addf %get3A_551, %get3A_554 : vector<16xf32>
          %swap3A_556 = arith.index_cast %scan3A_487 : i32 to index
          %swap3A_557 = arith.constant 96 : index
          %swap3A_558 = tpu.vector_load %arg11[%swap3A_556, %swap3A_557] {strides = array<i32>} : memref<64x128xf32, #tpu.memory_space<vmem>>, vector<16xf32>,
          tpu.vector_store %arg11[%swap3A_556, %swap3A_557], %add3A_555 {strides = array<i32>} : memref<64x128xf32, #tpu.memory_space<vmem>>, vector<16xf32>,
          %get3A_559 = arith.index_cast %scan3A_487 : i32 to index
          %get3A_560 = arith.constant 112 : index
          %get3A_561 = tpu.vector_load %arg11[%get3A_559, %get3A_560] {strides = array<i32>} : memref<64x128xf32, #tpu.memory_space<vmem>>, vector<16xf32>,
          %get3A_562 = arith.index_cast %scan3A_487 : i32 to index
          %get3A_563 = arith.constant 112 : index
          %get3A_564 = tpu.vector_load %arg10[%get3A_562, %get3A_563] {strides = array<i32>} : memref<64x128xf32, #tpu.memory_space<vmem>>, vector<16xf32>,
          %add3A_565 = arith.addf %get3A_561, %get3A_564 : vector<16xf32>
          %swap3A_566 = arith.index_cast %scan3A_487 : i32 to index
          %swap3A_567 = arith.constant 112 : index
          %swap3A_568 = tpu.vector_load %arg11[%swap3A_566, %swap3A_567] {strides = array<i32>} : memref<64x128xf32, #tpu.memory_space<vmem>>, vector<16xf32>,
          tpu.vector_store %arg11[%swap3A_566, %swap3A_567], %add3A_565 {strides = array<i32>} : memref<64x128xf32, #tpu.memory_space<vmem>>, vector<16xf32>,
          %scan3A_569 = arith.constant 0 : i32
          scf.yield %scan3A_569 : i32
        }
        %scan3A_485 = arith.constant 64 : i32
        %run_scoped3A = arith.constant 0 : i32
        "tpu.region"() ({
          %run_scoped3A_487 = tpu.sem_alloc : memref<!tpu.dma_semaphore, #tpu.memory_space<semaphore_mem>>
          %dma_start3A_488 = arith.constant 0 : i32
          %dma_start3A_489 = tpu.memref_slice %arg14[%run_scoped3A, %dma_start3A_488] : memref<1x64xi32, #tpu.memory_space<vmem>> -> memref<1x64xi32, #tpu.memory_space<vmem>>
          %dma_start3A_490 = tpu.memref_squeeze %dma_start3A_489 : memref<1x64xi32, #tpu.memory_space<vmem>> -> memref<64xi32, #tpu.memory_space<vmem>>
          %dma_start3A_491 = arith.constant 0 : i32
          %dma_start3A_492 = arith.constant 0 : i32
          %dma_start3A_493 = tpu.memref_slice %arg6[%dma_start3A_491, %dma_start3A_492] : memref<100000x128xf32, #tpu.memory_space<hbm>> -> memref<100000x128xf32, #tpu.memory_space<hbm>>
          tpu.enqueue_indirect_dma source(%arg11 : memref<64x128xf32, #tpu.memory_space<vmem>>) target(%dma_start3A_493 : memref<100000x128xf32, #tpu.memory_space<hbm>>) offsets(%dma_start3A_490 : memref<64xi32, #tpu.memory_space<vmem>>) semaphore(%run_scoped3A_487 : memref<!tpu.dma_semaphore, #tpu.memory_space<semaphore_mem>>)
          %dma_wait3A_494 = arith.constant 0 : i32
          %dma_wait3A_495 = tpu.memref_slice %arg14[%run_scoped3A, %dma_wait3A_494] : memref<1x64xi32, #tpu.memory_space<vmem>> -> memref<1x64xi32, #tpu.memory_space<vmem>>
          %dma_wait3A_496 = tpu.memref_squeeze %dma_wait3A_495 : memref<1x64xi32, #tpu.memory_space<vmem>> -> memref<64xi32, #tpu.memory_space<vmem>>
          %dma_wait3A_497 = arith.constant 0 : i32
          %dma_wait3A_498 = arith.constant 0 : i32
          %dma_wait3A_499 = tpu.memref_slice %arg6[%dma_wait3A_497, %dma_wait3A_498] : memref<100000x128xf32, #tpu.memory_space<hbm>> -> memref<100000x128xf32, #tpu.memory_space<hbm>>
          tpu.wait_indirect_dma semaphore(%run_scoped3A_487 : memref<!tpu.dma_semaphore, #tpu.memory_space<semaphore_mem>>) src(%arg11 : memref<64x128xf32, #tpu.memory_space<vmem>>) dst(%dma_wait3A_499 : memref<100000x128xf32, #tpu.memory_space<hbm>>)
          tpu.yield
        }) : () -> ()
        %while3A_486 = arith.constant 0 : i32
        scf.yield %while3A_486 : i32
      }
      %scan3A_300 = arith.constant 0 : i32
      scf.yield %scan3A_300 : i32
    }
    %scan3A_128 = arith.constant 11 : i32
    %mul3A_129 = arith.constant 16 : i32
    %mul3A_130 = arith.muli %add3A, %mul3A_129 : i32
    "tpu.region"() ({
      %run_scoped3A = tpu.sem_alloc : memref<!tpu.dma_semaphore, #tpu.memory_space<semaphore_mem>>
      %dma_start3A_131 = tpu.memref_slice %arg5[%mul3A_130] : memref<512xf32, #tpu.memory_space<hbm>> -> memref<16xf32, #tpu.memory_space<hbm>>
      %dma_start3A_132 = tpu.memref_slice %arg5[%mul3A_130] : memref<512xf32, #tpu.memory_space<hbm>> -> memref<16xf32, #tpu.memory_space<hbm>>
      tpu.enqueue_dma source(%arg16 : memref<16xf32, #tpu.memory_space<vmem>>) target(%dma_start3A_132 : memref<16xf32, #tpu.memory_space<hbm>>) target_semaphore(%run_scoped3A : memref<!tpu.dma_semaphore, #tpu.memory_space<semaphore_mem>>)
      %dma_wait3A = tpu.memref_slice %arg5[%mul3A_130] : memref<512xf32, #tpu.memory_space<hbm>> -> memref<16xf32, #tpu.memory_space<hbm>>
      %dma_wait3A_133 = tpu.memref_slice %arg5[%mul3A_130] : memref<512xf32, #tpu.memory_space<hbm>> -> memref<16xf32, #tpu.memory_space<hbm>>
      tpu.wait_dma2 semaphore(%run_scoped3A : memref<!tpu.dma_semaphore, #tpu.memory_space<semaphore_mem>>) src(%arg16 : memref<16xf32, #tpu.memory_space<vmem>>) dst(%dma_wait3A_133 : memref<16xf32, #tpu.memory_space<hbm>>)
      tpu.yield
    }) : () -> ()
    return
  }
}

</mosaic_0001>

<sc_bundles>
// kernel: kernel.3.cloned.1.call-start
scs
__scs_entry_jumppad:
0x0: {  	(pc) =	sbr.rel $0x88, $3  }
0x1: {  	(tag) =	ssettag $0x0;
	lr =	simm.s32 $0x1  }
0x2: {  	[smem:$0x3F9E] =	sst lr;
	_ =	strace $0xD0000000  }
0x3: {  	_ = 	snop  }
0x4: {  	_ = 	snop  }
0x5: {  	_ = 	snop  }
0x6: {  	_ = 	snop  }
0x7: {  	_ = 	snop  }
__scs_overlays_trampoline_lowered:
0x8: {  	[smem:$0x3FAD] =	sst s0  }
0x9: {  	[smem:$0x3FAE] =	sst s1  }
0xa: {  	[smem:$0x3FAF] =	sst s2  }
0xb: {  	[smem:$0x3FB0] =	sst s3  }
0xc: {  	[smem:$0x3FB1] =	sst s4  }
0xd: {  	[smem:$0x3FB2] =	sst s5  }
0xe: {  	[smem:$0x3FB3] =	sst s6  }
0xf: {  	[smem:$0x3FB4] =	sst s7  }
0x10: {  	[smem:$0x3FB5] =	sst s8  }
0x11: {  	[smem:$0x3FB6] =	sst s9;
	s0 =	simm.s32 @!p0 $0x0  }
0x12: {  	s1 =	sld [smem:$0x3F9C];
	s0 =	simm.s32 @p0 $0x1  }
0x13: {  	[smem:$0x3FB7] =	sst s0;
	s0 =	simm.s32 @!p1 $0x0  }
0x14: {  	s2 =	sld [smem:$0x3F9B];
	s0 =	simm.s32 @p1 $0x1  }
0x15: {  	[smem:$0x3FB8] =	sst s0;
	s0 =	simm.s32 @!p2 $0x0  }
0x16: {  	s3 =	sld [smem:$0x3FDB];
	s0 =	simm.s32 @p2 $0x1  }
0x17: {  	s4 =	simm.s32 $0x1BF5;
	[smem:$0x3FBA] =	sst s0  }
0x18: {  	s0 =	sld [smem:$0x3F9D];
	_ =	swait.ge [sflag:s4], $0x0  }
0x19: {  	s7 =	sld [smem:$0x3F9E]  }
0x1a: {  	s8 =	sadd.s32 $0xFFFFE003, lr  }
0x1b: {  	s9 =	sadd.s32 $0xFFFFFEF7, lr;
	s5 =	simm.s32 $0xFFFFFFFF;
	p2 =	slt.u32 s8, $0xFFFFF086  }
0x1c: {  	p1 =	slt.u32 s9, $0xF7A;
	s5 =	simm.s32 @!p2 $0x0  }
0x1d: {  	s5 =	simm.s32 @p1 $0x1;
	p0 =	seq.s32 s7, s2  }
0x1e: {  	s7 =	smul.u32 @!p0 $0xF7A, s2;
	p2 =	seq.s32 @!p0 s5, $0x0  }
0x1f: {  	s9 =	smul.u32 $0xF7A, s1;
	s8 =	simm.s32 @!p0 $0x1BF5;
	p2 =	por !p2, p0  }
0x20: {  	[sflag:s8] =	ssyncset.s32 @!p0 $0xFFFFF086;
	s6 =	sadd.s32 @!p0 s3, s7;
	s7 =	simm.s32 @!p0 $0x108  }
0x21: {  	s3 =	sadd.s32 s3, s9;
	s6 =	sadd.s32 @!p0 $0x88, s6;
	s7 =	simm.s32 @p2 $0x1082  }
0x22: {  	[simem:s7], [sflag:s8] =	dma.local @!p0 [hbm:s6], $0xF7A  }
0x23: {  	s9 =	sor.u32 $0xD0000000, s2;
	s6 =	simm.s32 $0x108;
	_ =	swait.ge @!p0 [sflag:s8], $0x0  }
0x24: {  	s3 =	sadd.s32 $0x88, s3;
	s6 =	simm.s32 @!p1 $0x1082;
	[sflag:s4] =	ssyncset.s32 $0xFFFFF086  }
0x25: {  	[simem:s6], [sflag:s4] =	dma.local [hbm:s3], $0xF7A  }
0x26: {  	[smem:$0x3F9E] =	sst s1;
	(tag) =	ssettag s2;
	_ =	strace s9  }
0x27: {  	s1 =	sld [smem:$0x3FAE]  }
0x28: {  	s2 =	sld [smem:$0x3FAF]  }
0x29: {  	s4 =	sld [smem:$0x3FB1]  }
0x2a: {  	p0 =	seq.s32 s5, $0x0;
	s5 =	sld [smem:$0x3FB2]  }
0x2b: {  	s6 =	sld [smem:$0x3FB3]  }
0x2c: {  	s7 =	sld [smem:$0x3FB4]  }
0x2d: {  	s3 =	simm.s32 $0x108;
	s8 =	sld [smem:$0x3FB5]  }
0x2e: {  	s3 =	simm.s32 @!p0 $0x1082;
	s9 =	sld [smem:$0x3FB6]  }
0x2f: {  	lr =	sadd.s32 s0, s3;
	s0 =	sld [smem:$0x3FAD]  }
0x30: {  	s3 =	sld [smem:$0x3FB0]  }
0x31: {  	[smem:$0x3FB9] =	sst s10  }
0x32: {  	s10 =	sld [smem:$0x3FB7];
	_ =	sdelay $0x3  }
0x33: {  	p0 =	seq.s32 s10, $0x1;
	s10 =	sld [smem:$0x3FB9];
	_ =	sdelay $0x3  }
0x34: {  	[smem:$0x3FB9] =	sst s10  }
0x35: {  	s10 =	sld [smem:$0x3FB8];
	_ =	sdelay $0x3  }
0x36: {  	p1 =	seq.s32 s10, $0x1;
	s10 =	sld [smem:$0x3FB9];
	_ =	sdelay $0x3  }
0x37: {  	[smem:$0x3FB9] =	sst s10  }
0x38: {  	s10 =	sld [smem:$0x3FBA]  }
0x39: {  	_ = 	snop;
	(pc) =	sbr.ind lr, $3  }
0x3a: {  	_ = 	snop  }
0x3b: {  	_ = 	snop  }
0x3c: {  	p2 =	seq.s32 s10, $0x1;
	s10 =	sld [smem:$0x3FB9]  }
0x3d: {  	_ =	shalt  }
0x3e: {  	_ =	shalt  }
0x3f: {  	_ =	shalt  }
0x40: {  	_ =	shalt  }
0x41: {  	_ =	shalt  }
0x42: {  	_ =	shalt  }
0x43: {  	_ =	shalt  }
0x44: {  	_ =	shalt  }
0x45: {  	_ =	shalt  }
0x46: {  	_ =	shalt  }
0x47: {  	_ =	shalt  }
0x48: {  	_ =	shalt  }
0x49: {  	_ =	shalt  }
0x4a: {  	_ =	shalt  }
0x4b: {  	_ =	shalt  }
0x4c: {  	_ =	shalt  }
0x4d: {  	_ =	shalt  }
0x4e: {  	_ =	shalt  }
0x4f: {  	_ =	shalt  }
0x50: {  	_ =	shalt  }
0x51: {  	_ =	shalt  }
0x52: {  	_ =	shalt  }
0x53: {  	_ =	shalt  }
0x54: {  	_ =	shalt  }
0x55: {  	_ =	shalt  }
0x56: {  	_ =	shalt  }
0x57: {  	_ =	shalt  }
0x58: {  	_ =	shalt  }
0x59: {  	_ =	shalt  }
0x5a: {  	_ =	shalt  }
0x5b: {  	_ =	shalt  }
0x5c: {  	_ =	shalt  }
0x5d: {  	_ =	shalt  }
0x5e: {  	_ =	shalt  }
0x5f: {  	_ =	shalt  }
0x60: {  	_ =	shalt  }
0x61: {  	_ =	shalt  }
0x62: {  	_ =	shalt  }
0x63: {  	_ =	shalt  }
0x64: {  	_ =	shalt  }
0x65: {  	_ =	shalt  }
0x66: {  	_ =	shalt  }
0x67: {  	_ =	shalt  }
0x68: {  	_ =	shalt  }
0x69: {  	_ =	shalt  }
0x6a: {  	_ =	shalt  }
0x6b: {  	_ =	shalt  }
0x6c: {  	_ =	shalt  }
0x6d: {  	_ =	shalt  }
0x6e: {  	_ =	shalt  }
0x6f: {  	_ =	shalt  }
0x70: {  	_ =	shalt  }
0x71: {  	_ =	shalt  }
0x72: {  	_ =	shalt  }
0x73: {  	_ =	shalt  }
0x74: {  	_ =	shalt  }
0x75: {  	_ =	shalt  }
0x76: {  	_ =	shalt  }
0x77: {  	_ =	shalt  }
0x78: {  	_ =	shalt  }
0x79: {  	_ =	shalt  }
0x7a: {  	_ =	shalt  }
0x7b: {  	_ =	shalt  }
0x7c: {  	_ =	shalt  }
0x7d: {  	_ =	shalt  }
0x7e: {  	_ =	shalt  }
0x7f: {  	_ =	shalt  }
0x80: {  	_ =	shalt  }
0x81: {  	_ =	shalt  }
0x82: {  	_ =	shalt  }
0x83: {  	_ =	shalt  }
0x84: {  	_ =	shalt  }
0x85: {  	_ =	shalt  }
0x86: {  	_ =	shalt  }
0x87: {  	_ =	shalt  }
.Lfunc_end0:
.L_simem_size_0:
called_computation_lowered:
.L_overlay_start_0:
0x88: {  	s2 =	sld [smem:$0x3FD9]  }
0x89: {  	s3 =	sld [smem:$0x3FFE];
	_ =	sdelay $0x1  }
0x8a: {  	s1 =	srdreg.scid  }
0x8b: {  	s0 =	sand.u32 $0x1, s1  }
0x8c: {  	s14 =	sshll.u32 s0, $0xA;
	s2 =	sadd.s32 s3, s2  }
0x8d: {  	s2 =	sadd.s32 s2, s14  }
0x8e: {  	[smem:$0x3FC5] =	sst s2  }
0x8f: {  	_ = 	snop  }
0x90: {  	s2 =	sld [smem:$0x3FD0]  }
0x91: {  	s15 =	sld [smem:$0x3FC9]  }
0x92: {  	s4 =	sld [smem:$0x3FC8]  }
0x93: {  	s6 =	simm.s32 $0xA;
	s7 =	simm.s32 $0x10;
	s5 =	sld [smem:$0x3FC7]  }
0x94: {  	[smem:s7], [sflag:s6] =	dma.local [hbm:s2], $0x1  }
0x95: {  	_ =	swait.eq [sflag:s6], $0x1  }
0x96: {  	[sflag:s6] =	ssyncset.done $0x0  }
0x97: {  	[sflag:s6] =	ssyncadd.s32 $0xFFFFFFFF  }
0x98: {  	s16 =	sld [smem:$0x11];
	(tm) =	ssettm $0x1  }
0x99: {  	s17 =	sld [smem:$0x3FFB];
	_ =	sdelay $0x3  }
0x9a: {  	_ =	strace s17  }
0x9b: {  	s6 =	sld [smem:$0x3FFC];
	_ =	sdelay $0x3  }
0x9c: {  	_ =	strace s6  }
0x9d: {  	s6 =	sld [smem:$0x3FFD];
	_ =	sdelay $0x3  }
0x9e: {  	_ =	strace s6  }
0x9f: {  	_ =	strace $0x8FFFFFFF  }
0xa0: {  	s18 =	sld [smem:$0x3FDB];
	_ =	sdelay $0x1  }
0xa1: {  	s19 =	simm.s32 $_scs_section_size  }
0xa2: {  	s8 =	simm.s32 $_size__tile_overlayer_lowered;
	s9 =	simm.s32 $_tile_overlayer_lowered  }
0xa3: {  	s22 =	simm.s32 $0x1BFF;
	s21 =	sshll.u32 s9, $0x1;
	s6 =	sadd.s32 s19, s18  }
0xa4: {  	s10 =	simm.s32 $0x0;
	s20 =	sshll.u32 s8, $0x1;
	s8 =	sadd.s32 s21, s6  }
0xa5: {  	[timem:s10], [sflag:s22] =	dma.local [hbm:s8], s20  }
0xa6: {  	_ =	swait.ge [sflag:s22], s20  }
0xa7: {  	s7 =	ssub.s32 $0x0, s20;
	[sflag:s22] =	ssyncset.done $0x0  }
0xa8: {  	[sflag:s22] =	ssyncadd.s32 s7;
	_ =	sdelay $0x1  }
0xa9: {  	s23 =	simm.s32 $0x1B8B  }
0xaa: {  	_ =	swait.ge [sflag:s23], $0x1  }
0xab: {  	[sflag:s23] =	ssyncset.done $0x0  }
0xac: {  	s25 =	simm.s32 $0x1B8E;
	s24 =	sld [smem:$0x3FFE];
	[sflag:s23] =	ssyncadd.s32 $0xFFFFFFFF  }
0xad: {  	s26 =	simm.s32 $execute0_lowered;
	[smem:$0x3FD2] =	sst s25  }
0xae: {  	s8 =	sshll.u32 s26, $0x1;
	_ =	strace $0x80000046;
	[dreg:$0x1] =	wrdreg $0xFFFFFFFF  }
0xaf: {  	s28 =	simm.s32 $_size_execute0_lowered;
	s6 =	sadd.s32 s6, s8;
	[dreg:$0x0] =	wrdreg $0x0  }
0xb0: {  	s8 =	sshll.u32 s28, $0x1;
	[dreg:$0x2] =	wrdreg s6  }
0xb1: {  	[dreg:$0x3] =	wrdreg s8  }
0xb2: {  	[dreg:$0x4] =	wrdreg $0xC0  }
0xb3: {  	_ =	task [dreg:s10], $0x5FFFF  }
0xb4: {  	[dreg:$0x1] =	wrdreg $0xFFFFFFFF  }
0xb5: {  	[dreg:$0x0] =	wrdreg $0x60  }
0xb6: {  	[dreg:$0x2] =	wrdreg s15  }
0xb7: {  	[dreg:$0x3] =	wrdreg s4  }
0xb8: {  	[dreg:$0x4] =	wrdreg s5  }
0xb9: {  	[dreg:$0x5] =	wrdreg s24  }
0xba: {  	[dreg:$0x6] =	wrdreg s16  }
0xbb: {  	[dreg:$0x7] =	wrdreg $0x16B000  }
0xbc: {  	[dreg:$0x8] =	wrdreg $0x9  }
0xbd: {  	_ =	task.clear_ibuf [dreg:s10], $0x9FFFF;
	_ =	strace $0x90000046  }
0xbe: {  	s29 =	simm.s32 $0x9;
	_ =	strace $0x80000048  }
0xbf: {  	_ =	swait.ge [sflag:s29], $0x1  }
0xc0: {  	[sflag:s29] =	ssyncadd.s32 $0xFFFFFFFF  }
0xc1: {  	_ =	strace $0x90000048  }
0xc2: {  	_ =	sfence  }
0xc3: {  	s30 =	sld [smem:$0x0];
	_ =	sdelay $0x2  }
0xc4: {  	s31 =	sshll.u32 s1, $0xD;
	s1 =	sshrl.u32 s1, $0x2  }
0xc5: {  	s3 =	sand.u32 $0x4000, s31;
	s1 =	sadd.s32 s1, s30  }
0xc6: {  	s0 =	sor.u32 s3, s0;
	s1 =	sshll.u32 s1, $0x11  }
0xc7: {  	s0 =	sor.u32 s1, s0  }
0xc8: {  	s0 =	sadd.s32 $0x8F2B, s0  }
0xc9: {  	[sflag:s0] =	ssyncadd.remote.s32 $0x1  }
0xca: {  	_ =	sfence.sel $0xFFFF  }
0xcb: {  	[dreg:$0x0] =	wrdreg $0xFFFFFFFF;
	(pc) =	sbr.abs _section_cstart, $3  }
0xcc: {  	[dreg:$0x1] =	wrdreg $0xFFFFFFFF  }
0xcd: {  	_ =	task.clear_ibuf [dreg:s10], $0x2FFFF;
	_ =	strace $0x9FFFFFFF  }
0xce: {  	(tm) =	ssettm $0x7FFFFFFF  }
0xcf: {  	_ =	shalt  }
tec
execute0_lowered:
.L_overlay_start_1:
0x0: {  	(tag) =	ssettag $0x1  }
0x1: {  	s1 =	rddreg [dreg:$0x0]  }
0x2: {  	s23 =	rddreg [dreg:$0x1]  }
0x3: {  	s4 =	rddreg [dreg:$0x2]  }
0x4: {  	s0 =	srdreg.scid;
	s6 =	rddreg [dreg:$0x3]  }
0x5: {  	s18 =	stileid.u32;
	s5 =	rddreg [dreg:$0x4];
	s7 =	simm.s32 $0x1  }
0x6: {  	s8 =	rddreg [dreg:$0x5];
	s0 =	sand.u32 $0x1, s0;
	s2 =	sshll.u32 s18, $0x1  }
0x7: {  	s9 =	simm.s32 $0x0;
	s28 =	simm.s32 $0x2;
	s3 =	sor.u32 s0, s2  }
0x8: {  	s29 =	simm.s32 $0x4;
	s30 =	simm.s32 $0x5;
	s19 =	smul.u32 $0xC38, s3  }
0x9: {  	s31 =	simm.s32 $0x800;
	[smem:$0x7FF] =	sst s9;
	s15 =	smul.u32 $0xC3800, s18  }
0xa: {  	_ =	strace $0x80000047;
	s12 =	ssub.s32 $0x2, s0;
	s17 =	smin.u32 s19, $0x17A68  }
0xb: {  	s21 =	sshll.u32 s3, $0x1;
	s22 =	sshrl.u32 s12, $0x1;
	s2 =	sadd.s32 $0xC38, s17  }
0xc: {  	s3 =	smul.u32 $0xC380, s3;
	s16 =	ssub.s32 s2, s19;
	p0 =	sne.s32 s2, s19  }
0xd: {  	s6 =	sadd.s32 s21, s6;
	s10 =	sshra.s32 s16, $0x1F;
	s7 =	simm.s32 @!p0 $0x0  }
0xe: {  	s3 =	sadd.s32 s4, s3;
	s11 =	sand.u32 $0x78, s16;
	s7 =	sor.u32 s7, s10  }
0xf: {  	[dreg:$0x7] =	wrdreg s19;
	p1 =	sne.s32 s11, $0x0;
	p4 =	sne.s32 s7, $0x1  }
0x10: {  	s17 =	smul.u32 $0x61C00, s0;
	s20 =	sshrl.u32 s10, $0x19;
	p0 =	por !p1, !p4  }
0x11: {  	s10 =	simm.s32 $0x1;
	s7 =	sadd.s32 s20, s16;
	p0 =	por !p0, !p0  }
0x12: {  	[dreg:$0xb] =	wrdreg s3;
	s7 =	sshra.s32 s7, $0x7;
	s10 =	simm.s32 @!p0 $0x0  }
0x13: {  	s10 =	ssub.s32 s7, s10;
	s7 =	ssub.s32 s12, s22;
	s22 =	smul.u32 $0xC380, s0  }
0x14: {  	[dreg:$0x8] =	wrdreg s16;
	s15 =	sadd.s32 s17, s15;
	s0 =	smul.u32 $0xC38, s0  }
0x15: {  	s24 =	sand.u32 $0x8000, s10;
	s25 =	sand.u32 $0x1, s10;
	p5 =	slt.s32 s10, $0x1  }
0x16: {  	s14 =	sshll.u32 s10, $0x7;
	s11 =	sshrl.u32 s24, $0xF;
	s24 =	smul.u32 $0x120, s18  }
0x17: {  	p6 =	seq.s32 s25, $0x1;
	s16 =	ssub.s32 s16, s14;
	s25 =	smul.u32 $0x1870, s18  }
0x18: {  	s13 =	sadd.s32 s11, s10;
	s11 =	simm.s32 $0x1;
	p0 =	por !p5, !p6  }
0x19: {  	s21 =	sshra.s32 s16, $0x3;
	s16 =	sadd.s32 s14, s19;
	s26 =	sshll.u32 s13, $0x10  }
0x1a: {  	p0 =	por !p0, !p0;
	s13 =	simm.s32 $0x1;
	s3 =	sshll.u32 s16, $0x4  }
0x1b: {  	s17 =	sadd.s32 s19, s24;
	s0 =	sadd.s32 s0, s25;
	s24 =	smax.u32 s7, $0x1  }
0x1c: {  	s25 =	sadd.s32 $0x8000, s15;
	[dreg:$0xa] =	wrdreg s21;
	p2 =	slt.s32 s21, $0x1  }
0x1d: {  	v1 =	vmov s19;
	s16 =	simm.s32 $0xE900;
	s19 =	simm.s32 $0xE980;
	[dreg:$0xe] =	wrdreg s17  }
0x1e: {  	s12 =	sshra.s32 s26, $0x11;
	s13 =	simm.s32 @!p0 $0x0;
	[dreg:$0x10] =	wrdreg s24  }
0x1f: {  	s3 =	sadd.s32 s5, s3;
	[dreg:$0x11] =	wrdreg s25;
	s0 =	sadd.s32 s14, s0  }
0x20: {  	s24 =	simm.s32 $0xEB00;
	s20 =	ssub.s32 s12, s13;
	s3 =	sadd.s32 $0xFFFFF800, s3  }
0x21: {  	s13 =	smul.u32 $0x18700, s18;
	s18 =	sadd.s32 $0x400, s6;
	[dreg:$0xd] =	wrdreg s3  }
0x22: {  	s25 =	simm.s32 $0x12B00;
	s0 =	sshll.u32 s0, $0x4;
	[dreg:$0xf] =	wrdreg s18  }
0x23: {  	s14 =	simm.s32 $0xC900;
	s6 =	simm.s32 $0x4880;
	[dreg:$0x14] =	wrdreg s0  }
0x24: {  	s26 =	sshll.u32 s20, $0x1;
	[dreg:$0x9] =	wrdreg s20;
	p0 =	slt.s32 s20, $0x1  }
0x25: {  	s0 =	simm.s32 $0x40;
	s12 =	sadd.s32 s13, s5;
	s13 =	ssub.s32 s10, s26  }
.Ltmp0:
0x26: {  	s12 =	sadd.s32 s22, s12;
	s22 =	sadd.s32 $0x4000, s15;
	(pc) =	sbr.rel .LBB2_1-.Ltmp0, $4  }
0x27: {  	s18 =	simm.s32 $0x8900;
	p1 =	sne.s32 s13, $0x1;
	s3 =	sshrl.u32 s22, $0x3  }
0x28: {  	s15 =	simm.s32 $0xA900;
	[dreg:$0xc] =	wrdreg s12;
	s26 =	sadd.s32 s3, s5  }
0x29: {  	v2 =	vimm.f32 $0.0e+00;
	s12 =	simm.s32 $0xEA00;
	s3 =	sadd.s32 s3, s4;
	[dreg:$0x12] =	wrdreg s26  }
0x2a: {  	v3 =	vimm.s32 $0x0;
	v4 =	vlaneseq.u32;
	v0 =	vmov s2;
	[dreg:$0x13] =	wrdreg s3;
	s26 =	simm.s32 $0x3;
	s3 =	simm.s32 $0x0  }
.LBB2_35:
0x2b: {  	s2 =	rddreg [dreg:$0xf];
	s3 =	simm.s32 $0xEA80  }
0x2c: {  	[hbm4b:s2+s9] =	stream.linear.scatter [tilespmem:s3], [sflag:$0x5], $0x10, $0x38;
	[tilespmem:$0x1FB00] =	vst v63  }
0x2d: {  	_ =	swait.ge [sflag:s30], $0x10  }
0x2e: {  	s22 =	rddreg [dreg:$0x15]  }
0x2f: {  	s23 =	rddreg [dreg:$0x10];
	s3 =	sadd.s32 $0x1, s22  }
0x30: {  	p3 =	sne.s32 s3, s23  }
.Ltmp1:
0x31: {  	_ = 	snop;
	(pc) =	sbr.rel @!p3 .LBB2_36-.Ltmp1, $4  }
0x32: {  	_ = 	snop  }
0x33: {  	[sflag:s30] =	ssyncset.done $0x0  }
0x34: {  	[sflag:s30] =	ssyncadd.s32 $0xFFFFFFF0  }
0x35: {  	s23 =	rddreg [dreg:$0x1]  }
.LBB2_1:
0x36: {  	[dreg:$0x15] =	wrdreg s3;
	[tilespmem:$0xEA80] =	vst v2;
	s2 =	simm.s32 $0x0;
	s3 =	simm.s32 $0x200  }
.LBB2_2:
0x37: {  	p3 =	sne.s32 s3, $0x7E00;
	[tilespmem:s2+$0xC970] =	vst v2  }
0x38: {  	[tilespmem:s2+$0xC900] =	vst v2  }
0x39: {  	[tilespmem:s2+$0xC910] =	vst v2  }
.Ltmp2:
0x3a: {  	[tilespmem:s2+$0xC920] =	vst v2;
	(pc) =	sbr.rel @p3 .LBB2_2-.Ltmp2, $4  }
0x3b: {  	[tilespmem:s2+$0xC930] =	vst v2  }
0x3c: {  	[tilespmem:s2+$0xC940] =	vst v2  }
0x3d: {  	[tilespmem:s2+$0xC950] =	vst v2  }
0x3e: {  	[tilespmem:s2+$0xC960] =	vst v2;
	s2 =	sshra.s32 s3, $0x2;
	s3 =	sadd.s32 $0x200, s3  }
0x3f: {  	[tilespmem:s2+$0xC970] =	vst v2  }
0x40: {  	[tilespmem:s2+$0xC900] =	vst v2  }
0x41: {  	[tilespmem:s2+$0xC910] =	vst v2  }
0x42: {  	[tilespmem:s2+$0xC920] =	vst v2  }
.Ltmp3:
0x43: {  	[tilespmem:s2+$0xC930] =	vst v2;
	(pc) =	sbr.rel @p0 .LBB2_7-.Ltmp3, $4  }
0x44: {  	[tilespmem:s2+$0xC940] =	vst v2  }
0x45: {  	[tilespmem:s2+$0xC950] =	vst v2  }
0x46: {  	[tilespmem:s2+$0xC960] =	vst v2;
	s22 =	rddreg [dreg:$0xb];
	s13 =	simm.s32 $0x2  }
0x47: {  	[tilespmem:s24], [sflag:$0x1] =	stream.linear.gather [hbm4b:s22+s9], $0x4000, $0x38;
	[tilespmem:$0x1FB00] =	vst v63  }
0x48: {  	_ =	swait.ge [sflag:s11], $0x4000  }
0x49: {  	[sflag:s11] =	ssyncset.done $0x0  }
0x4a: {  	s20 =	rddreg [dreg:$0xc];
	[sflag:s11] =	ssyncadd.s32 $0xFFFFC000  }
0x4b: {  	[hbm4b:s20+s9] =	stream.linear.scatter [tilespmem:s24], [sflag:$0x3], $0x4000, $0x38;
	[tilespmem:$0x1FB00] =	vst v63  }
0x4c: {  	s23 =	rddreg [dreg:$0x13]  }
0x4d: {  	[tilespmem:s25], [sflag:$0x2] =	stream.linear.gather [hbm4b:s23+s9], $0x4000, $0x38;
	[tilespmem:$0x1FB00] =	vst v63  }
0x4e: {  	_ =	swait.ge [sflag:s26], $0x4000  }
0x4f: {  	[sflag:s26] =	ssyncset.done $0x0  }
0x50: {  	[sflag:s26] =	ssyncadd.s32 $0xFFFFC000  }
0x51: {  	_ =	swait.ge [sflag:s28], $0x4000  }
0x52: {  	p3 =	sge.s32 s13, s10;
	s22 =	rddreg [dreg:$0x12]  }
0x53: {  	s7 =	simm.s32 @!p3 $0x0;
	[sflag:s28] =	ssyncset.done $0x0;
	s21 =	rddreg [dreg:$0x11]  }
0x54: {  	s2 =	rddreg [dreg:$0x9];
	[sflag:s28] =	ssyncadd.s32 $0xFFFFC000;
	s3 =	sshrl.u32 @!p3 s21, $0x3  }
0x55: {  	[hbm4b:s22+s9] =	stream.linear.scatter [tilespmem:s25], [sflag:$0x4], $0x4000, $0x38;
	[tilespmem:$0x1FB00] =	vst v63  }
0x56: {  	s17 =	simm.s32 @!p3 $0xEB00;
	s2 =	sadd.s32 $0xFFFFFFFF, s2;
	s3 =	sadd.s32 @!p3 s4, s3  }
0x57: {  	[tilespmem:s17], [sflag:$0x1] =	stream.linear.gather @!p3 [hbm4b:s3+s7], $0x4000, $0x38;
	[tilespmem:$0x1FB00] =	vst v63  }
0x58: {  	p3 =	sne.s32 s2, $0x0  }
.Ltmp4:
0x59: {  	_ = 	snop;
	(pc) =	sbr.rel @!p3 .LBB2_6-.Ltmp4, $3  }
0x5a: {  	_ =	sdelay $0x1  }
0x5b: {  	s13 =	sadd.s32 $0x2, s13;
	s3 =	sadd.s32 $0x1000, s23;
	s7 =	sadd.s32 $0x1000, s20  }
0x5c: {  	s17 =	sadd.s32 $0x1000, s22;
	s20 =	smov.u32 s21;
	_ =	swait.ge [sflag:s29], $0x4000  }
.LBB2_5:
0x5d: {  	s2 =	sadd.s32 $0xFFFFFFFF, s2;
	[sflag:s29] =	ssyncset.done $0x0;
	s20 =	sadd.s32 $0x8000, s20  }
0x5e: {  	p3 =	sne.s32 s2, $0x0;
	[sflag:s29] =	ssyncadd.s32 $0xFFFFC000  }
0x5f: {  	_ =	swait.ge [sflag:s11], $0x4000  }
0x60: {  	[sflag:s11] =	ssyncset.done $0x0  }
0x61: {  	[sflag:s11] =	ssyncadd.s32 $0xFFFFC000  }
0x62: {  	[hbm4b:s7+s9] =	stream.linear.scatter [tilespmem:s24], [sflag:$0x3], $0x4000, $0x38;
	[tilespmem:$0x1FB00] =	vst v63  }
0x63: {  	_ = 	snop  }
0x64: {  	[tilespmem:s25], [sflag:$0x2] =	stream.linear.gather [hbm4b:s3+s9], $0x4000, $0x38;
	[tilespmem:$0x1FB00] =	vst v63  }
0x65: {  	_ =	swait.ge [sflag:s26], $0x4000  }
0x66: {  	[sflag:s26] =	ssyncset.done $0x0  }
0x67: {  	[sflag:s26] =	ssyncadd.s32 $0xFFFFC000  }
0x68: {  	_ =	swait.ge [sflag:s28], $0x4000  }
0x69: {  	[sflag:s28] =	ssyncset.done $0x0  }
0x6a: {  	p4 =	sge.s32 s13, s10;
	[sflag:s28] =	ssyncadd.s32 $0xFFFFC000  }
0x6b: {  	[hbm4b:s17+s9] =	stream.linear.scatter [tilespmem:s25], [sflag:$0x4], $0x4000, $0x38;
	[tilespmem:$0x1FB00] =	vst v63  }
.Ltmp5:
0x6c: {  	_ = 	snop;
	(pc) =	sbr.rel @p3 .LBB2_5-.Ltmp5, $4  }
0x6d: {  	s21 =	sshrl.u32 @!p4 s20, $0x3;
	s22 =	simm.s32 @!p4 $0x0;
	s23 =	simm.s32 @!p4 $0xEB00  }
0x6e: {  	s21 =	sadd.s32 @!p4 s4, s21;
	s7 =	sadd.s32 $0x1000, s7;
	s3 =	sadd.s32 $0x1000, s3  }
0x6f: {  	[tilespmem:s23], [sflag:$0x1] =	stream.linear.gather @!p4 [hbm4b:s21+s22], $0x4000, $0x38;
	[tilespmem:$0x1FB00] =	vst v63  }
0x70: {  	s13 =	sadd.s32 $0x2, s13;
	s17 =	sadd.s32 $0x1000, s17;
	_ =	swait.ge [sflag:s29], $0x4000  }
.LBB2_6:
0x71: {  	[sflag:s29] =	ssyncset.done $0x0  }
0x72: {  	[sflag:s29] =	ssyncadd.s32 $0xFFFFC000  }
0x73: {  	s23 =	rddreg [dreg:$0x1]  }
.LBB2_7:
0x74: {  	s2 =	simm.s32 @!p1 $0x1  }
0x75: {  	_ =	swait.ge @!p1 [sflag:s2], $0x4000  }
0x76: {  	s3 =	simm.s32 @!p1 $0xEB00;
	[sflag:s2] =	ssyncset.done @!p1 $0x0  }
0x77: {  	s7 =	rddreg [dreg:$0xd];
	[sflag:s2] =	ssyncadd.s32 @!p1 $0xFFFFC000;
	s2 =	simm.s32 @!p1 $0x0  }
0x78: {  	[hbm4b:s7+s2] =	stream.linear.scatter @!p1 [tilespmem:s3], [sflag:$0x5], $0x4000, $0x38;
	[tilespmem:$0x1FB00] =	vst v63  }
.Ltmp6:
0x79: {  	_ = 	snop;
	(pc) =	sbr.rel @p2 .LBB2_8-.Ltmp6, $4  }
0x7a: {  	s2 =	simm.s32 @!p1 $0x5  }
0x7b: {  	_ =	swait.ge @!p1 [sflag:s2], $0x4000  }
0x7c: {  	[sflag:s2] =	ssyncset.done @!p1 $0x0  }
0x7d: {  	[sflag:s2] =	ssyncadd.s32 @!p1 $0xFFFFC000  }
0x7e: {  	s2 =	rddreg [dreg:$0xa]  }
0x7f: {  	p4 =	seq.s32 s2, $0x1  }
.Ltmp7:
0x80: {  	_ = 	snop;
	(pc) =	sbr.rel @p4 .LBB2_19-.Ltmp7, $3  }
0x81: {  	_ =	sdelay $0x1  }
0x82: {  	s13 =	rddreg [dreg:$0x14]  }
0x83: {  	p3 =	por $0x0, $0x0;
	s3 =	sadd.s32 $0xFFFFFFFF, s2;
	s2 =	sand.u32 $0x1FFFFF80, s13  }
0x84: {  	s7 =	sadd.s32 s4, s2  }
0x85: {  	[tilespmem:s24], [sflag:$0x5] =	stream.linear.gather [hbm4b:s7+s9], $0x400, $0x38;
	[tilespmem:$0x1FB00] =	vst v63  }
0x86: {  	p4 =	seq.s32 s3, $0x1;
	_ =	swait.ge [sflag:s30], $0x400  }
.Ltmp8:
0x87: {  	[sflag:s30] =	ssyncset.done $0x0;
	(pc) =	sbr.rel @p4 .LBB2_19-.Ltmp8, $4  }
0x88: {  	s22 =	sadd.s32 s5, s2;
	[sflag:s30] =	ssyncadd.s32 $0xFFFFFC00  }
0x89: {  	[hbm4b:s22+s9] =	stream.linear.scatter [tilespmem:s24], [sflag:$0x5], $0x400, $0x38;
	[tilespmem:$0x1FB00] =	vst v63  }
0x8a: {  	s3 =	sadd.s32 $0xFFFFFFFF, s3;
	s7 =	sadd.s32 $0x80, s13;
	_ =	swait.ge [sflag:s30], $0x400  }
0x8b: {  	p3 =	por $0x1, $0x1;
	s2 =	sand.u32 $0x1FFFFF80, s7;
	[sflag:s30] =	ssyncset.done $0x0  }
.LBB2_18:
0x8c: {  	p4 =	seq.s32 s3, $0x1;
	s13 =	sadd.s32 s4, s2;
	[sflag:s30] =	ssyncadd.s32 $0xFFFFFC00  }
0x8d: {  	[tilespmem:s24], [sflag:$0x5] =	stream.linear.gather [hbm4b:s13+s9], $0x400, $0x38;
	[tilespmem:$0x1FB00] =	vst v63  }
0x8e: {  	s3 =	sadd.s32 $0xFFFFFFFF, s3;
	_ =	swait.ge [sflag:s30], $0x400  }
.Ltmp9:
0x8f: {  	[sflag:s30] =	ssyncset.done $0x0;
	(pc) =	sbr.rel @!p4 .LBB2_18-.Ltmp9, $4  }
0x90: {  	s2 =	sadd.s32 s5, s2;
	[sflag:s30] =	ssyncadd.s32 $0xFFFFFC00  }
0x91: {  	[hbm4b:s2+s9] =	stream.linear.scatter [tilespmem:s24], [sflag:$0x5], $0x400, $0x38;
	[tilespmem:$0x1FB00] =	vst v63  }
0x92: {  	s7 =	sadd.s32 $0x80, s7;
	_ =	swait.ge [sflag:s30], $0x400  }
0x93: {  	s2 =	sand.u32 $0x1FFFFF80, s7;
	[sflag:s30] =	ssyncset.done $0x0  }
.LBB2_19:
0x94: {  	s3 =	sadd.s32 s4, s2;
	[sflag:s30] =	ssyncadd.s32 @p3 $0xFFFFFC00  }
0x95: {  	[tilespmem:s24], [sflag:$0x5] =	stream.linear.gather [hbm4b:s3+s9], $0x400, $0x38;
	[tilespmem:$0x1FB00] =	vst v63  }
0x96: {  	_ =	swait.ge [sflag:s30], $0x400  }
0x97: {  	[sflag:s30] =	ssyncset.done $0x0  }
0x98: {  	s22 =	sadd.s32 s5, s2;
	[sflag:s30] =	ssyncadd.s32 $0xFFFFFC00  }
0x99: {  	[hbm4b:s22+s9] =	stream.linear.scatter [tilespmem:s24], [sflag:$0x5], $0x400, $0x38;
	[tilespmem:$0x1FB00] =	vst v63  }
0x9a: {  	_ =	swait.ge [sflag:s30], $0x400  }
0x9b: {  	[sflag:s30] =	ssyncset.done $0x0  }
0x9c: {  	[sflag:s30] =	ssyncadd.s32 $0xFFFFFC00  }
.LBB2_8:
0x9d: {  	s2 =	simm.s32 $0x0  }
0x9e: {  	s3 =	simm.s32 $0x0;
	s7 =	simm.s32 $0x0;
	s13 =	simm.s32 $0x0  }
.LBB2_9:
0x9f: {  	s17 =	sshll.u32 s13, $0x8  }
0xa0: {  	s17 =	sadd.s32 s23, s17  }
0xa1: {  	[tilespmem:s2], [sflag:$0x5] =	stream.linear.gather [hbm4b:s17+s2], $0x800, $0x38;
	[tilespmem:$0x1FB00] =	vst v63  }
0xa2: {  	_ =	swait.ge [sflag:s30], $0x800  }
0xa3: {  	[sflag:s30] =	ssyncset.done $0x0  }
0xa4: {  	s21 =	simm.s32 $0x0;
	[sflag:s30] =	ssyncadd.s32 $0xFFFFF800  }
0xa5: {  	v5 =	vld [tilespmem:s21+$0x0];
	_ =	sdelay $0x4  }
0xa6: {  	vm0 =	vge.s32 v5, v1;
	vm1 =	vlt.s32 v5, v0  }
0xa7: {  	vm0 =	vmand vm0, vm1  }
0xa8: {  	v6 =	vsel vm0, $0x1, v3  }
0xa9: {  	(xrf0) =	vadd.scan.msk.s32 $0xffff, v6;
	_ =	sdelay $0x4  }
0xaa: {  	v6 =	vsel vm0, $0xFFFFFFFF, v3  }
0xab: {  	v6 =	vadd.s32 s7, v6;
	v7, _, _ =	vpop (xrf0)  }
0xac: {  	(v2sf) =	vpush v7, $0xF;
	v6 =	vadd.s32 v7, v6  }
0xad: {  	v5 =	vsub.s32 v5, v1  }
0xae: {  	v5 =	vshll.u32 v5, $0xE  }
0xaf: {  	v5 =	vadd.s32 s3, v5  }
0xb0: {  	v5 =	vor.u32 v4, v5  }
0xb1: {  	s22 =	simm.s32 $0x10;
	[tilespmem:v6+s31+$0x0] =	vst.idx.msk vm0, v5  }
0xb2: {  	v5 =	vld [tilespmem:s22+$0x0];
	_ =	sdelay $0x4  }
0xb3: {  	vm0 =	vge.s32 v5, v1;
	vm1 =	vlt.s32 v5, v0  }
0xb4: {  	vm0 =	vmand vm0, vm1  }
0xb5: {  	v6 =	vsel vm0, $0x1, v3  }
0xb6: {  	s20 =	smov.u32 s3;
	(xrf0) =	vadd.scan.msk.s32 $0xffff, v6  }
0xb7: {  	s17 =	simm.s32 $0x80;
	s21 =	simm.s32 $0xC0;
	s22 =	spop (v2sf)  }
.LBB2_10:
0xb8: {  	p3 =	sne.s32 s21, $0x1FC0;
	s7 =	sadd.s32 s7, s22;
	_ =	sdelay $0x2  }
0xb9: {  	v6 =	vsel vm0, $0xFFFFFFFF, v3  }
0xba: {  	v6 =	vadd.s32 s7, v6;
	v7, _, _ =	vpop (xrf0)  }
0xbb: {  	v6 =	vadd.s32 v7, v6;
	(v2sf) =	vpush v7, $0xF  }
0xbc: {  	v5 =	vsub.s32 v5, v1  }
0xbd: {  	s20 =	sadd.s32 $0x10, s20;
	v5 =	vshll.u32 v5, $0xE  }
0xbe: {  	v5 =	vadd.s32 s20, v5  }
0xbf: {  	v5 =	vor.u32 v4, v5  }
0xc0: {  	s22 =	sshra.s32 s17, $0x2;
	s17 =	smov.u32 s21;
	[tilespmem:v6+s31+$0x0] =	vst.idx.msk vm0, v5  }
0xc1: {  	v5 =	vld [tilespmem:s22+$0x0];
	_ =	sdelay $0x4  }
.Ltmp10:
0xc2: {  	vm0 =	vge.s32 v5, v1;
	vm1 =	vlt.s32 v5, v0;
	(pc) =	sbr.rel @p3 .LBB2_10-.Ltmp10, $4  }
0xc3: {  	vm0 =	vmand vm0, vm1  }
0xc4: {  	v6 =	vsel vm0, $0x1, v3  }
0xc5: {  	(xrf0) =	vadd.scan.msk.s32 $0xffff, v6  }
0xc6: {  	s21 =	sadd.s32 $0x40, s21;
	s22 =	spop (v2sf)  }
0xc7: {  	_ =	sdelay $0x2  }
0xc8: {  	s7 =	sadd.s32 s7, s22;
	v6 =	vsel vm0, $0xFFFFFFFF, v3  }
0xc9: {  	v6 =	vadd.s32 s7, v6;
	v7, _, _ =	vpop (xrf0)  }
0xca: {  	v6 =	vadd.s32 v7, v6  }
0xcb: {  	v5 =	vsub.s32 v5, v1  }
0xcc: {  	s20 =	sadd.s32 $0x10, s20;
	v5 =	vshll.u32 v5, $0xE  }
0xcd: {  	v5 =	vadd.s32 s20, v5  }
0xce: {  	v5 =	vor.u32 v4, v5  }
0xcf: {  	s17 =	sshra.s32 s17, $0x2;
	[tilespmem:v6+s31+$0x0] =	vst.idx.msk vm0, v5  }
0xd0: {  	v5 =	vld [tilespmem:s17+$0x0];
	_ =	sdelay $0x4  }
0xd1: {  	vm15 =	vge.s32 v5, v1;
	vm1 =	vlt.s32 v5, v0  }
0xd2: {  	vm0 =	vmand vm15, vm1  }
0xd3: {  	v6 =	vsel vm0, $0x1, v3  }
0xd4: {  	(v2sf) =	vpush v7, $0xF;
	(xrf0) =	vadd.scan.msk.s32 $0xffff, v6;
	_ =	sdelay $0x5  }
0xd5: {  	v6, _, _ =	vpop (xrf0)  }
0xd6: {  	(v2sf) =	vpush v6, $0xF;
	_ =	sdelay $0x7  }
0xd7: {  	s22 =	spop (v2sf)  }
0xd8: {  	v7 =	vsel vm0, $0xFFFFFFFF, v3;
	s7 =	sadd.s32 s7, s22  }
0xd9: {  	s13 =	sadd.s32 $0x1, s13;
	v7 =	vadd.s32 s7, v7  }
0xda: {  	p3 =	sne.s32 s13, $0x8;
	v6 =	vadd.s32 v6, v7  }
.Ltmp11:
0xdb: {  	v5 =	vsub.s32 v5, v1;
	(pc) =	sbr.rel @p3 .LBB2_9-.Ltmp11, $4  }
0xdc: {  	s21 =	sadd.s32 $0x10, s20;
	v5 =	vshll.u32 v5, $0xE  }
0xdd: {  	v5 =	vadd.s32 s21, v5  }
0xde: {  	v5 =	vor.u32 v4, v5;
	s22 =	spop (v2sf)  }
0xdf: {  	s3 =	sadd.s32 $0x800, s3;
	[tilespmem:v6+s31+$0x0] =	vst.idx.msk vm0, v5;
	s7 =	sadd.s32 s7, s22  }
0xe0: {  	s2 =	sadd.s32 $0xF, s7  }
0xe1: {  	s3 =	sand.u32 $0xF, s2  }
0xe2: {  	s23 =	sshra.s32 s2, $0x1F;
	p4 =	slt.s32 s2, $0x1;
	p3 =	sne.s32 s3, $0x0  }
.Ltmp12:
0xe3: {  	s3 =	sshrl.u32 s23, $0x1C;
	p3 =	por !p4, !p3;
	(pc) =	sbr.rel .LBB2_13-.Ltmp12, $4  }
0xe4: {  	s2 =	sadd.s32 s3, s2;
	s3 =	simm.s32 $0x1;
	p3 =	por !p3, !p3  }
0xe5: {  	s2 =	sshra.s32 s2, $0x4;
	s3 =	simm.s32 @!p3 $0x0  }
0xe6: {  	s2 =	ssub.s32 s2, s3  }
0xe7: {  	v5 =	vmov s7;
	s23 =	simm.s32 $0x0;
	[dreg:$0x16] =	wrdreg s2;
	p3 =	slt.s32 s2, $0x1  }
.LBB2_34:
0xe8: {  	s23 =	sadd.s32 $0x1, s23  }
0xe9: {  	p4 =	sne.s32 s23, $0xB  }
.Ltmp13:
0xea: {  	_ = 	snop;
	(pc) =	sbr.rel @!p4 .LBB2_35-.Ltmp13, $1  }
0xeb: {  	_ =	sdelay $0x3  }
.LBB2_13:
.Ltmp14:
0xec: {  	(pc) =	sbr.rel @p3 .LBB2_24-.Ltmp14, $2  }
0xed: {  	_ =	sdelay $0x2  }
0xee: {  	s2 =	smul.u32 $0x120, s23;
	s20 =	simm.s32 $0x0  }
0xef: {  	s3 =	rddreg [dreg:$0x8]  }
0xf0: {  	s17 =	rddreg [dreg:$0x16];
	s3 =	ssub.s32 s3, s2  }
0xf1: {  	p5 =	sne.s32 s17, $0x1;
	p4 =	sgt.s32 s3, $0x0  }
.Ltmp15:
0xf2: {  	s3 =	simm.s32 @!p4 $0x0;
	(pc) =	sbr.rel @!p5 .LBB2_15-.Ltmp15, $4  }
0xf3: {  	s3 =	smin.u32 s3, $0x120  }
0xf4: {  	s7 =	smul.u32 $0x480000, s23;
	s3 =	sadd.s32 s2, s3  }
0xf5: {  	s13 =	simm.s32 $0x800;
	s3 =	sshll.u32 s3, $0xE  }
0xf6: {  	v6 =	vld [tilespmem:s13+$0x0];
	v7 =	vmov s7;
	s7 =	sadd.s32 $0xFFFFFFFF, s17;
	p4 =	por $0x0, $0x0;
	v8 =	vmov s3;
	s3 =	simm.s32 $0x0  }
0xf7: {  	_ =	sdelay $0x2  }
0xf8: {  	v9 =	vor.u32 s3, v4  }
0xf9: {  	vm0 =	vlt.s32 v9, v5;
	vm1 =	vlt.s32 v6, v8  }
0xfa: {  	vm2 =	vge.s32 v6, v7;
	vm0 =	vmand vm0, vm1  }
0xfb: {  	vm0 =	vmand vm0, vm2  }
0xfc: {  	v9 =	vsel vm0, $0x1, v3  }
0xfd: {  	(xrf0) =	vadd.scan.msk.s32 $0xffff, v9;
	_ =	sdelay $0x4  }
0xfe: {  	v9 =	vsel vm0, $0xFFFFFFFF, v3  }
0xff: {  	v9 =	vadd.s32 s3, v9;
	v10, _, _ =	vpop (xrf0)  }
0x100: {  	v9 =	vadd.s32 v10, v9;
	(v2sf) =	vpush v10, $0xF  }
0x101: {  	p5 =	sne.s32 s7, $0x1  }
.Ltmp16:
0x102: {  	_ = 	snop;
	(pc) =	sbr.rel @!p5 .LBB2_21-.Ltmp16, $3  }
0x103: {  	_ =	sdelay $0x1  }
0x104: {  	s17 =	simm.s32 $0x810;
	s20 =	sadd.s32 $0xFFFFFFFF, s7;
	[tilespmem:v9+s6+$0x0] =	vst.idx.msk vm0, v6  }
0x105: {  	p4 =	por $0x1, $0x1;
	s13 =	simm.s32 $0x0;
	s7 =	simm.s32 $0x0;
	v6 =	vld [tilespmem:s17+$0x0]  }
.LBB2_22:
0x106: {  	p5 =	sne.s32 s20, $0x1;
	_ =	sdelay $0x1  }
0x107: {  	s13 =	sadd.s32 $0x10, s13  }
0x108: {  	v9 =	vor.u32 s13, v4  }
0x109: {  	vm0 =	vlt.s32 v9, v5;
	vm1 =	vlt.s32 v6, v8  }
0x10a: {  	vm2 =	vge.s32 v6, v7;
	vm0 =	vmand vm0, vm1  }
0x10b: {  	vm0 =	vmand vm0, vm2  }
0x10c: {  	v9 =	vsel vm0, $0xFFFFFFFF, v3;
	v10 =	vsel vm0, $0x1, v3  }
0x10d: {  	(xrf0) =	vadd.scan.msk.s32 $0xffff, v10;
	s21 =	spop (v2sf)  }
0x10e: {  	s7 =	sadd.s32 s7, s21  }
0x10f: {  	v9 =	vadd.s32 s7, v9;
	_ =	sdelay $0x3  }
0x110: {  	v10, _, _ =	vpop (xrf0)  }
0x111: {  	v9 =	vadd.s32 v10, v9;
	(v2sf) =	vpush v10, $0xF;
	_ =	sdelay $0x1  }
.Ltmp17:
0x112: {  	(pc) =	sbr.rel @p5 .LBB2_22-.Ltmp17, $3  }
0x113: {  	_ =	sdelay $0x1  }
0x114: {  	s17 =	sadd.s32 $0x10, s17;
	[tilespmem:v9+s6+$0x0] =	vst.idx.msk vm0, v6  }
0x115: {  	s20 =	sadd.s32 $0xFFFFFFFF, s20;
	v6 =	vld [tilespmem:s17+$0x0]  }
.LBB2_23:
0x116: {  	_ = 	snop  }
0x117: {  	s13 =	sadd.s32 @p4 $0x10, s13;
	s17 =	simm.s32 $0x0  }
0x118: {  	s17 =	smov.u32 @p4 s13  }
0x119: {  	v9 =	vor.u32 s17, v4  }
0x11a: {  	vm0 =	vlt.s32 v9, v5;
	vm1 =	vlt.s32 v6, v8  }
0x11b: {  	vm2 =	vge.s32 v6, v7;
	vm0 =	vmand vm0, vm1  }
0x11c: {  	vm0 =	vmand vm0, vm2  }
0x11d: {  	v7 =	vsel vm0, $0x1, v3  }
0x11e: {  	(xrf0) =	vadd.scan.msk.s32 $0xffff, v7;
	_ =	sdelay $0x5  }
0x11f: {  	v7, _, _ =	vpop (xrf0)  }
0x120: {  	(v2sf) =	vpush v7, $0xF;
	_ =	sdelay $0x6  }
0x121: {  	s13 =	spop @p4 (v2sf)  }
0x122: {  	s7 =	sadd.s32 @p4 s7, s13  }
0x123: {  	v63 =	vsel vm0, $0xFFFFFFFF, v3;
	s3 =	smov.u32 @p4 s7  }
0x124: {  	v8 =	vadd.s32 s3, v63  }
0x125: {  	v7 =	vadd.s32 v7, v8;
	_ =	sdelay $0x3  }
0x126: {  	s22 =	spop (v2sf)  }
0x127: {  	[tilespmem:v7+s6+$0x0] =	vst.idx.msk vm0, v6;
	s20 =	sadd.s32 s3, s22  }
.LBB2_24:
0x128: {  	s3 =	sadd.s32 $0x3F, s20  }
0x129: {  	s7 =	sand.u32 $0x3F, s3  }
0x12a: {  	s13 =	sshra.s32 s3, $0x1F;
	p4 =	slt.s32 s3, $0x1;
	p5 =	sne.s32 s7, $0x0  }
0x12b: {  	s22 =	sshrl.u32 s13, $0x1A;
	p4 =	por !p4, !p5  }
0x12c: {  	s7 =	simm.s32 $0x1;
	s3 =	sadd.s32 s22, s3;
	p4 =	por !p4, !p4  }
0x12d: {  	s3 =	sshra.s32 s3, $0x6;
	s7 =	simm.s32 @!p4 $0x0  }
0x12e: {  	s13 =	ssub.s32 s3, s7  }
0x12f: {  	p4 =	slt.s32 s13, $0x1  }
.Ltmp18:
0x130: {  	_ = 	snop;
	(pc) =	sbr.rel @p4 .LBB2_34-.Ltmp18, $1  }
0x131: {  	_ =	sdelay $0x3  }
0x132: {  	s3 =	sadd.s32 $0xFFFFFFFF, s20  }
0x133: {  	p4 =	sgt.s32 s3, $0x0  }
0x134: {  	p5 =	slt.s32 s3, $0x1;
	s3 =	simm.s32 @!p4 $0x0  }
0x135: {  	s7 =	sand.u32 $0xF, s3  }
0x136: {  	p6 =	sne.s32 s7, $0x0  }
0x137: {  	p4 =	por !p5, !p6  }
0x138: {  	s17 =	simm.s32 $0xFFFFFFFF;
	p4 =	por !p4, !p4  }
0x139: {  	s17 =	simm.s32 @!p4 $0x0  }
0x13a: {  	s17 =	sshll.u32 s17, $0x4  }
0x13b: {  	s3 =	sadd.s32 s3, s17  }
0x13c: {  	s3 =	sand.u32 $0xFFFFFFF0, s3  }
0x13d: {  	v6 =	vld [tilespmem:s3+$0x4880];
	_ =	sdelay $0x2  }
0x13e: {  	v7 =	vmov s7  }
0x13f: {  	vm0 =	veq.s32 v7, v4  }
0x140: {  	v6 =	vnsel vm0, $0x0, v6  }
0x141: {  	(xrf0) =	vadd.scan.msk.s32 $0xffff, v6;
	_ =	sdelay $0x2  }
0x142: {  	s3 =	simm.s32 $0x48A0  }
0x143: {  	v8 =	vld [tilespmem:s3+$0xFFFFFFE0];
	_ =	sdelay $0x1  }
0x144: {  	s17 =	simm.s32 $0x0;
	v7, _, _ =	vpop (xrf0)  }
0x145: {  	v9 =	vor.u32 s17, v4;
	v6 =	vmov s20;
	v7 =	vbroadcast v7, $0xF  }
0x146: {  	s21 =	rddreg [dreg:$0x7];
	vm12 =	vlt.s32 v9, v6  }
0x147: {  	s22 =	rddreg [dreg:$0xe];
	s2 =	sadd.s32 s21, s2;
	v8 =	vsel vm12, v8, v7  }
0x148: {  	s2 =	ssub.s32 s22, s2;
	v9 =	vshra.s32 v8, $0xE;
	v10 =	vand.u32 $0x3FFF, v8  }
0x149: {  	v8 =	vmov s2;
	v11 =	vadd.s32 v1, v9;
	[tilespmem:$0xE900] =	vst v10  }
0x14a: {  	v9 =	vadd.s32 v8, v9;
	[tilespmem:$0xE980] =	vst v11  }
0x14b: {  	[tilespmem:$0xEA00] =	vst v9  }
0x14c: {  	v9 =	vld [tilespmem:s3+$0xFFFFFFF0];
	_ =	sdelay $0x1  }
0x14d: {  	s7 =	simm.s32 $0x10  }
0x14e: {  	v10 =	vor.u32 s7, v4  }
0x14f: {  	vm13 =	vlt.s32 v10, v6  }
0x150: {  	v9 =	vsel vm13, v9, v7  }
0x151: {  	v10 =	vshra.s32 v9, $0xE;
	v9 =	vand.u32 $0x3FFF, v9  }
0x152: {  	v11 =	vadd.s32 v1, v10;
	[tilespmem:$0xE910] =	vst v9  }
0x153: {  	v9 =	vadd.s32 v8, v10;
	[tilespmem:$0xE990] =	vst v11  }
0x154: {  	[tilespmem:$0xEA10] =	vst v9  }
0x155: {  	v9 =	vld [tilespmem:s3+$0x0];
	_ =	sdelay $0x1  }
0x156: {  	s21 =	simm.s32 $0x20  }
0x157: {  	v10 =	vor.u32 s21, v4  }
0x158: {  	vm14 =	vlt.s32 v10, v6  }
0x159: {  	v9 =	vsel vm14, v9, v7  }
0x15a: {  	v10 =	vshra.s32 v9, $0xE;
	v9 =	vand.u32 $0x3FFF, v9  }
0x15b: {  	v11 =	vadd.s32 v1, v10;
	[tilespmem:$0xE920] =	vst v9  }
0x15c: {  	v9 =	vadd.s32 v8, v10;
	[tilespmem:$0xE9A0] =	vst v11  }
0x15d: {  	[tilespmem:$0xEA20] =	vst v9  }
0x15e: {  	v9 =	vld [tilespmem:s3+$0x10];
	_ =	sdelay $0x1  }
0x15f: {  	s22 =	simm.s32 $0x30  }
0x160: {  	p4 =	sne.s32 s13, $0x1;
	v10 =	vor.u32 s22, v4  }
.Ltmp19:
0x161: {  	vm15 =	vlt.s32 v10, v6;
	(pc) =	sbr.rel @!p4 .LBB2_27-.Ltmp19, $4  }
0x162: {  	v9 =	vsel vm15, v9, v7  }
0x163: {  	v10 =	vshra.s32 v9, $0xE;
	v9 =	vand.u32 $0x3FFF, v9  }
0x164: {  	v11 =	vadd.s32 v1, v10;
	[tilespmem:$0xE930] =	vst v9  }
0x165: {  	s2 =	sadd.s32 $0xFFFFFFFF, s13;
	s7 =	simm.s32 $0x0;
	v9 =	vadd.s32 v8, v10;
	[tilespmem:$0xE9B0] =	vst v11  }
.LBB2_26:
0x166: {  	p4 =	sne.s32 s2, $0x1;
	[tilespmem:$0xEA30] =	vst v9;
	s7 =	sadd.s32 $0x40, s7;
	s3 =	sadd.s32 $0x40, s3  }
0x167: {  	[spmem:s8] =	stream.indirect.scatter [tilespmem:s14], [sflag:$0x5], $0x80, s12, s0, $0xb8;
	[tilespmem:$0x1FB00] =	vst v63  }
0x168: {  	s2 =	sadd.s32 $0xFFFFFFFF, s2;
	_ =	swait.ge [sflag:s30], $0x2000  }
0x169: {  	[sflag:s30] =	ssyncset.done $0x0  }
0x16a: {  	[sflag:s30] =	ssyncadd.s32 $0xFFFFE000  }
0x16b: {  	v9 =	vld [tilespmem:s3+$0xFFFFFFE0];
	_ =	sdelay $0x2  }
0x16c: {  	v10 =	vor.u32 s7, v4  }
0x16d: {  	vm0 =	vlt.s32 v10, v6  }
0x16e: {  	v9 =	vsel vm0, v9, v7  }
0x16f: {  	v10 =	vshra.s32 v9, $0xE;
	v9 =	vand.u32 $0x3FFF, v9  }
0x170: {  	v11 =	vadd.s32 v1, v10;
	[tilespmem:$0xE900] =	vst v9;
	v9 =	vadd.s32 v8, v10  }
0x171: {  	[tilespmem:$0xE980] =	vst v11  }
0x172: {  	[tilespmem:$0xEA00] =	vst v9  }
0x173: {  	v9 =	vld [tilespmem:s3+$0xFFFFFFF0]  }
0x174: {  	s21 =	sadd.s32 $0x10, s7  }
0x175: {  	v10 =	vor.u32 s21, v4  }
0x176: {  	vm0 =	vlt.s32 v10, v6;
	_ =	sdelay $0x1  }
0x177: {  	v9 =	vsel vm0, v9, v7  }
0x178: {  	v10 =	vshra.s32 v9, $0xE;
	v9 =	vand.u32 $0x3FFF, v9  }
0x179: {  	v11 =	vadd.s32 v1, v10;
	[tilespmem:$0xE910] =	vst v9;
	v9 =	vadd.s32 v8, v10  }
0x17a: {  	[tilespmem:$0xE990] =	vst v11  }
0x17b: {  	[tilespmem:$0xEA10] =	vst v9  }
0x17c: {  	s21 =	sadd.s32 $0x20, s7;
	v9 =	vld [tilespmem:s3+$0x0]  }
0x17d: {  	v10 =	vor.u32 s21, v4  }
0x17e: {  	vm0 =	vlt.s32 v10, v6;
	_ =	sdelay $0x2  }
0x17f: {  	v9 =	vsel vm0, v9, v7  }
0x180: {  	v10 =	vshra.s32 v9, $0xE;
	v9 =	vand.u32 $0x3FFF, v9  }
0x181: {  	v11 =	vadd.s32 v1, v10;
	[tilespmem:$0xE920] =	vst v9;
	v9 =	vadd.s32 v8, v10  }
0x182: {  	[tilespmem:$0xE9A0] =	vst v11  }
0x183: {  	s21 =	sadd.s32 $0x30, s7;
	[tilespmem:$0xEA20] =	vst v9  }
0x184: {  	v10 =	vor.u32 s21, v4;
	v9 =	vld [tilespmem:s3+$0x10]  }
0x185: {  	vm0 =	vlt.s32 v10, v6;
	_ =	sdelay $0x2  }
.Ltmp20:
0x186: {  	(pc) =	sbr.rel @p4 .LBB2_26-.Ltmp20, $4  }
0x187: {  	v9 =	vsel vm0, v9, v7  }
0x188: {  	v10 =	vshra.s32 v9, $0xE;
	v9 =	vand.u32 $0x3FFF, v9  }
0x189: {  	v11 =	vadd.s32 v1, v10;
	[tilespmem:$0xE930] =	vst v9;
	v9 =	vadd.s32 v8, v10  }
0x18a: {  	[tilespmem:$0xE9B0] =	vst v11  }
.LBB2_27:
0x18b: {  	[tilespmem:$0xEA30] =	vst v9  }
0x18c: {  	[spmem:s8] =	stream.indirect.scatter [tilespmem:s14], [sflag:$0x5], $0x80, s12, s0, $0xb8;
	[tilespmem:$0x1FB00] =	vst v63  }
0x18d: {  	_ =	swait.ge [sflag:s30], $0x2000  }
0x18e: {  	[sflag:s30] =	ssyncset.done $0x0  }
0x18f: {  	s2 =	simm.s32 $0x0;
	[sflag:s30] =	ssyncadd.s32 $0xFFFFE000  }
.LBB2_28:
0x190: {  	s3 =	sshll.u32 s2, $0x6  }
0x191: {  	v9 =	vld [tilespmem:s3+$0x4880];
	_ =	sdelay $0x2  }
0x192: {  	v10 =	vor.u32 s3, v4  }
0x193: {  	vm0 =	vlt.s32 v10, v6  }
0x194: {  	v9 =	vsel vm0, v9, v7  }
0x195: {  	v10 =	vshra.s32 v9, $0xE;
	v9 =	vand.u32 $0x3FFF, v9  }
0x196: {  	v11 =	vadd.s32 v1, v10;
	[tilespmem:$0xE900] =	vst v9  }
0x197: {  	v9 =	vadd.s32 v8, v10;
	[tilespmem:$0xE980] =	vst v11  }
0x198: {  	[tilespmem:$0xEA00] =	vst v9  }
0x199: {  	v9 =	vld [tilespmem:s3+$0x4890];
	_ =	sdelay $0x1  }
0x19a: {  	s7 =	sor.u32 $0x10, s3  }
0x19b: {  	v10 =	vor.u32 s7, v4  }
0x19c: {  	vm13 =	vlt.s32 v10, v6  }
0x19d: {  	v9 =	vsel vm13, v9, v7  }
0x19e: {  	v10 =	vshra.s32 v9, $0xE;
	v9 =	vand.u32 $0x3FFF, v9  }
0x19f: {  	v11 =	vadd.s32 v1, v10;
	[tilespmem:$0xE910] =	vst v9  }
0x1a0: {  	v9 =	vadd.s32 v8, v10;
	[tilespmem:$0xE990] =	vst v11  }
0x1a1: {  	[tilespmem:$0xEA10] =	vst v9  }
0x1a2: {  	v9 =	vld [tilespmem:s3+$0x48A0];
	_ =	sdelay $0x1  }
0x1a3: {  	s22 =	sor.u32 $0x20, s3  }
0x1a4: {  	v10 =	vor.u32 s22, v4  }
0x1a5: {  	vm14 =	vlt.s32 v10, v6  }
0x1a6: {  	v9 =	vsel vm14, v9, v7  }
0x1a7: {  	v10 =	vshra.s32 v9, $0xE;
	v9 =	vand.u32 $0x3FFF, v9  }
0x1a8: {  	v11 =	vadd.s32 v1, v10;
	[tilespmem:$0xE920] =	vst v9  }
0x1a9: {  	v9 =	vadd.s32 v8, v10;
	[tilespmem:$0xE9A0] =	vst v11  }
0x1aa: {  	[tilespmem:$0xEA20] =	vst v9  }
0x1ab: {  	v9 =	vld [tilespmem:s3+$0x48B0];
	_ =	sdelay $0x1  }
0x1ac: {  	s3 =	sor.u32 $0x30, s3  }
0x1ad: {  	v10 =	vor.u32 s3, v4  }
0x1ae: {  	vm15 =	vlt.s32 v10, v6  }
0x1af: {  	v9 =	vsel vm15, v9, v7  }
0x1b0: {  	v10 =	vshra.s32 v9, $0xE;
	v9 =	vand.u32 $0x3FFF, v9  }
0x1b1: {  	v11 =	vadd.s32 v1, v10;
	[tilespmem:$0xE930] =	vst v9  }
0x1b2: {  	v9 =	vadd.s32 v8, v10;
	[tilespmem:$0xE9B0] =	vst v11  }
0x1b3: {  	[tilespmem:$0xEA30] =	vst v9  }
0x1b4: {  	[tilespmem:s18], [sflag:$0x1] =	stream.indirect.gather [hbm4b:s1+s0], $0x80, s16, s0, $0xb8;
	[tilespmem:$0x1FB00] =	vst v63  }
0x1b5: {  	_ = 	snop  }
0x1b6: {  	[tilespmem:s15], [sflag:$0x2] =	stream.indirect.gather [hbm4b:s4+s0], $0x80, s19, s0, $0xb8;
	[tilespmem:$0x1FB00] =	vst v63  }
0x1b7: {  	_ =	swait.ge [sflag:s11], $0x2000  }
0x1b8: {  	[sflag:s11] =	ssyncset.done $0x0  }
0x1b9: {  	[sflag:s11] =	ssyncadd.s32 $0xFFFFE000  }
0x1ba: {  	_ =	swait.ge [sflag:s28], $0x2000  }
0x1bb: {  	[sflag:s28] =	ssyncset.done $0x0  }
0x1bc: {  	s3 =	simm.s32 $0x0;
	[sflag:s28] =	ssyncadd.s32 $0xFFFFE000  }
0x1bd: {  	v9 =	vld [tilespmem:s3+$0x8900]  }
0x1be: {  	v10 =	vld [tilespmem:s3+$0xA900]  }
0x1bf: {  	v11 =	vld [tilespmem:s3+$0x8910]  }
0x1c0: {  	v12 =	vld [tilespmem:s3+$0xA910]  }
0x1c1: {  	v13 =	vld [tilespmem:s3+$0x8920]  }
0x1c2: {  	v14 =	vld [tilespmem:s3+$0xA920]  }
0x1c3: {  	v15 =	vld [tilespmem:s3+$0x8930];
	v9 =	vsub.f32 v9, v10  }
0x1c4: {  	p4 =	slt.s32 s17, s20;
	v16 =	vld [tilespmem:s3+$0xA930]  }
0x1c5: {  	v19 =	vld [tilespmem:s3+$0x8940];
	v11 =	vsub.f32 v11, v12;
	v10 =	vpsel !p4, $0x0, v9  }
0x1c6: {  	v20 =	vld [tilespmem:s3+$0xA940];
	v12 =	vmul.f32 $5.000000070e-02, v10;
	v10 =	vmul.f32 v10, v10  }
0x1c7: {  	v17 =	vimm.f32 $0.0e+00;
	v13 =	vsub.f32 v13, v14;
	v9 =	vld [tilespmem:s3+$0x8950];
	v11 =	vpsel !p4, $0x0, v11  }
0x1c8: {  	v18 =	vmul.f32 $5.000000070e-02, v11;
	v11 =	vmul.f32 v11, v11;
	[tilespmem:s3+$0x8900] =	vst v12;
	v12 =	vld [tilespmem:s3+$0xA950];
	v17 =	vadd.f32 v10, v17  }
0x1c9: {  	v15 =	vsub.f32 v15, v16;
	v14 =	vpsel !p4, $0x0, v13;
	v13 =	vld [tilespmem:s3+$0xA960]  }
0x1ca: {  	v10 =	vld [tilespmem:s3+$0x8960];
	v16 =	vadd.f32 v11, v17;
	v17 =	vmul.f32 v14, v14  }
0x1cb: {  	s21 =	smov.u32 s17;
	s7 =	simm.s32 $0x200;
	[tilespmem:s3+$0x8910] =	vst v18;
	v18 =	vpsel !p4, $0x0, v15;
	v15 =	vsub.f32 v19, v20;
	v11 =	vld [tilespmem:s3+$0x8970]  }
.LBB2_29:
0x1cc: {  	s22 =	sshra.s32 s7, $0x2;
	p5 =	sne.s32 s7, $0x7E00;
	s7 =	sadd.s32 $0x200, s7;
	v16 =	vadd.f32 v17, v16;
	v17 =	vmul.f32 $5.000000070e-02, v18;
	v18 =	vmul.f32 v18, v18;
	v19 =	vld [tilespmem:s3+$0xA970]  }
0x1cd: {  	v14 =	vmul.f32 $5.000000070e-02, v14;
	v20 =	vld [tilespmem:s22+$0x8900];
	v15 =	vpsel !p4, $0x0, v15;
	v9 =	vsub.f32 v9, v12  }
0x1ce: {  	v12 =	vld [tilespmem:s22+$0xA900];
	[tilespmem:s3+$0x8930] =	vst v17;
	v16 =	vadd.f32 v18, v16;
	v17 =	vmul.f32 $5.000000070e-02, v15;
	v15 =	vmul.f32 v15, v15  }
0x1cf: {  	v18 =	vld [tilespmem:s22+$0x8910];
	v9 =	vpsel !p4, $0x0, v9;
	v10 =	vsub.f32 v10, v13  }
0x1d0: {  	v13 =	vld [tilespmem:s22+$0xA910];
	[tilespmem:s3+$0x8920] =	vst v14;
	v14 =	vadd.f32 v15, v16;
	v15 =	vmul.f32 $5.000000070e-02, v9;
	v9 =	vmul.f32 v9, v9  }
0x1d1: {  	v16 =	vld [tilespmem:s22+$0x8920];
	[tilespmem:s3+$0x8940] =	vst v17;
	v10 =	vpsel !p4, $0x0, v10;
	v11 =	vsub.f32 v11, v19  }
0x1d2: {  	v17 =	vld [tilespmem:s22+$0xA920];
	[tilespmem:s3+$0x8950] =	vst v15;
	v9 =	vadd.f32 v9, v14;
	v14 =	vmul.f32 $5.000000070e-02, v10;
	v10 =	vmul.f32 v10, v10  }
0x1d3: {  	s21 =	sadd.s32 $0x1, s21;
	v12 =	vsub.f32 v20, v12;
	v15 =	vld [tilespmem:s22+$0x8930];
	v11 =	vpsel !p4, $0x0, v11  }
0x1d4: {  	p4 =	slt.s32 s21, s20;
	v19 =	vld [tilespmem:s22+$0xA930];
	[tilespmem:s3+$0x8960] =	vst v14;
	v9 =	vadd.f32 v10, v9;
	v10 =	vmul.f32 $5.000000070e-02, v11;
	v11 =	vmul.f32 v11, v11  }
0x1d5: {  	v12 =	vpsel !p4, $0x0, v12;
	v13 =	vsub.f32 v18, v13;
	v20 =	vld [tilespmem:s22+$0x8940]  }
0x1d6: {  	v14 =	vmul.f32 $5.000000070e-02, v12;
	v12 =	vmul.f32 v12, v12;
	v21 =	vld [tilespmem:s22+$0xA940];
	[tilespmem:s3+$0x8970] =	vst v10;
	v10 =	vadd.f32 v11, v9;
	s3 =	smov.u32 s22  }
.Ltmp21:
0x1d7: {  	v11 =	vpsel !p4, $0x0, v13;
	v13 =	vsub.f32 v16, v17;
	v9 =	vld [tilespmem:s3+$0x8950];
	(pc) =	sbr.rel @p5 .LBB2_29-.Ltmp21, $4  }
0x1d8: {  	[tilespmem:s3+$0x8900] =	vst v14;
	v16 =	vadd.f32 v12, v10;
	v17 =	vmul.f32 $5.000000070e-02, v11;
	v11 =	vmul.f32 v11, v11;
	v12 =	vld [tilespmem:s3+$0xA950]  }
0x1d9: {  	v14 =	vpsel !p4, $0x0, v13;
	v15 =	vsub.f32 v15, v19;
	v10 =	vld [tilespmem:s3+$0x8960]  }
0x1da: {  	[tilespmem:s3+$0x8910] =	vst v17;
	v16 =	vadd.f32 v11, v16;
	v17 =	vmul.f32 v14, v14;
	v13 =	vld [tilespmem:s3+$0xA960]  }
0x1db: {  	v18 =	vpsel !p4, $0x0, v15;
	v15 =	vsub.f32 v20, v21;
	v11 =	vld [tilespmem:s3+$0x8970]  }
0x1dc: {  	v19 =	vld [tilespmem:s3+$0xA970];
	_ =	sdelay $0x1  }
0x1dd: {  	v16 =	vadd.f32 v17, v16;
	v55 =	vmul.f32 v18, v18  }
0x1de: {  	v56 =	vmul.f32 $5.000000070e-02, v18;
	v14 =	vmul.f32 $5.000000070e-02, v14;
	v9 =	vsub.f32 v9, v12  }
0x1df: {  	v57 =	vpsel !p4, $0x0, v15;
	v58 =	vadd.f32 v55, v16;
	v10 =	vsub.f32 v10, v13  }
0x1e0: {  	[tilespmem:s3+$0x8930] =	vst v56;
	v59 =	vmul.f32 $5.000000070e-02, v57;
	v9 =	vpsel !p4, $0x0, v9;
	v11 =	vsub.f32 v11, v19  }
0x1e1: {  	v12 =	vmul.f32 v57, v57;
	[tilespmem:s3+$0x8920] =	vst v14;
	v60 =	vmul.f32 $5.000000070e-02, v9;
	v10 =	vpsel !p4, $0x0, v10  }
0x1e2: {  	[tilespmem:s3+$0x8940] =	vst v59;
	v61 =	vmul.f32 $5.000000070e-02, v10;
	v11 =	vpsel !p4, $0x0, v11  }
0x1e3: {  	v12 =	vadd.f32 v12, v58;
	v9 =	vmul.f32 v9, v9;
	[tilespmem:s3+$0x8950] =	vst v60;
	v62 =	vmul.f32 $5.000000070e-02, v11  }
0x1e4: {  	[tilespmem:s3+$0x8960] =	vst v61  }
0x1e5: {  	v9 =	vadd.f32 v9, v12;
	v10 =	vmul.f32 v10, v10;
	[tilespmem:s3+$0x8970] =	vst v62  }
0x1e6: {  	v63 =	vld [tilespmem:$0xEA80]  }
0x1e7: {  	v9 =	vadd.f32 v10, v9;
	v10 =	vmul.f32 v11, v11;
	_ =	sdelay $0x1  }
0x1e8: {  	v9 =	vadd.f32 v10, v9;
	_ =	sdelay $0x1  }
0x1e9: {  	s2 =	sadd.s32 $0x1, s2;
	v9 =	vadd.f32 v63, v9  }
0x1ea: {  	p4 =	sne.s32 s2, s13  }
.Ltmp22:
0x1eb: {  	[tilespmem:$0xEA80] =	vst v9;
	(pc) =	sbr.rel @p4 .LBB2_28-.Ltmp22, $4  }
0x1ec: {  	[spmem:s8] =	stream.indirect.scatter.add.f32 [tilespmem:s18], [sflag:$0x5], $0x80, s12, s0, $0xb8;
	[tilespmem:$0x1FB00] =	vst v63  }
0x1ed: {  	_ =	swait.ge [sflag:s30], $0x2000  }
0x1ee: {  	[sflag:s30] =	ssyncset.done $0x0  }
0x1ef: {  	s17 =	sadd.s32 $0x40, s17;
	s3 =	simm.s32 $0x0;
	[sflag:s30] =	ssyncadd.s32 $0xFFFFE000  }
.LBB2_31:
0x1f0: {  	s2 =	sshll.u32 s3, $0x6  }
0x1f1: {  	v9 =	vld [tilespmem:s2+$0x4880];
	_ =	sdelay $0x2  }
0x1f2: {  	v10 =	vor.u32 s2, v4  }
0x1f3: {  	vm0 =	vlt.s32 v10, v6  }
0x1f4: {  	v9 =	vsel vm0, v9, v7  }
0x1f5: {  	v10 =	vshra.s32 v9, $0xE;
	v9 =	vand.u32 $0x3FFF, v9  }
0x1f6: {  	v11 =	vadd.s32 v1, v10;
	[tilespmem:$0xE900] =	vst v9  }
0x1f7: {  	v9 =	vadd.s32 v8, v10;
	[tilespmem:$0xE980] =	vst v11  }
0x1f8: {  	[tilespmem:$0xEA00] =	vst v9  }
0x1f9: {  	v9 =	vld [tilespmem:s2+$0x4890];
	_ =	sdelay $0x1  }
0x1fa: {  	s7 =	sor.u32 $0x10, s2  }
0x1fb: {  	v10 =	vor.u32 s7, v4  }
0x1fc: {  	vm13 =	vlt.s32 v10, v6  }
0x1fd: {  	v9 =	vsel vm13, v9, v7  }
0x1fe: {  	v10 =	vshra.s32 v9, $0xE;
	v9 =	vand.u32 $0x3FFF, v9  }
0x1ff: {  	v11 =	vadd.s32 v1, v10;
	[tilespmem:$0xE910] =	vst v9  }
0x200: {  	v9 =	vadd.s32 v8, v10;
	[tilespmem:$0xE990] =	vst v11  }
0x201: {  	[tilespmem:$0xEA10] =	vst v9  }
0x202: {  	v9 =	vld [tilespmem:s2+$0x48A0];
	_ =	sdelay $0x1  }
0x203: {  	s22 =	sor.u32 $0x20, s2  }
0x204: {  	v10 =	vor.u32 s22, v4  }
0x205: {  	vm14 =	vlt.s32 v10, v6  }
0x206: {  	v9 =	vsel vm14, v9, v7  }
0x207: {  	v10 =	vshra.s32 v9, $0xE;
	v9 =	vand.u32 $0x3FFF, v9  }
0x208: {  	v11 =	vadd.s32 v1, v10;
	[tilespmem:$0xE920] =	vst v9  }
0x209: {  	v9 =	vadd.s32 v8, v10;
	[tilespmem:$0xE9A0] =	vst v11  }
0x20a: {  	[tilespmem:$0xEA20] =	vst v9  }
0x20b: {  	v9 =	vld [tilespmem:s2+$0x48B0];
	_ =	sdelay $0x1  }
0x20c: {  	s2 =	sor.u32 $0x30, s2  }
0x20d: {  	v10 =	vor.u32 s2, v4  }
0x20e: {  	vm15 =	vlt.s32 v10, v6  }
0x20f: {  	v9 =	vsel vm15, v9, v7  }
0x210: {  	v10 =	vshra.s32 v9, $0xE;
	v9 =	vand.u32 $0x3FFF, v9  }
0x211: {  	v11 =	vadd.s32 v1, v10;
	[tilespmem:$0xE930] =	vst v9  }
0x212: {  	v9 =	vadd.s32 v8, v10;
	[tilespmem:$0xE9B0] =	vst v11  }
0x213: {  	[tilespmem:$0xEA30] =	vst v9  }
0x214: {  	[tilespmem:s15], [sflag:$0x1] =	stream.indirect.gather [hbm4b:s4+s0], $0x80, s19, s0, $0xb8;
	[tilespmem:$0x1FB00] =	vst v63  }
0x215: {  	_ = 	snop  }
0x216: {  	[tilespmem:s18], [sflag:$0x2] =	stream.indirect.gather [spmem:s8], $0x80, s12, s0, $0xb8;
	[tilespmem:$0x1FB00] =	vst v63  }
0x217: {  	_ =	swait.ge [sflag:s11], $0x2000  }
0x218: {  	[sflag:s11] =	ssyncset.done $0x0  }
0x219: {  	[sflag:s11] =	ssyncadd.s32 $0xFFFFE000  }
0x21a: {  	_ =	swait.ge [sflag:s28], $0x2000  }
0x21b: {  	[sflag:s28] =	ssyncset.done $0x0  }
0x21c: {  	s2 =	simm.s32 $0x0;
	[sflag:s28] =	ssyncadd.s32 $0xFFFFE000  }
0x21d: {  	v16 =	vld [tilespmem:s2+$0x8900]  }
0x21e: {  	v20 =	vld [tilespmem:s2+$0x8910]  }
0x21f: {  	v14 =	vld [tilespmem:s2+$0x8920]  }
0x220: {  	v13 =	vld [tilespmem:s2+$0x8930]  }
0x221: {  	v12 =	vld [tilespmem:s2+$0x8940]  }
0x222: {  	v11 =	vld [tilespmem:s2+$0x8950]  }
0x223: {  	v10 =	vld [tilespmem:s2+$0x8960]  }
0x224: {  	v9 =	vld [tilespmem:s2+$0x8970]  }
0x225: {  	v21 =	vld [tilespmem:s2+$0xA900]  }
0x226: {  	v22 =	vld [tilespmem:s2+$0xA910]  }
0x227: {  	v19 =	vld [tilespmem:s2+$0xA920]  }
0x228: {  	v18 =	vld [tilespmem:s2+$0xA930]  }
0x229: {  	v17 =	vld [tilespmem:s2+$0xA940]  }
0x22a: {  	v15 =	vld [tilespmem:s2+$0xA950];
	v21 =	vadd.f32 v16, v21  }
0x22b: {  	s7 =	simm.s32 $0x200;
	v20 =	vadd.f32 v20, v22;
	v16 =	vld [tilespmem:s2+$0xA960]  }
.LBB2_32:
0x22c: {  	s17 =	sshra.s32 s7, $0x2;
	p4 =	sne.s32 s7, $0x7E00;
	[tilespmem:s2+$0xA900] =	vst v21;
	v14 =	vadd.f32 v14, v19;
	v19 =	vld [tilespmem:s2+$0xA970]  }
0x22d: {  	v21 =	vld [tilespmem:s17+$0x8900];
	[tilespmem:s2+$0xA910] =	vst v20;
	v13 =	vadd.f32 v13, v18  }
0x22e: {  	v20 =	vld [tilespmem:s17+$0x8910];
	[tilespmem:s2+$0xA920] =	vst v14;
	v12 =	vadd.f32 v12, v17  }
0x22f: {  	v14 =	vld [tilespmem:s17+$0x8920];
	[tilespmem:s2+$0xA930] =	vst v13;
	v11 =	vadd.f32 v11, v15  }
0x230: {  	v13 =	vld [tilespmem:s17+$0x8930];
	[tilespmem:s2+$0xA940] =	vst v12;
	v10 =	vadd.f32 v10, v16  }
0x231: {  	v12 =	vld [tilespmem:s17+$0x8940];
	[tilespmem:s2+$0xA950] =	vst v11;
	v9 =	vadd.f32 v9, v19  }
0x232: {  	v11 =	vld [tilespmem:s17+$0x8950];
	[tilespmem:s2+$0xA960] =	vst v10  }
0x233: {  	v10 =	vld [tilespmem:s17+$0x8960];
	[tilespmem:s2+$0xA970] =	vst v9;
	s2 =	smov.u32 s17  }
0x234: {  	v9 =	vld [tilespmem:s2+$0x8970]  }
0x235: {  	v15 =	vld [tilespmem:s2+$0xA900]  }
0x236: {  	v16 =	vld [tilespmem:s2+$0xA910]  }
.Ltmp23:
0x237: {  	v19 =	vld [tilespmem:s2+$0xA920];
	(pc) =	sbr.rel @p4 .LBB2_32-.Ltmp23, $4  }
0x238: {  	v18 =	vld [tilespmem:s2+$0xA930]  }
0x239: {  	v17 =	vld [tilespmem:s2+$0xA940]  }
0x23a: {  	v21 =	vadd.f32 v21, v15;
	v15 =	vld [tilespmem:s2+$0xA950]  }
0x23b: {  	s7 =	sadd.s32 $0x200, s7;
	v20 =	vadd.f32 v20, v16;
	v16 =	vld [tilespmem:s2+$0xA960]  }
0x23c: {  	[tilespmem:s2+$0xA900] =	vst v21;
	v14 =	vadd.f32 v14, v19;
	v63 =	vld [tilespmem:s2+$0xA970]  }
0x23d: {  	[tilespmem:s2+$0xA910] =	vst v20;
	v13 =	vadd.f32 v13, v18  }
0x23e: {  	[tilespmem:s2+$0xA920] =	vst v14;
	v12 =	vadd.f32 v12, v17  }
0x23f: {  	[tilespmem:s2+$0xA930] =	vst v13;
	v11 =	vadd.f32 v11, v15  }
0x240: {  	[tilespmem:s2+$0xA940] =	vst v12;
	v10 =	vadd.f32 v10, v16  }
0x241: {  	[tilespmem:s2+$0xA950] =	vst v11;
	v9 =	vadd.f32 v9, v63  }
0x242: {  	s3 =	sadd.s32 $0x1, s3;
	[tilespmem:s2+$0xA960] =	vst v10  }
0x243: {  	p4 =	sne.s32 s3, s13;
	[tilespmem:s2+$0xA970] =	vst v9  }
0x244: {  	[hbm4b:s5+s0] =	stream.indirect.scatter [tilespmem:s15], [sflag:$0x5], $0x80, s19, s0, $0xb8;
	[tilespmem:$0x1FB00] =	vst v63  }
.Ltmp24:
0x245: {  	_ = 	snop;
	(pc) =	sbr.rel @p4 .LBB2_31-.Ltmp24, $4  }
.Ltmp25:
0x246: {  	_ = 	snop;
	(pc) =	sbr.rel @!p4 .LBB2_34-.Ltmp25, $4  }
0x247: {  	_ =	swait.ge [sflag:s30], $0x2000  }
0x248: {  	[sflag:s30] =	ssyncset.done $0x0  }
0x249: {  	[sflag:s30] =	ssyncadd.s32 $0xFFFFE000  }
0x24a: {  	_ = 	snop  }
.LBB2_15:
.Ltmp26:
0x24b: {  	(pc) =	sbr.rel .LBB2_23-.Ltmp26, $2  }
0x24c: {  	_ =	sdelay $0x2  }
0x24d: {  	s13 =	simm.s32 $0x0;
	s7 =	simm.s32 $0x0  }
.LBB2_21:
.Ltmp27:
0x24e: {  	(pc) =	sbr.rel .LBB2_23-.Ltmp27, $2  }
0x24f: {  	_ =	sdelay $0x2  }
0x250: {  	s13 =	simm.s32 $0x0;
	s7 =	simm.s32 $0x0  }
.LBB2_36:
0x251: {  	_ =	sfence.sel $0x180000  }
0x252: {  	[bflag:$0x0] =	sbarrier.arrive $0xFFFF  }
0x253: {  	_ =	strace $0x90000047  }
0x254: {  	s0 =	stileid.u32;
	[bflag:$0x2] =	sbarrier.arrive $0xFFFF  }
0x255: {  	p0 =	sne.s32 s0, $0x0;
	s0 =	rddreg [dreg:$0x6]  }
0x256: {  	s0 =	sadd.s32 @!p0 $0x100000, s0  }
0x257: {  	[sflag:s0] =	ssyncadd.tile.s32 @!p0 $0x1;
	_ =	shalt  }
.Lfunc_end2:
_tile_overlayer_lowered:
.L_overlay_start_2:
0x258: {  	(tag) =	ssettag $0x2  }
0x259: {  	s0 =	rddreg [dreg:$0x0];
	s2 =	stileid.u32  }
0x25a: {  	s1 =	rddreg [dreg:$0x1];
	p0 =	sne.s32 s2, $0x0  }
0x25b: {  	s3 =	rddreg [dreg:$0x2];
	[bflag:$0x3] =	sbarrier.arrive $0xFFFF;
	s2 =	simm.s32 @!p0 $0x1C05  }
0x25c: {  	[timem:s3], [sflag:s2] =	dma.local @!p0 [hbm:s0], s1  }
0x25d: {  	s0 =	simm.s32 @!p0 $0x5  }
0x25e: {  	_ =	swait.ge @!p0 [sflag:s0], s1  }
0x25f: {  	s1 =	ssub.s32 @!p0 $0x0, s1;
	[sflag:s0] =	ssyncset.done @!p0 $0x0  }
0x260: {  	[sflag:s0] =	ssyncadd.s32 @!p0 s1  }
0x261: {  	[bflag:$0x3] =	sbarrier.arrive $0xFFFF  }
0x262: {  	_ =	shalt  }

</sc_bundles>
